<compile_context>
chip_gen: v7x
topology: tpu7x:2x2x1
jax: 0.10.2.dev20260603
libtpu: 0.0.44.dev20260713+nightly
codegen_flags: <defaults>
</compile_context>

<pallas_src>
import functools

import jax
import jax.numpy as jnp
import numpy as np
from jax import lax
from jax.experimental import pallas as pl
from jax.experimental.pallas import tpu as pltpu
from jax.experimental.pallas import tpu_sc as plsc

B = 1024
S = 200
TOK = 64
EMB = 64
MAX_TIME = 30.0

NUM_CORES = 2
NUM_SUBCORES = 16
NW = NUM_CORES * NUM_SUBCORES
BPW = B // NW

OUT_S = 2 * S - 1
HS = S // 2
NHALF = 500000


def _pos_encodings_np():
    pos = np.arange(OUT_S, dtype=np.float32)
    freqs = np.arange(0, EMB, 2, dtype=np.float32)
    inv = 1.0 / (MAX_TIME ** (freqs / EMB))
    pe = pos[:, None] * inv[None, :]
    return np.concatenate([np.sin(pe), np.cos(pe)], axis=-1).astype(np.float32)




TMAJ = 112


def _sc_body(labels_hbm, pairs_hbm, out_hbm, lab_v, hidx0, hidx1, g0, g1,
             pk_v, oidx_v, gsem0, gsem1):
    wid = lax.axis_index("s") * NUM_CORES + lax.axis_index("c")
    lanes = lax.iota(jnp.int32, 16)

    pltpu.sync_copy(labels_hbm.at[pl.ds(wid * BPW, BPW)],
                    lab_v.at[:, pl.ds(0, S)])

    hidx = (hidx0, hidx1)
    gbuf = (g0, g1)
    gsem = (gsem0, gsem1)

    def transform_and_issue(k, bb):
        for c in range(13):
            sl = pl.ds(c * 16, 16)
            lbl = lab_v[k, sl]
            ge = jnp.int32(1) + ((lbl - jnp.int32(NHALF)) >> 31)
            hidx[bb][sl] = lbl - ge * jnp.int32(NHALF)
        ga = pltpu.async_copy(pairs_hbm.at[hidx[bb].at[pl.ds(0, 128)]],
                              gbuf[bb].at[pl.ds(0, 128)], gsem[bb])
        gb = pltpu.async_copy(pairs_hbm.at[hidx[bb].at[pl.ds(128, S - 128)]],
                              gbuf[bb].at[pl.ds(128, S - 128)], gsem[bb])
        return ga, gb

    def compact(k, bb):
        g_v = gbuf[bb]

        def per_t(t, c):
            chunk = lab_v[k, pl.ds((t // 8) * 16, 16)]
            for half in range(2):
                s = 2 * t + half
                lane = jnp.broadcast_to(s % 16, (16,)).astype(jnp.int32)
                lbl = lax.gather(
                    chunk, lane[:, None],
                    dimension_numbers=lax.GatherDimensionNumbers(
                        offset_dims=(), collapsed_slice_dims=(0,),
                        start_index_map=(0,)),
                    slice_sizes=(1,),
                    mode=lax.GatherScatterMode.PROMISE_IN_BOUNDS)
                qf = (jnp.int32(1)
                      + ((lbl - jnp.int32(NHALF)) >> 31)).astype(jnp.float32)
                pf = 1.0 - qf
                for j in range(EMB // 16):
                    lo = g_v[s, pl.ds(j * 16, 16)]
                    hi = g_v[s, pl.ds(EMB + j * 16, 16)]
                    pk_v[t, pl.ds(half * EMB + j * 16, 16)] = lo * pf + hi * qf
            return c

        lax.fori_loop(0, HS, per_t, 0, unroll=2)

    def wait_g(bb):
        pltpu.make_async_copy(pairs_hbm.at[hidx[bb].at[pl.ds(0, 128)]],
                              gbuf[bb].at[pl.ds(0, 128)], gsem[bb]).wait()
        pltpu.make_async_copy(pairs_hbm.at[hidx[bb].at[pl.ds(128, S - 128)]],
                              gbuf[bb].at[pl.ds(128, S - 128)],
                              gsem[bb]).wait()

    def emit(k, bb):
        compact(k, bb)
        bidx = wid * BPW + k
        for c in range(TMAJ // 16):
            oidx_v[pl.ds(c * 16, 16)] = bidx + B * (c * 16 + lanes)
        pltpu.sync_copy(pk_v, out_hbm.at[oidx_v])

    transform_and_issue(0, 0)

    def macro(m, carry):
        wait_g(0)
        transform_and_issue(2 * m + 1, 1)
        emit(2 * m, 0)
        wait_g(1)

        @pl.when(m < BPW // 2 - 1)
        def _():
            transform_and_issue(2 * m + 2, 0)

        emit(2 * m + 1, 1)
        return carry

    lax.fori_loop(0, BPW // 2, macro, 0)


def _sc_gather(labels, pairs):
    fn = pl.kernel(
        _sc_body,
        out_type=jax.ShapeDtypeStruct((TMAJ * B, 128), jnp.float32),
        mesh=plsc.VectorSubcoreMesh(core_axis_name="c", subcore_axis_name="s",
                                    num_cores=NUM_CORES,
                                    num_subcores=NUM_SUBCORES),
        scratch_types=[
            pltpu.VMEM((BPW, 208), jnp.int32),
            pltpu.VMEM((208,), jnp.int32),
            pltpu.VMEM((208,), jnp.int32),
            pltpu.VMEM((S, 128), jnp.float32),
            pltpu.VMEM((S, 128), jnp.float32),
            pltpu.VMEM((TMAJ, 128), jnp.float32),
            pltpu.VMEM((TMAJ,), jnp.int32),
            pltpu.SemaphoreType.DMA,
            pltpu.SemaphoreType.DMA,
        ],
        compiler_params=pltpu.CompilerParams(use_tc_tiling_on_sc=False),
    )
    return fn(labels, pairs)



_CP = 2048


def _pairs_body(lo_ref, hi_ref, out_ref):
    lo = jnp.transpose(lo_ref[...], (1, 0))
    hi = jnp.transpose(hi_ref[...], (1, 0))
    out_ref[...] = jnp.concatenate([lo, hi], axis=1)


def _tc_pairs(embs_t):
    n = embs_t.shape[1]
    half_blocks = (n // 2) // _CP
    return pl.pallas_call(
        _pairs_body,
        grid=(half_blocks,),
        in_specs=[
            pl.BlockSpec((EMB, _CP), lambda i: (0, i)),
            pl.BlockSpec((EMB, _CP), lambda i: (0, i + half_blocks)),
        ],
        out_specs=pl.BlockSpec((_CP, 2 * EMB), lambda i: (i, 0)),
        out_shape=jax.ShapeDtypeStruct((n // 2, 2 * EMB), jnp.float32),
    )(embs_t, embs_t)




def _tc_body(ex_ref, lab_ref, w_ref, b_ref, pe_ref, out_ref):
    ii = lax.broadcasted_iota(jnp.int32, (EMB, EMB), 0)
    jj = lax.broadcasted_iota(jnp.int32, (EMB, EMB), 1)
    eye = (ii == jj).astype(jnp.float32)
    w = w_ref[...]
    bvec = b_ref[...]
    x = ex_ref[...]
    labs = lab_ref[...][0]

    for half in range(2):
        h = lax.dot_general(w, x[half], (((1,), (0,)), ((), ())),
                            preferred_element_type=jnp.float32)
        out_ref[2 * half] = h + bvec + pe_ref[2 * half]
        l_bm = labs[:, half * EMB:(half + 1) * EMB]
        lt = lax.dot_general(eye, l_bm, (((1,), (1,)), ((), ())),
                             preferred_element_type=jnp.float32)
        out_ref[2 * half + 1] = lt + pe_ref[2 * half + 1]


def _tc_assemble(examples_t, h_lab, W, b2d, pe_t):
    return pl.pallas_call(
        _tc_body,
        grid=(HS,),
        in_specs=[
            pl.BlockSpec((2, TOK, B), lambda t: (t, 0, 0)),
            pl.BlockSpec((1, B, 128), lambda t: (t, 0, 0)),
            pl.BlockSpec((EMB, TOK), lambda t: (0, 0)),
            pl.BlockSpec((EMB, 1), lambda t: (0, 0)),
            pl.BlockSpec((4, EMB, 1), lambda t: (t, 0, 0)),
        ],
        out_specs=pl.BlockSpec((4, EMB, B), lambda t: (t, 0, 0)),
        out_shape=jax.ShapeDtypeStruct((OUT_S, EMB, B), jnp.float32),
    )(examples_t, h_lab, W, b2d, pe_t)


def kernel(examples, labels, W, b, embs):
    pe = _pos_encodings_np()
    pe_t = np.zeros((4 * HS, EMB, 1), dtype=np.float32)
    pe_t[:OUT_S, :, 0] = pe
    pairs = _tc_pairs(jnp.transpose(embs))
    h_lab = jnp.reshape(_sc_gather(labels, pairs), (TMAJ, B, 128))
    examples_t = jnp.transpose(examples, (1, 2, 0))
    out_t = _tc_assemble(examples_t, h_lab, W, b.reshape(EMB, 1),
                         jnp.asarray(pe_t))
    return jnp.transpose(out_t, (2, 0, 1))

# --- scband reference (transcript-rebuilt; emitter-appended) ---
"""Pipeline reference for scband-input-embedder-59047210385796 (READ-ONLY COPY).

The authoritative reference and input builder live on the scoring server;
editing this copy changes nothing except your own understanding.
"""

import jax, jax.numpy as jnp
import numpy as np

B = 1024
S = 200
TOK = 64
EMB = 64
NUM_CLASSES = 1000000
MAX_TIME = 30.0


def setup_inputs(seed: int = 0) -> dict:
    key = jax.random.key(seed)
    k1, k2, k3, k4 = jax.random.split(key, 4)
    examples = jax.random.normal(k1, (B, S, TOK), dtype=jnp.float32)
    labels = jax.random.randint(k2, (B, S), 0, NUM_CLASSES, dtype=jnp.int32)
    # Linear layer params (example_encoding='linear'): W [emb, token], b [emb]
    W = jax.random.normal(k3, (EMB, TOK), dtype=jnp.float32) * 0.02
    b = jnp.zeros((EMB,), dtype=jnp.float32)
    # Label embedding table
    embs = jax.random.normal(k4, (NUM_CLASSES, EMB), dtype=jnp.float32) * 0.02
    return {"examples": examples, "labels": labels, "W": W, "b": b, "embs": embs}


def _positional_encodings(seq_len, emb_size):
    pos = jnp.arange(seq_len, dtype=jnp.float32)
    freqs = jnp.arange(0, emb_size, 2, dtype=jnp.float32)
    inverse_freqs = 1.0 / (MAX_TIME ** (freqs / emb_size))
    pos_emb = pos[:, None] * inverse_freqs[None, :]
    return jnp.concatenate([jnp.sin(pos_emb), jnp.cos(pos_emb)], axis=-1)


def reference(examples, labels, W, b, embs):
    # Linear example encoding
    h_example = jnp.einsum('bst,et->bse', examples, W) + b
    # Label embedding lookup (gather)
    h_label = jnp.take(embs, labels, axis=0)
    # Interleave examples and labels: [B, 2S-1, E]
    hh = jnp.zeros((B, 2 * S - 1, EMB), dtype=h_example.dtype)
    hh = hh.at[:, 0::2, :].set(h_example)
    hh = hh.at[:, 1::2, :].set(h_label[:, :-1, :])
    # Positional encodings (dropout prob = 0 -> identity)
    pe = _positional_encodings(2 * S - 1, EMB)
    hh = hh + pe[None, :, :]
    return hh

if __name__ == "__main__":
    import jax
    _d = setup_inputs()
    print(jax.jit(kernel)(*tuple(_d.values())))

</pallas_src>

<mosaic_0001>
#map = affine_map<(d0, d1) -> (0, 0)>
module attributes {stable_mosaic.version = 14 : i64} {
  func.func @_sc_body(%arg0: i32, %arg1: i32, %arg2: memref<1024x200xi32, #tpu.memory_space<hbm>>, %arg3: memref<500000x128xf32, #tpu.memory_space<hbm>>, %arg4: memref<114688x128xf32, #tpu.memory_space<hbm>>, %arg5: memref<32x208xi32, #tpu.memory_space<vmem>>, %arg6: memref<208xi32, #tpu.memory_space<vmem>>, %arg7: memref<208xi32, #tpu.memory_space<vmem>>, %arg8: memref<200x128xf32, #tpu.memory_space<vmem>>, %arg9: memref<200x128xf32, #tpu.memory_space<vmem>>, %arg10: memref<112x128xf32, #tpu.memory_space<vmem>>, %arg11: memref<112xi32, #tpu.memory_space<vmem>>, %arg12: memref<!tpu.dma_semaphore, #tpu.memory_space<semaphore_mem>>, %arg13: memref<!tpu.dma_semaphore, #tpu.memory_space<semaphore_mem>>) attributes {dimension_semantics = [#tpu.dimension_semantics<core_parallel>, #tpu.dimension_semantics<subcore_parallel>], iteration_bounds = array<i64: 2, 16>, scalar_prefetch = 0 : i64, scratch_operands = 9 : i64, tpu.core_type = #tpu.core_type<sc_vector_subcore>, window_params = [{transform_indices = #map}, {transform_indices = #map}, {transform_indices = #map}]} {
    %mul3A = arith.constant 2 : i32
    %mul3A_0 = arith.muli %arg1, %mul3A : i32
    %add3A = arith.addi %mul3A_0, %arg0 : i32
    %iota3A = tpu.iota {dimensions = array<i32: 0>} : vector<16xi32>
    %mul3A_1 = arith.constant 32 : i32
    %mul3A_2 = arith.muli %add3A, %mul3A_1 : i32
    "tpu.region"() ({
      %run_scoped3A = tpu.sem_alloc : memref<!tpu.dma_semaphore, #tpu.memory_space<semaphore_mem>>
      %dma_start3A_305 = arith.constant 0 : i32
      %dma_start3A_306 = arith.constant 0 : i32
      %dma_start3A_307 = tpu.memref_slice %arg5[%dma_start3A_305, %dma_start3A_306] : memref<32x208xi32, #tpu.memory_space<vmem>> -> memref<32x200xi32, #tpu.memory_space<vmem>>
      %dma_start3A_308 = arith.constant 0 : i32
      %dma_start3A_309 = tpu.memref_slice %arg2[%mul3A_2, %dma_start3A_308] : memref<1024x200xi32, #tpu.memory_space<hbm>> -> memref<32x200xi32, #tpu.memory_space<hbm>>
      %dma_start3A_310 = arith.constant 0 : i32
      %dma_start3A_311 = arith.constant 0 : i32
      %dma_start3A_312 = tpu.memref_slice %arg5[%dma_start3A_310, %dma_start3A_311] : memref<32x208xi32, #tpu.memory_space<vmem>> -> memref<32x200xi32, #tpu.memory_space<vmem>>
      %dma_start3A_313 = arith.constant 0 : i32
      %dma_start3A_314 = tpu.memref_slice %arg2[%mul3A_2, %dma_start3A_313] : memref<1024x200xi32, #tpu.memory_space<hbm>> -> memref<32x200xi32, #tpu.memory_space<hbm>>
      tpu.enqueue_dma source(%dma_start3A_314 : memref<32x200xi32, #tpu.memory_space<hbm>>) target(%dma_start3A_312 : memref<32x200xi32, #tpu.memory_space<vmem>>) target_semaphore(%run_scoped3A : memref<!tpu.dma_semaphore, #tpu.memory_space<semaphore_mem>>)
      %dma_wait3A = arith.constant 0 : i32
      %dma_wait3A_315 = arith.constant 0 : i32
      %dma_wait3A_316 = tpu.memref_slice %arg5[%dma_wait3A, %dma_wait3A_315] : memref<32x208xi32, #tpu.memory_space<vmem>> -> memref<32x200xi32, #tpu.memory_space<vmem>>
      %dma_wait3A_317 = arith.constant 0 : i32
      %dma_wait3A_318 = tpu.memref_slice %arg2[%mul3A_2, %dma_wait3A_317] : memref<1024x200xi32, #tpu.memory_space<hbm>> -> memref<32x200xi32, #tpu.memory_space<hbm>>
      %dma_wait3A_319 = arith.constant 0 : i32
      %dma_wait3A_320 = arith.constant 0 : i32
      %dma_wait3A_321 = tpu.memref_slice %arg5[%dma_wait3A_319, %dma_wait3A_320] : memref<32x208xi32, #tpu.memory_space<vmem>> -> memref<32x200xi32, #tpu.memory_space<vmem>>
      %dma_wait3A_322 = arith.constant 0 : i32
      %dma_wait3A_323 = tpu.memref_slice %arg2[%mul3A_2, %dma_wait3A_322] : memref<1024x200xi32, #tpu.memory_space<hbm>> -> memref<32x200xi32, #tpu.memory_space<hbm>>
      tpu.wait_dma2 semaphore(%run_scoped3A : memref<!tpu.dma_semaphore, #tpu.memory_space<semaphore_mem>>) src(%dma_wait3A_323 : memref<32x200xi32, #tpu.memory_space<hbm>>) dst(%dma_wait3A_321 : memref<32x200xi32, #tpu.memory_space<vmem>>)
      tpu.yield
    }) : () -> ()
    %get3A = arith.constant 0 : i32
    %get3A_3 = arith.index_cast %get3A : i32 to index
    %get3A_4 = arith.constant 0 : index
    %get3A_5 = tpu.vector_load %arg5[%get3A_3, %get3A_4] {strides = array<i32>} : memref<32x208xi32, #tpu.memory_space<vmem>>, vector<1x16xi32>,
    %get3A_6 = vector.shape_cast %get3A_5 : vector<1x16xi32> to vector<16xi32>
    %sub3A = arith.constant 500000 : i32
    %sub3A_7 = vector.broadcast %sub3A : i32 to vector<16xi32>
    %sub3A_8 = arith.subi %get3A_6, %sub3A_7 : vector<16xi32>
    %shift_right_arithmetic3A = arith.constant 31 : i32
    %shift_right_arithmetic3A_9 = vector.broadcast %shift_right_arithmetic3A : i32 to vector<16xi32>
    %shift_right_arithmetic3A_10 = arith.shrsi %sub3A_8, %shift_right_arithmetic3A_9 : vector<16xi32>
    %add3A_11 = arith.constant 1 : i32
    %add3A_12 = vector.broadcast %add3A_11 : i32 to vector<16xi32>
    %add3A_13 = arith.addi %add3A_12, %shift_right_arithmetic3A_10 : vector<16xi32>
    %mul3A_14 = arith.constant 500000 : i32
    %mul3A_15 = vector.broadcast %mul3A_14 : i32 to vector<16xi32>
    %mul3A_16 = arith.muli %add3A_13, %mul3A_15 : vector<16xi32>
    %sub3A_17 = arith.subi %get3A_6, %mul3A_16 : vector<16xi32>
    %swap3A = arith.constant 0 : index
    %swap3A_18 = tpu.vector_load %arg6[%swap3A] {strides = array<i32>} : memref<208xi32, #tpu.memory_space<vmem>>, vector<16xi32>,
    %swap3A_19 = vector.shape_cast %swap3A_18 : vector<16xi32> to vector<16xi32>
    %swap3A_20 = vector.shape_cast %sub3A_17 : vector<16xi32> to vector<16xi32>
    tpu.vector_store %arg6[%swap3A], %swap3A_20 {strides = array<i32>} : memref<208xi32, #tpu.memory_space<vmem>>, vector<16xi32>,
    %get3A_21 = arith.constant 0 : i32
    %get3A_22 = arith.index_cast %get3A_21 : i32 to index
    %get3A_23 = arith.constant 16 : index
    %get3A_24 = tpu.vector_load %arg5[%get3A_22, %get3A_23] {strides = array<i32>} : memref<32x208xi32, #tpu.memory_space<vmem>>, vector<1x16xi32>,
    %get3A_25 = vector.shape_cast %get3A_24 : vector<1x16xi32> to vector<16xi32>
    %sub3A_26 = arith.constant 500000 : i32
    %sub3A_27 = vector.broadcast %sub3A_26 : i32 to vector<16xi32>
    %sub3A_28 = arith.subi %get3A_25, %sub3A_27 : vector<16xi32>
    %shift_right_arithmetic3A_29 = arith.constant 31 : i32
    %shift_right_arithmetic3A_30 = vector.broadcast %shift_right_arithmetic3A_29 : i32 to vector<16xi32>
    %shift_right_arithmetic3A_31 = arith.shrsi %sub3A_28, %shift_right_arithmetic3A_30 : vector<16xi32>
    %add3A_32 = arith.constant 1 : i32
    %add3A_33 = vector.broadcast %add3A_32 : i32 to vector<16xi32>
    %add3A_34 = arith.addi %add3A_33, %shift_right_arithmetic3A_31 : vector<16xi32>
    %mul3A_35 = arith.constant 500000 : i32
    %mul3A_36 = vector.broadcast %mul3A_35 : i32 to vector<16xi32>
    %mul3A_37 = arith.muli %add3A_34, %mul3A_36 : vector<16xi32>
    %sub3A_38 = arith.subi %get3A_25, %mul3A_37 : vector<16xi32>
    %swap3A_39 = arith.constant 16 : index
    %swap3A_40 = tpu.vector_load %arg6[%swap3A_39] {strides = array<i32>} : memref<208xi32, #tpu.memory_space<vmem>>, vector<16xi32>,
    %swap3A_41 = vector.shape_cast %swap3A_40 : vector<16xi32> to vector<16xi32>
    %swap3A_42 = vector.shape_cast %sub3A_38 : vector<16xi32> to vector<16xi32>
    tpu.vector_store %arg6[%swap3A_39], %swap3A_42 {strides = array<i32>} : memref<208xi32, #tpu.memory_space<vmem>>, vector<16xi32>,
    %get3A_43 = arith.constant 0 : i32
    %get3A_44 = arith.index_cast %get3A_43 : i32 to index
    %get3A_45 = arith.constant 32 : index
    %get3A_46 = tpu.vector_load %arg5[%get3A_44, %get3A_45] {strides = array<i32>} : memref<32x208xi32, #tpu.memory_space<vmem>>, vector<1x16xi32>,
    %get3A_47 = vector.shape_cast %get3A_46 : vector<1x16xi32> to vector<16xi32>
    %sub3A_48 = arith.constant 500000 : i32
    %sub3A_49 = vector.broadcast %sub3A_48 : i32 to vector<16xi32>
    %sub3A_50 = arith.subi %get3A_47, %sub3A_49 : vector<16xi32>
    %shift_right_arithmetic3A_51 = arith.constant 31 : i32
    %shift_right_arithmetic3A_52 = vector.broadcast %shift_right_arithmetic3A_51 : i32 to vector<16xi32>
    %shift_right_arithmetic3A_53 = arith.shrsi %sub3A_50, %shift_right_arithmetic3A_52 : vector<16xi32>
    %add3A_54 = arith.constant 1 : i32
    %add3A_55 = vector.broadcast %add3A_54 : i32 to vector<16xi32>
    %add3A_56 = arith.addi %add3A_55, %shift_right_arithmetic3A_53 : vector<16xi32>
    %mul3A_57 = arith.constant 500000 : i32
    %mul3A_58 = vector.broadcast %mul3A_57 : i32 to vector<16xi32>
    %mul3A_59 = arith.muli %add3A_56, %mul3A_58 : vector<16xi32>
    %sub3A_60 = arith.subi %get3A_47, %mul3A_59 : vector<16xi32>
    %swap3A_61 = arith.constant 32 : index
    %swap3A_62 = tpu.vector_load %arg6[%swap3A_61] {strides = array<i32>} : memref<208xi32, #tpu.memory_space<vmem>>, vector<16xi32>,
    %swap3A_63 = vector.shape_cast %swap3A_62 : vector<16xi32> to vector<16xi32>
    %swap3A_64 = vector.shape_cast %sub3A_60 : vector<16xi32> to vector<16xi32>
    tpu.vector_store %arg6[%swap3A_61], %swap3A_64 {strides = array<i32>} : memref<208xi32, #tpu.memory_space<vmem>>, vector<16xi32>,
    %get3A_65 = arith.constant 0 : i32
    %get3A_66 = arith.index_cast %get3A_65 : i32 to index
    %get3A_67 = arith.constant 48 : index
    %get3A_68 = tpu.vector_load %arg5[%get3A_66, %get3A_67] {strides = array<i32>} : memref<32x208xi32, #tpu.memory_space<vmem>>, vector<1x16xi32>,
    %get3A_69 = vector.shape_cast %get3A_68 : vector<1x16xi32> to vector<16xi32>
    %sub3A_70 = arith.constant 500000 : i32
    %sub3A_71 = vector.broadcast %sub3A_70 : i32 to vector<16xi32>
    %sub3A_72 = arith.subi %get3A_69, %sub3A_71 : vector<16xi32>
    %shift_right_arithmetic3A_73 = arith.constant 31 : i32
    %shift_right_arithmetic3A_74 = vector.broadcast %shift_right_arithmetic3A_73 : i32 to vector<16xi32>
    %shift_right_arithmetic3A_75 = arith.shrsi %sub3A_72, %shift_right_arithmetic3A_74 : vector<16xi32>
    %add3A_76 = arith.constant 1 : i32
    %add3A_77 = vector.broadcast %add3A_76 : i32 to vector<16xi32>
    %add3A_78 = arith.addi %add3A_77, %shift_right_arithmetic3A_75 : vector<16xi32>
    %mul3A_79 = arith.constant 500000 : i32
    %mul3A_80 = vector.broadcast %mul3A_79 : i32 to vector<16xi32>
    %mul3A_81 = arith.muli %add3A_78, %mul3A_80 : vector<16xi32>
    %sub3A_82 = arith.subi %get3A_69, %mul3A_81 : vector<16xi32>
    %swap3A_83 = arith.constant 48 : index
    %swap3A_84 = tpu.vector_load %arg6[%swap3A_83] {strides = array<i32>} : memref<208xi32, #tpu.memory_space<vmem>>, vector<16xi32>,
    %swap3A_85 = vector.shape_cast %swap3A_84 : vector<16xi32> to vector<16xi32>
    %swap3A_86 = vector.shape_cast %sub3A_82 : vector<16xi32> to vector<16xi32>
    tpu.vector_store %arg6[%swap3A_83], %swap3A_86 {strides = array<i32>} : memref<208xi32, #tpu.memory_space<vmem>>, vector<16xi32>,
    %get3A_87 = arith.constant 0 : i32
    %get3A_88 = arith.index_cast %get3A_87 : i32 to index
    %get3A_89 = arith.constant 64 : index
    %get3A_90 = tpu.vector_load %arg5[%get3A_88, %get3A_89] {strides = array<i32>} : memref<32x208xi32, #tpu.memory_space<vmem>>, vector<1x16xi32>,
    %get3A_91 = vector.shape_cast %get3A_90 : vector<1x16xi32> to vector<16xi32>
    %sub3A_92 = arith.constant 500000 : i32
    %sub3A_93 = vector.broadcast %sub3A_92 : i32 to vector<16xi32>
    %sub3A_94 = arith.subi %get3A_91, %sub3A_93 : vector<16xi32>
    %shift_right_arithmetic3A_95 = arith.constant 31 : i32
    %shift_right_arithmetic3A_96 = vector.broadcast %shift_right_arithmetic3A_95 : i32 to vector<16xi32>
    %shift_right_arithmetic3A_97 = arith.shrsi %sub3A_94, %shift_right_arithmetic3A_96 : vector<16xi32>
    %add3A_98 = arith.constant 1 : i32
    %add3A_99 = vector.broadcast %add3A_98 : i32 to vector<16xi32>
    %add3A_100 = arith.addi %add3A_99, %shift_right_arithmetic3A_97 : vector<16xi32>
    %mul3A_101 = arith.constant 500000 : i32
    %mul3A_102 = vector.broadcast %mul3A_101 : i32 to vector<16xi32>
    %mul3A_103 = arith.muli %add3A_100, %mul3A_102 : vector<16xi32>
    %sub3A_104 = arith.subi %get3A_91, %mul3A_103 : vector<16xi32>
    %swap3A_105 = arith.constant 64 : index
    %swap3A_106 = tpu.vector_load %arg6[%swap3A_105] {strides = array<i32>} : memref<208xi32, #tpu.memory_space<vmem>>, vector<16xi32>,
    %swap3A_107 = vector.shape_cast %swap3A_106 : vector<16xi32> to vector<16xi32>
    %swap3A_108 = vector.shape_cast %sub3A_104 : vector<16xi32> to vector<16xi32>
    tpu.vector_store %arg6[%swap3A_105], %swap3A_108 {strides = array<i32>} : memref<208xi32, #tpu.memory_space<vmem>>, vector<16xi32>,
    %get3A_109 = arith.constant 0 : i32
    %get3A_110 = arith.index_cast %get3A_109 : i32 to index
    %get3A_111 = arith.constant 80 : index
    %get3A_112 = tpu.vector_load %arg5[%get3A_110, %get3A_111] {strides = array<i32>} : memref<32x208xi32, #tpu.memory_space<vmem>>, vector<1x16xi32>,
    %get3A_113 = vector.shape_cast %get3A_112 : vector<1x16xi32> to vector<16xi32>
    %sub3A_114 = arith.constant 500000 : i32
    %sub3A_115 = vector.broadcast %sub3A_114 : i32 to vector<16xi32>
    %sub3A_116 = arith.subi %get3A_113, %sub3A_115 : vector<16xi32>
    %shift_right_arithmetic3A_117 = arith.constant 31 : i32
    %shift_right_arithmetic3A_118 = vector.broadcast %shift_right_arithmetic3A_117 : i32 to vector<16xi32>
    %shift_right_arithmetic3A_119 = arith.shrsi %sub3A_116, %shift_right_arithmetic3A_118 : vector<16xi32>
    %add3A_120 = arith.constant 1 : i32
    %add3A_121 = vector.broadcast %add3A_120 : i32 to vector<16xi32>
    %add3A_122 = arith.addi %add3A_121, %shift_right_arithmetic3A_119 : vector<16xi32>
    %mul3A_123 = arith.constant 500000 : i32
    %mul3A_124 = vector.broadcast %mul3A_123 : i32 to vector<16xi32>
    %mul3A_125 = arith.muli %add3A_122, %mul3A_124 : vector<16xi32>
    %sub3A_126 = arith.subi %get3A_113, %mul3A_125 : vector<16xi32>
    %swap3A_127 = arith.constant 80 : index
    %swap3A_128 = tpu.vector_load %arg6[%swap3A_127] {strides = array<i32>} : memref<208xi32, #tpu.memory_space<vmem>>, vector<16xi32>,
    %swap3A_129 = vector.shape_cast %swap3A_128 : vector<16xi32> to vector<16xi32>
    %swap3A_130 = vector.shape_cast %sub3A_126 : vector<16xi32> to vector<16xi32>
    tpu.vector_store %arg6[%swap3A_127], %swap3A_130 {strides = array<i32>} : memref<208xi32, #tpu.memory_space<vmem>>, vector<16xi32>,
    %get3A_131 = arith.constant 0 : i32
    %get3A_132 = arith.index_cast %get3A_131 : i32 to index
    %get3A_133 = arith.constant 96 : index
    %get3A_134 = tpu.vector_load %arg5[%get3A_132, %get3A_133] {strides = array<i32>} : memref<32x208xi32, #tpu.memory_space<vmem>>, vector<1x16xi32>,
    %get3A_135 = vector.shape_cast %get3A_134 : vector<1x16xi32> to vector<16xi32>
    %sub3A_136 = arith.constant 500000 : i32
    %sub3A_137 = vector.broadcast %sub3A_136 : i32 to vector<16xi32>
    %sub3A_138 = arith.subi %get3A_135, %sub3A_137 : vector<16xi32>
    %shift_right_arithmetic3A_139 = arith.constant 31 : i32
    %shift_right_arithmetic3A_140 = vector.broadcast %shift_right_arithmetic3A_139 : i32 to vector<16xi32>
    %shift_right_arithmetic3A_141 = arith.shrsi %sub3A_138, %shift_right_arithmetic3A_140 : vector<16xi32>
    %add3A_142 = arith.constant 1 : i32
    %add3A_143 = vector.broadcast %add3A_142 : i32 to vector<16xi32>
    %add3A_144 = arith.addi %add3A_143, %shift_right_arithmetic3A_141 : vector<16xi32>
    %mul3A_145 = arith.constant 500000 : i32
    %mul3A_146 = vector.broadcast %mul3A_145 : i32 to vector<16xi32>
    %mul3A_147 = arith.muli %add3A_144, %mul3A_146 : vector<16xi32>
    %sub3A_148 = arith.subi %get3A_135, %mul3A_147 : vector<16xi32>
    %swap3A_149 = arith.constant 96 : index
    %swap3A_150 = tpu.vector_load %arg6[%swap3A_149] {strides = array<i32>} : memref<208xi32, #tpu.memory_space<vmem>>, vector<16xi32>,
    %swap3A_151 = vector.shape_cast %swap3A_150 : vector<16xi32> to vector<16xi32>
    %swap3A_152 = vector.shape_cast %sub3A_148 : vector<16xi32> to vector<16xi32>
    tpu.vector_store %arg6[%swap3A_149], %swap3A_152 {strides = array<i32>} : memref<208xi32, #tpu.memory_space<vmem>>, vector<16xi32>,
    %get3A_153 = arith.constant 0 : i32
    %get3A_154 = arith.index_cast %get3A_153 : i32 to index
    %get3A_155 = arith.constant 112 : index
    %get3A_156 = tpu.vector_load %arg5[%get3A_154, %get3A_155] {strides = array<i32>} : memref<32x208xi32, #tpu.memory_space<vmem>>, vector<1x16xi32>,
    %get3A_157 = vector.shape_cast %get3A_156 : vector<1x16xi32> to vector<16xi32>
    %sub3A_158 = arith.constant 500000 : i32
    %sub3A_159 = vector.broadcast %sub3A_158 : i32 to vector<16xi32>
    %sub3A_160 = arith.subi %get3A_157, %sub3A_159 : vector<16xi32>
    %shift_right_arithmetic3A_161 = arith.constant 31 : i32
    %shift_right_arithmetic3A_162 = vector.broadcast %shift_right_arithmetic3A_161 : i32 to vector<16xi32>
    %shift_right_arithmetic3A_163 = arith.shrsi %sub3A_160, %shift_right_arithmetic3A_162 : vector<16xi32>
    %add3A_164 = arith.constant 1 : i32
    %add3A_165 = vector.broadcast %add3A_164 : i32 to vector<16xi32>
    %add3A_166 = arith.addi %add3A_165, %shift_right_arithmetic3A_163 : vector<16xi32>
    %mul3A_167 = arith.constant 500000 : i32
    %mul3A_168 = vector.broadcast %mul3A_167 : i32 to vector<16xi32>
    %mul3A_169 = arith.muli %add3A_166, %mul3A_168 : vector<16xi32>
    %sub3A_170 = arith.subi %get3A_157, %mul3A_169 : vector<16xi32>
    %swap3A_171 = arith.constant 112 : index
    %swap3A_172 = tpu.vector_load %arg6[%swap3A_171] {strides = array<i32>} : memref<208xi32, #tpu.memory_space<vmem>>, vector<16xi32>,
    %swap3A_173 = vector.shape_cast %swap3A_172 : vector<16xi32> to vector<16xi32>
    %swap3A_174 = vector.shape_cast %sub3A_170 : vector<16xi32> to vector<16xi32>
    tpu.vector_store %arg6[%swap3A_171], %swap3A_174 {strides = array<i32>} : memref<208xi32, #tpu.memory_space<vmem>>, vector<16xi32>,
    %get3A_175 = arith.constant 0 : i32
    %get3A_176 = arith.index_cast %get3A_175 : i32 to index
    %get3A_177 = arith.constant 128 : index
    %get3A_178 = tpu.vector_load %arg5[%get3A_176, %get3A_177] {strides = array<i32>} : memref<32x208xi32, #tpu.memory_space<vmem>>, vector<1x16xi32>,
    %get3A_179 = vector.shape_cast %get3A_178 : vector<1x16xi32> to vector<16xi32>
    %sub3A_180 = arith.constant 500000 : i32
    %sub3A_181 = vector.broadcast %sub3A_180 : i32 to vector<16xi32>
    %sub3A_182 = arith.subi %get3A_179, %sub3A_181 : vector<16xi32>
    %shift_right_arithmetic3A_183 = arith.constant 31 : i32
    %shift_right_arithmetic3A_184 = vector.broadcast %shift_right_arithmetic3A_183 : i32 to vector<16xi32>
    %shift_right_arithmetic3A_185 = arith.shrsi %sub3A_182, %shift_right_arithmetic3A_184 : vector<16xi32>
    %add3A_186 = arith.constant 1 : i32
    %add3A_187 = vector.broadcast %add3A_186 : i32 to vector<16xi32>
    %add3A_188 = arith.addi %add3A_187, %shift_right_arithmetic3A_185 : vector<16xi32>
    %mul3A_189 = arith.constant 500000 : i32
    %mul3A_190 = vector.broadcast %mul3A_189 : i32 to vector<16xi32>
    %mul3A_191 = arith.muli %add3A_188, %mul3A_190 : vector<16xi32>
    %sub3A_192 = arith.subi %get3A_179, %mul3A_191 : vector<16xi32>
    %swap3A_193 = arith.constant 128 : index
    %swap3A_194 = tpu.vector_load %arg6[%swap3A_193] {strides = array<i32>} : memref<208xi32, #tpu.memory_space<vmem>>, vector<16xi32>,
    %swap3A_195 = vector.shape_cast %swap3A_194 : vector<16xi32> to vector<16xi32>
    %swap3A_196 = vector.shape_cast %sub3A_192 : vector<16xi32> to vector<16xi32>
    tpu.vector_store %arg6[%swap3A_193], %swap3A_196 {strides = array<i32>} : memref<208xi32, #tpu.memory_space<vmem>>, vector<16xi32>,
    %get3A_197 = arith.constant 0 : i32
    %get3A_198 = arith.index_cast %get3A_197 : i32 to index
    %get3A_199 = arith.constant 144 : index
    %get3A_200 = tpu.vector_load %arg5[%get3A_198, %get3A_199] {strides = array<i32>} : memref<32x208xi32, #tpu.memory_space<vmem>>, vector<1x16xi32>,
    %get3A_201 = vector.shape_cast %get3A_200 : vector<1x16xi32> to vector<16xi32>
    %sub3A_202 = arith.constant 500000 : i32
    %sub3A_203 = vector.broadcast %sub3A_202 : i32 to vector<16xi32>
    %sub3A_204 = arith.subi %get3A_201, %sub3A_203 : vector<16xi32>
    %shift_right_arithmetic3A_205 = arith.constant 31 : i32
    %shift_right_arithmetic3A_206 = vector.broadcast %shift_right_arithmetic3A_205 : i32 to vector<16xi32>
    %shift_right_arithmetic3A_207 = arith.shrsi %sub3A_204, %shift_right_arithmetic3A_206 : vector<16xi32>
    %add3A_208 = arith.constant 1 : i32
    %add3A_209 = vector.broadcast %add3A_208 : i32 to vector<16xi32>
    %add3A_210 = arith.addi %add3A_209, %shift_right_arithmetic3A_207 : vector<16xi32>
    %mul3A_211 = arith.constant 500000 : i32
    %mul3A_212 = vector.broadcast %mul3A_211 : i32 to vector<16xi32>
    %mul3A_213 = arith.muli %add3A_210, %mul3A_212 : vector<16xi32>
    %sub3A_214 = arith.subi %get3A_201, %mul3A_213 : vector<16xi32>
    %swap3A_215 = arith.constant 144 : index
    %swap3A_216 = tpu.vector_load %arg6[%swap3A_215] {strides = array<i32>} : memref<208xi32, #tpu.memory_space<vmem>>, vector<16xi32>,
    %swap3A_217 = vector.shape_cast %swap3A_216 : vector<16xi32> to vector<16xi32>
    %swap3A_218 = vector.shape_cast %sub3A_214 : vector<16xi32> to vector<16xi32>
    tpu.vector_store %arg6[%swap3A_215], %swap3A_218 {strides = array<i32>} : memref<208xi32, #tpu.memory_space<vmem>>, vector<16xi32>,
    %get3A_219 = arith.constant 0 : i32
    %get3A_220 = arith.index_cast %get3A_219 : i32 to index
    %get3A_221 = arith.constant 160 : index
    %get3A_222 = tpu.vector_load %arg5[%get3A_220, %get3A_221] {strides = array<i32>} : memref<32x208xi32, #tpu.memory_space<vmem>>, vector<1x16xi32>,
    %get3A_223 = vector.shape_cast %get3A_222 : vector<1x16xi32> to vector<16xi32>
    %sub3A_224 = arith.constant 500000 : i32
    %sub3A_225 = vector.broadcast %sub3A_224 : i32 to vector<16xi32>
    %sub3A_226 = arith.subi %get3A_223, %sub3A_225 : vector<16xi32>
    %shift_right_arithmetic3A_227 = arith.constant 31 : i32
    %shift_right_arithmetic3A_228 = vector.broadcast %shift_right_arithmetic3A_227 : i32 to vector<16xi32>
    %shift_right_arithmetic3A_229 = arith.shrsi %sub3A_226, %shift_right_arithmetic3A_228 : vector<16xi32>
    %add3A_230 = arith.constant 1 : i32
    %add3A_231 = vector.broadcast %add3A_230 : i32 to vector<16xi32>
    %add3A_232 = arith.addi %add3A_231, %shift_right_arithmetic3A_229 : vector<16xi32>
    %mul3A_233 = arith.constant 500000 : i32
    %mul3A_234 = vector.broadcast %mul3A_233 : i32 to vector<16xi32>
    %mul3A_235 = arith.muli %add3A_232, %mul3A_234 : vector<16xi32>
    %sub3A_236 = arith.subi %get3A_223, %mul3A_235 : vector<16xi32>
    %swap3A_237 = arith.constant 160 : index
    %swap3A_238 = tpu.vector_load %arg6[%swap3A_237] {strides = array<i32>} : memref<208xi32, #tpu.memory_space<vmem>>, vector<16xi32>,
    %swap3A_239 = vector.shape_cast %swap3A_238 : vector<16xi32> to vector<16xi32>
    %swap3A_240 = vector.shape_cast %sub3A_236 : vector<16xi32> to vector<16xi32>
    tpu.vector_store %arg6[%swap3A_237], %swap3A_240 {strides = array<i32>} : memref<208xi32, #tpu.memory_space<vmem>>, vector<16xi32>,
    %get3A_241 = arith.constant 0 : i32
    %get3A_242 = arith.index_cast %get3A_241 : i32 to index
    %get3A_243 = arith.constant 176 : index
    %get3A_244 = tpu.vector_load %arg5[%get3A_242, %get3A_243] {strides = array<i32>} : memref<32x208xi32, #tpu.memory_space<vmem>>, vector<1x16xi32>,
    %get3A_245 = vector.shape_cast %get3A_244 : vector<1x16xi32> to vector<16xi32>
    %sub3A_246 = arith.constant 500000 : i32
    %sub3A_247 = vector.broadcast %sub3A_246 : i32 to vector<16xi32>
    %sub3A_248 = arith.subi %get3A_245, %sub3A_247 : vector<16xi32>
    %shift_right_arithmetic3A_249 = arith.constant 31 : i32
    %shift_right_arithmetic3A_250 = vector.broadcast %shift_right_arithmetic3A_249 : i32 to vector<16xi32>
    %shift_right_arithmetic3A_251 = arith.shrsi %sub3A_248, %shift_right_arithmetic3A_250 : vector<16xi32>
    %add3A_252 = arith.constant 1 : i32
    %add3A_253 = vector.broadcast %add3A_252 : i32 to vector<16xi32>
    %add3A_254 = arith.addi %add3A_253, %shift_right_arithmetic3A_251 : vector<16xi32>
    %mul3A_255 = arith.constant 500000 : i32
    %mul3A_256 = vector.broadcast %mul3A_255 : i32 to vector<16xi32>
    %mul3A_257 = arith.muli %add3A_254, %mul3A_256 : vector<16xi32>
    %sub3A_258 = arith.subi %get3A_245, %mul3A_257 : vector<16xi32>
    %swap3A_259 = arith.constant 176 : index
    %swap3A_260 = tpu.vector_load %arg6[%swap3A_259] {strides = array<i32>} : memref<208xi32, #tpu.memory_space<vmem>>, vector<16xi32>,
    %swap3A_261 = vector.shape_cast %swap3A_260 : vector<16xi32> to vector<16xi32>
    %swap3A_262 = vector.shape_cast %sub3A_258 : vector<16xi32> to vector<16xi32>
    tpu.vector_store %arg6[%swap3A_259], %swap3A_262 {strides = array<i32>} : memref<208xi32, #tpu.memory_space<vmem>>, vector<16xi32>,
    %get3A_263 = arith.constant 0 : i32
    %get3A_264 = arith.index_cast %get3A_263 : i32 to index
    %get3A_265 = arith.constant 192 : index
    %get3A_266 = tpu.vector_load %arg5[%get3A_264, %get3A_265] {strides = array<i32>} : memref<32x208xi32, #tpu.memory_space<vmem>>, vector<1x16xi32>,
    %get3A_267 = vector.shape_cast %get3A_266 : vector<1x16xi32> to vector<16xi32>
    %sub3A_268 = arith.constant 500000 : i32
    %sub3A_269 = vector.broadcast %sub3A_268 : i32 to vector<16xi32>
    %sub3A_270 = arith.subi %get3A_267, %sub3A_269 : vector<16xi32>
    %shift_right_arithmetic3A_271 = arith.constant 31 : i32
    %shift_right_arithmetic3A_272 = vector.broadcast %shift_right_arithmetic3A_271 : i32 to vector<16xi32>
    %shift_right_arithmetic3A_273 = arith.shrsi %sub3A_270, %shift_right_arithmetic3A_272 : vector<16xi32>
    %add3A_274 = arith.constant 1 : i32
    %add3A_275 = vector.broadcast %add3A_274 : i32 to vector<16xi32>
    %add3A_276 = arith.addi %add3A_275, %shift_right_arithmetic3A_273 : vector<16xi32>
    %mul3A_277 = arith.constant 500000 : i32
    %mul3A_278 = vector.broadcast %mul3A_277 : i32 to vector<16xi32>
    %mul3A_279 = arith.muli %add3A_276, %mul3A_278 : vector<16xi32>
    %sub3A_280 = arith.subi %get3A_267, %mul3A_279 : vector<16xi32>
    %swap3A_281 = arith.constant 192 : index
    %swap3A_282 = tpu.vector_load %arg6[%swap3A_281] {strides = array<i32>} : memref<208xi32, #tpu.memory_space<vmem>>, vector<16xi32>,
    %swap3A_283 = vector.shape_cast %swap3A_282 : vector<16xi32> to vector<16xi32>
    %swap3A_284 = vector.shape_cast %sub3A_280 : vector<16xi32> to vector<16xi32>
    tpu.vector_store %arg6[%swap3A_281], %swap3A_284 {strides = array<i32>} : memref<208xi32, #tpu.memory_space<vmem>>, vector<16xi32>,
    %dma_start3A = arith.constant 0 : i32
    %dma_start3A_285 = arith.constant 0 : i32
    %dma_start3A_286 = tpu.memref_slice %arg8[%dma_start3A, %dma_start3A_285] : memref<200x128xf32, #tpu.memory_space<vmem>> -> memref<128x128xf32, #tpu.memory_space<vmem>>
    %dma_start3A_287 = arith.constant 0 : i32
    %dma_start3A_288 = tpu.memref_slice %arg6[%dma_start3A_287] : memref<208xi32, #tpu.memory_space<vmem>> -> memref<128xi32, #tpu.memory_space<vmem>>
    %dma_start3A_289 = arith.constant 0 : i32
    %dma_start3A_290 = arith.constant 0 : i32
    %dma_start3A_291 = tpu.memref_slice %arg3[%dma_start3A_289, %dma_start3A_290] : memref<500000x128xf32, #tpu.memory_space<hbm>> -> memref<500000x128xf32, #tpu.memory_space<hbm>>
    tpu.enqueue_indirect_dma source(%dma_start3A_291 : memref<500000x128xf32, #tpu.memory_space<hbm>>) target(%dma_start3A_286 : memref<128x128xf32, #tpu.memory_space<vmem>>) offsets(%dma_start3A_288 : memref<128xi32, #tpu.memory_space<vmem>>) semaphore(%arg12 : memref<!tpu.dma_semaphore, #tpu.memory_space<semaphore_mem>>)
    %dma_start3A_292 = arith.constant 128 : i32
    %dma_start3A_293 = arith.constant 0 : i32
    %dma_start3A_294 = tpu.memref_slice %arg8[%dma_start3A_292, %dma_start3A_293] : memref<200x128xf32, #tpu.memory_space<vmem>> -> memref<72x128xf32, #tpu.memory_space<vmem>>
    %dma_start3A_295 = arith.constant 128 : i32
    %dma_start3A_296 = tpu.memref_slice %arg6[%dma_start3A_295] : memref<208xi32, #tpu.memory_space<vmem>> -> memref<72xi32, #tpu.memory_space<vmem>>
    %dma_start3A_297 = arith.constant 0 : i32
    %dma_start3A_298 = arith.constant 0 : i32
    %dma_start3A_299 = tpu.memref_slice %arg3[%dma_start3A_297, %dma_start3A_298] : memref<500000x128xf32, #tpu.memory_space<hbm>> -> memref<500000x128xf32, #tpu.memory_space<hbm>>
    tpu.enqueue_indirect_dma source(%dma_start3A_299 : memref<500000x128xf32, #tpu.memory_space<hbm>>) target(%dma_start3A_294 : memref<72x128xf32, #tpu.memory_space<vmem>>) offsets(%dma_start3A_296 : memref<72xi32, #tpu.memory_space<vmem>>) semaphore(%arg12 : memref<!tpu.dma_semaphore, #tpu.memory_space<semaphore_mem>>)
    %scan3A = arith.constant 0 : i32
    %scan3A_300 = arith.constant 0 : i32
    %scan3A_301 = arith.constant 16 : i32
    %scan3A_302 = arith.addi %scan3A_300, %scan3A_301 : i32
    %scan3A_303 = arith.constant 1 : i32
    scf.for %scan3A_305 = %scan3A_300 to %scan3A_302 step %scan3A_303  : i32 {
      %dma_wait3A = arith.constant 0 : i32
      %dma_wait3A_306 = arith.constant 0 : i32
      %dma_wait3A_307 = tpu.memref_slice %arg8[%dma_wait3A, %dma_wait3A_306] : memref<200x128xf32, #tpu.memory_space<vmem>> -> memref<128x128xf32, #tpu.memory_space<vmem>>
      %dma_wait3A_308 = arith.constant 0 : i32
      %dma_wait3A_309 = tpu.memref_slice %arg6[%dma_wait3A_308] : memref<208xi32, #tpu.memory_space<vmem>> -> memref<128xi32, #tpu.memory_space<vmem>>
      %dma_wait3A_310 = arith.constant 0 : i32
      %dma_wait3A_311 = arith.constant 0 : i32
      %dma_wait3A_312 = tpu.memref_slice %arg3[%dma_wait3A_310, %dma_wait3A_311] : memref<500000x128xf32, #tpu.memory_space<hbm>> -> memref<500000x128xf32, #tpu.memory_space<hbm>>
      tpu.wait_indirect_dma semaphore(%arg12 : memref<!tpu.dma_semaphore, #tpu.memory_space<semaphore_mem>>) src(%dma_wait3A_312 : memref<500000x128xf32, #tpu.memory_space<hbm>>) dst(%dma_wait3A_307 : memref<128x128xf32, #tpu.memory_space<vmem>>)
      %dma_wait3A_313 = arith.constant 128 : i32
      %dma_wait3A_314 = arith.constant 0 : i32
      %dma_wait3A_315 = tpu.memref_slice %arg8[%dma_wait3A_313, %dma_wait3A_314] : memref<200x128xf32, #tpu.memory_space<vmem>> -> memref<72x128xf32, #tpu.memory_space<vmem>>
      %dma_wait3A_316 = arith.constant 128 : i32
      %dma_wait3A_317 = tpu.memref_slice %arg6[%dma_wait3A_316] : memref<208xi32, #tpu.memory_space<vmem>> -> memref<72xi32, #tpu.memory_space<vmem>>
      %dma_wait3A_318 = arith.constant 0 : i32
      %dma_wait3A_319 = arith.constant 0 : i32
      %dma_wait3A_320 = tpu.memref_slice %arg3[%dma_wait3A_318, %dma_wait3A_319] : memref<500000x128xf32, #tpu.memory_space<hbm>> -> memref<500000x128xf32, #tpu.memory_space<hbm>>
      tpu.wait_indirect_dma semaphore(%arg12 : memref<!tpu.dma_semaphore, #tpu.memory_space<semaphore_mem>>) src(%dma_wait3A_320 : memref<500000x128xf32, #tpu.memory_space<hbm>>) dst(%dma_wait3A_315 : memref<72x128xf32, #tpu.memory_space<vmem>>)
      %mul3A_321 = arith.constant 2 : i32
      %mul3A_322 = arith.muli %mul3A_321, %scan3A_305 : i32
      %add3A_323 = arith.constant 1 : i32
      %add3A_324 = arith.addi %mul3A_322, %add3A_323 : i32
      %get3A_325 = arith.index_cast %add3A_324 : i32 to index
      %get3A_326 = arith.constant 0 : index
      %get3A_327 = tpu.vector_load %arg5[%get3A_325, %get3A_326] {strides = array<i32>} : memref<32x208xi32, #tpu.memory_space<vmem>>, vector<1x16xi32>,
      %get3A_328 = vector.shape_cast %get3A_327 : vector<1x16xi32> to vector<16xi32>
      %sub3A_329 = arith.constant 500000 : i32
      %sub3A_330 = vector.broadcast %sub3A_329 : i32 to vector<16xi32>
      %sub3A_331 = arith.subi %get3A_328, %sub3A_330 : vector<16xi32>
      %shift_right_arithmetic3A_332 = arith.constant 31 : i32
      %shift_right_arithmetic3A_333 = vector.broadcast %shift_right_arithmetic3A_332 : i32 to vector<16xi32>
      %shift_right_arithmetic3A_334 = arith.shrsi %sub3A_331, %shift_right_arithmetic3A_333 : vector<16xi32>
      %add3A_335 = arith.constant 1 : i32
      %add3A_336 = vector.broadcast %add3A_335 : i32 to vector<16xi32>
      %add3A_337 = arith.addi %add3A_336, %shift_right_arithmetic3A_334 : vector<16xi32>
      %mul3A_338 = arith.constant 500000 : i32
      %mul3A_339 = vector.broadcast %mul3A_338 : i32 to vector<16xi32>
      %mul3A_340 = arith.muli %add3A_337, %mul3A_339 : vector<16xi32>
      %sub3A_341 = arith.subi %get3A_328, %mul3A_340 : vector<16xi32>
      %swap3A_342 = arith.constant 0 : index
      %swap3A_343 = tpu.vector_load %arg7[%swap3A_342] {strides = array<i32>} : memref<208xi32, #tpu.memory_space<vmem>>, vector<16xi32>,
      %swap3A_344 = vector.shape_cast %swap3A_343 : vector<16xi32> to vector<16xi32>
      %swap3A_345 = vector.shape_cast %sub3A_341 : vector<16xi32> to vector<16xi32>
      tpu.vector_store %arg7[%swap3A_342], %swap3A_345 {strides = array<i32>} : memref<208xi32, #tpu.memory_space<vmem>>, vector<16xi32>,
      %get3A_346 = arith.index_cast %add3A_324 : i32 to index
      %get3A_347 = arith.constant 16 : index
      %get3A_348 = tpu.vector_load %arg5[%get3A_346, %get3A_347] {strides = array<i32>} : memref<32x208xi32, #tpu.memory_space<vmem>>, vector<1x16xi32>,
      %get3A_349 = vector.shape_cast %get3A_348 : vector<1x16xi32> to vector<16xi32>
      %sub3A_350 = arith.constant 500000 : i32
      %sub3A_351 = vector.broadcast %sub3A_350 : i32 to vector<16xi32>
      %sub3A_352 = arith.subi %get3A_349, %sub3A_351 : vector<16xi32>
      %shift_right_arithmetic3A_353 = arith.constant 31 : i32
      %shift_right_arithmetic3A_354 = vector.broadcast %shift_right_arithmetic3A_353 : i32 to vector<16xi32>
      %shift_right_arithmetic3A_355 = arith.shrsi %sub3A_352, %shift_right_arithmetic3A_354 : vector<16xi32>
      %add3A_356 = arith.constant 1 : i32
      %add3A_357 = vector.broadcast %add3A_356 : i32 to vector<16xi32>
      %add3A_358 = arith.addi %add3A_357, %shift_right_arithmetic3A_355 : vector<16xi32>
      %mul3A_359 = arith.constant 500000 : i32
      %mul3A_360 = vector.broadcast %mul3A_359 : i32 to vector<16xi32>
      %mul3A_361 = arith.muli %add3A_358, %mul3A_360 : vector<16xi32>
      %sub3A_362 = arith.subi %get3A_349, %mul3A_361 : vector<16xi32>
      %swap3A_363 = arith.constant 16 : index
      %swap3A_364 = tpu.vector_load %arg7[%swap3A_363] {strides = array<i32>} : memref<208xi32, #tpu.memory_space<vmem>>, vector<16xi32>,
      %swap3A_365 = vector.shape_cast %swap3A_364 : vector<16xi32> to vector<16xi32>
      %swap3A_366 = vector.shape_cast %sub3A_362 : vector<16xi32> to vector<16xi32>
      tpu.vector_store %arg7[%swap3A_363], %swap3A_366 {strides = array<i32>} : memref<208xi32, #tpu.memory_space<vmem>>, vector<16xi32>,
      %get3A_367 = arith.index_cast %add3A_324 : i32 to index
      %get3A_368 = arith.constant 32 : index
      %get3A_369 = tpu.vector_load %arg5[%get3A_367, %get3A_368] {strides = array<i32>} : memref<32x208xi32, #tpu.memory_space<vmem>>, vector<1x16xi32>,
      %get3A_370 = vector.shape_cast %get3A_369 : vector<1x16xi32> to vector<16xi32>
      %sub3A_371 = arith.constant 500000 : i32
      %sub3A_372 = vector.broadcast %sub3A_371 : i32 to vector<16xi32>
      %sub3A_373 = arith.subi %get3A_370, %sub3A_372 : vector<16xi32>
      %shift_right_arithmetic3A_374 = arith.constant 31 : i32
      %shift_right_arithmetic3A_375 = vector.broadcast %shift_right_arithmetic3A_374 : i32 to vector<16xi32>
      %shift_right_arithmetic3A_376 = arith.shrsi %sub3A_373, %shift_right_arithmetic3A_375 : vector<16xi32>
      %add3A_377 = arith.constant 1 : i32
      %add3A_378 = vector.broadcast %add3A_377 : i32 to vector<16xi32>
      %add3A_379 = arith.addi %add3A_378, %shift_right_arithmetic3A_376 : vector<16xi32>
      %mul3A_380 = arith.constant 500000 : i32
      %mul3A_381 = vector.broadcast %mul3A_380 : i32 to vector<16xi32>
      %mul3A_382 = arith.muli %add3A_379, %mul3A_381 : vector<16xi32>
      %sub3A_383 = arith.subi %get3A_370, %mul3A_382 : vector<16xi32>
      %swap3A_384 = arith.constant 32 : index
      %swap3A_385 = tpu.vector_load %arg7[%swap3A_384] {strides = array<i32>} : memref<208xi32, #tpu.memory_space<vmem>>, vector<16xi32>,
      %swap3A_386 = vector.shape_cast %swap3A_385 : vector<16xi32> to vector<16xi32>
      %swap3A_387 = vector.shape_cast %sub3A_383 : vector<16xi32> to vector<16xi32>
      tpu.vector_store %arg7[%swap3A_384], %swap3A_387 {strides = array<i32>} : memref<208xi32, #tpu.memory_space<vmem>>, vector<16xi32>,
      %get3A_388 = arith.index_cast %add3A_324 : i32 to index
      %get3A_389 = arith.constant 48 : index
      %get3A_390 = tpu.vector_load %arg5[%get3A_388, %get3A_389] {strides = array<i32>} : memref<32x208xi32, #tpu.memory_space<vmem>>, vector<1x16xi32>,
      %get3A_391 = vector.shape_cast %get3A_390 : vector<1x16xi32> to vector<16xi32>
      %sub3A_392 = arith.constant 500000 : i32
      %sub3A_393 = vector.broadcast %sub3A_392 : i32 to vector<16xi32>
      %sub3A_394 = arith.subi %get3A_391, %sub3A_393 : vector<16xi32>
      %shift_right_arithmetic3A_395 = arith.constant 31 : i32
      %shift_right_arithmetic3A_396 = vector.broadcast %shift_right_arithmetic3A_395 : i32 to vector<16xi32>
      %shift_right_arithmetic3A_397 = arith.shrsi %sub3A_394, %shift_right_arithmetic3A_396 : vector<16xi32>
      %add3A_398 = arith.constant 1 : i32
      %add3A_399 = vector.broadcast %add3A_398 : i32 to vector<16xi32>
      %add3A_400 = arith.addi %add3A_399, %shift_right_arithmetic3A_397 : vector<16xi32>
      %mul3A_401 = arith.constant 500000 : i32
      %mul3A_402 = vector.broadcast %mul3A_401 : i32 to vector<16xi32>
      %mul3A_403 = arith.muli %add3A_400, %mul3A_402 : vector<16xi32>
      %sub3A_404 = arith.subi %get3A_391, %mul3A_403 : vector<16xi32>
      %swap3A_405 = arith.constant 48 : index
      %swap3A_406 = tpu.vector_load %arg7[%swap3A_405] {strides = array<i32>} : memref<208xi32, #tpu.memory_space<vmem>>, vector<16xi32>,
      %swap3A_407 = vector.shape_cast %swap3A_406 : vector<16xi32> to vector<16xi32>
      %swap3A_408 = vector.shape_cast %sub3A_404 : vector<16xi32> to vector<16xi32>
      tpu.vector_store %arg7[%swap3A_405], %swap3A_408 {strides = array<i32>} : memref<208xi32, #tpu.memory_space<vmem>>, vector<16xi32>,
      %get3A_409 = arith.index_cast %add3A_324 : i32 to index
      %get3A_410 = arith.constant 64 : index
      %get3A_411 = tpu.vector_load %arg5[%get3A_409, %get3A_410] {strides = array<i32>} : memref<32x208xi32, #tpu.memory_space<vmem>>, vector<1x16xi32>,
      %get3A_412 = vector.shape_cast %get3A_411 : vector<1x16xi32> to vector<16xi32>
      %sub3A_413 = arith.constant 500000 : i32
      %sub3A_414 = vector.broadcast %sub3A_413 : i32 to vector<16xi32>
      %sub3A_415 = arith.subi %get3A_412, %sub3A_414 : vector<16xi32>
      %shift_right_arithmetic3A_416 = arith.constant 31 : i32
      %shift_right_arithmetic3A_417 = vector.broadcast %shift_right_arithmetic3A_416 : i32 to vector<16xi32>
      %shift_right_arithmetic3A_418 = arith.shrsi %sub3A_415, %shift_right_arithmetic3A_417 : vector<16xi32>
      %add3A_419 = arith.constant 1 : i32
      %add3A_420 = vector.broadcast %add3A_419 : i32 to vector<16xi32>
      %add3A_421 = arith.addi %add3A_420, %shift_right_arithmetic3A_418 : vector<16xi32>
      %mul3A_422 = arith.constant 500000 : i32
      %mul3A_423 = vector.broadcast %mul3A_422 : i32 to vector<16xi32>
      %mul3A_424 = arith.muli %add3A_421, %mul3A_423 : vector<16xi32>
      %sub3A_425 = arith.subi %get3A_412, %mul3A_424 : vector<16xi32>
      %swap3A_426 = arith.constant 64 : index
      %swap3A_427 = tpu.vector_load %arg7[%swap3A_426] {strides = array<i32>} : memref<208xi32, #tpu.memory_space<vmem>>, vector<16xi32>,
      %swap3A_428 = vector.shape_cast %swap3A_427 : vector<16xi32> to vector<16xi32>
      %swap3A_429 = vector.shape_cast %sub3A_425 : vector<16xi32> to vector<16xi32>
      tpu.vector_store %arg7[%swap3A_426], %swap3A_429 {strides = array<i32>} : memref<208xi32, #tpu.memory_space<vmem>>, vector<16xi32>,
      %get3A_430 = arith.index_cast %add3A_324 : i32 to index
      %get3A_431 = arith.constant 80 : index
      %get3A_432 = tpu.vector_load %arg5[%get3A_430, %get3A_431] {strides = array<i32>} : memref<32x208xi32, #tpu.memory_space<vmem>>, vector<1x16xi32>,
      %get3A_433 = vector.shape_cast %get3A_432 : vector<1x16xi32> to vector<16xi32>
      %sub3A_434 = arith.constant 500000 : i32
      %sub3A_435 = vector.broadcast %sub3A_434 : i32 to vector<16xi32>
      %sub3A_436 = arith.subi %get3A_433, %sub3A_435 : vector<16xi32>
      %shift_right_arithmetic3A_437 = arith.constant 31 : i32
      %shift_right_arithmetic3A_438 = vector.broadcast %shift_right_arithmetic3A_437 : i32 to vector<16xi32>
      %shift_right_arithmetic3A_439 = arith.shrsi %sub3A_436, %shift_right_arithmetic3A_438 : vector<16xi32>
      %add3A_440 = arith.constant 1 : i32
      %add3A_441 = vector.broadcast %add3A_440 : i32 to vector<16xi32>
      %add3A_442 = arith.addi %add3A_441, %shift_right_arithmetic3A_439 : vector<16xi32>
      %mul3A_443 = arith.constant 500000 : i32
      %mul3A_444 = vector.broadcast %mul3A_443 : i32 to vector<16xi32>
      %mul3A_445 = arith.muli %add3A_442, %mul3A_444 : vector<16xi32>
      %sub3A_446 = arith.subi %get3A_433, %mul3A_445 : vector<16xi32>
      %swap3A_447 = arith.constant 80 : index
      %swap3A_448 = tpu.vector_load %arg7[%swap3A_447] {strides = array<i32>} : memref<208xi32, #tpu.memory_space<vmem>>, vector<16xi32>,
      %swap3A_449 = vector.shape_cast %swap3A_448 : vector<16xi32> to vector<16xi32>
      %swap3A_450 = vector.shape_cast %sub3A_446 : vector<16xi32> to vector<16xi32>
      tpu.vector_store %arg7[%swap3A_447], %swap3A_450 {strides = array<i32>} : memref<208xi32, #tpu.memory_space<vmem>>, vector<16xi32>,
      %get3A_451 = arith.index_cast %add3A_324 : i32 to index
      %get3A_452 = arith.constant 96 : index
      %get3A_453 = tpu.vector_load %arg5[%get3A_451, %get3A_452] {strides = array<i32>} : memref<32x208xi32, #tpu.memory_space<vmem>>, vector<1x16xi32>,
      %get3A_454 = vector.shape_cast %get3A_453 : vector<1x16xi32> to vector<16xi32>
      %sub3A_455 = arith.constant 500000 : i32
      %sub3A_456 = vector.broadcast %sub3A_455 : i32 to vector<16xi32>
      %sub3A_457 = arith.subi %get3A_454, %sub3A_456 : vector<16xi32>
      %shift_right_arithmetic3A_458 = arith.constant 31 : i32
      %shift_right_arithmetic3A_459 = vector.broadcast %shift_right_arithmetic3A_458 : i32 to vector<16xi32>
      %shift_right_arithmetic3A_460 = arith.shrsi %sub3A_457, %shift_right_arithmetic3A_459 : vector<16xi32>
      %add3A_461 = arith.constant 1 : i32
      %add3A_462 = vector.broadcast %add3A_461 : i32 to vector<16xi32>
      %add3A_463 = arith.addi %add3A_462, %shift_right_arithmetic3A_460 : vector<16xi32>
      %mul3A_464 = arith.constant 500000 : i32
      %mul3A_465 = vector.broadcast %mul3A_464 : i32 to vector<16xi32>
      %mul3A_466 = arith.muli %add3A_463, %mul3A_465 : vector<16xi32>
      %sub3A_467 = arith.subi %get3A_454, %mul3A_466 : vector<16xi32>
      %swap3A_468 = arith.constant 96 : index
      %swap3A_469 = tpu.vector_load %arg7[%swap3A_468] {strides = array<i32>} : memref<208xi32, #tpu.memory_space<vmem>>, vector<16xi32>,
      %swap3A_470 = vector.shape_cast %swap3A_469 : vector<16xi32> to vector<16xi32>
      %swap3A_471 = vector.shape_cast %sub3A_467 : vector<16xi32> to vector<16xi32>
      tpu.vector_store %arg7[%swap3A_468], %swap3A_471 {strides = array<i32>} : memref<208xi32, #tpu.memory_space<vmem>>, vector<16xi32>,
      %get3A_472 = arith.index_cast %add3A_324 : i32 to index
      %get3A_473 = arith.constant 112 : index
      %get3A_474 = tpu.vector_load %arg5[%get3A_472, %get3A_473] {strides = array<i32>} : memref<32x208xi32, #tpu.memory_space<vmem>>, vector<1x16xi32>,
      %get3A_475 = vector.shape_cast %get3A_474 : vector<1x16xi32> to vector<16xi32>
      %sub3A_476 = arith.constant 500000 : i32
      %sub3A_477 = vector.broadcast %sub3A_476 : i32 to vector<16xi32>
      %sub3A_478 = arith.subi %get3A_475, %sub3A_477 : vector<16xi32>
      %shift_right_arithmetic3A_479 = arith.constant 31 : i32
      %shift_right_arithmetic3A_480 = vector.broadcast %shift_right_arithmetic3A_479 : i32 to vector<16xi32>
      %shift_right_arithmetic3A_481 = arith.shrsi %sub3A_478, %shift_right_arithmetic3A_480 : vector<16xi32>
      %add3A_482 = arith.constant 1 : i32
      %add3A_483 = vector.broadcast %add3A_482 : i32 to vector<16xi32>
      %add3A_484 = arith.addi %add3A_483, %shift_right_arithmetic3A_481 : vector<16xi32>
      %mul3A_485 = arith.constant 500000 : i32
      %mul3A_486 = vector.broadcast %mul3A_485 : i32 to vector<16xi32>
      %mul3A_487 = arith.muli %add3A_484, %mul3A_486 : vector<16xi32>
      %sub3A_488 = arith.subi %get3A_475, %mul3A_487 : vector<16xi32>
      %swap3A_489 = arith.constant 112 : index
      %swap3A_490 = tpu.vector_load %arg7[%swap3A_489] {strides = array<i32>} : memref<208xi32, #tpu.memory_space<vmem>>, vector<16xi32>,
      %swap3A_491 = vector.shape_cast %swap3A_490 : vector<16xi32> to vector<16xi32>
      %swap3A_492 = vector.shape_cast %sub3A_488 : vector<16xi32> to vector<16xi32>
      tpu.vector_store %arg7[%swap3A_489], %swap3A_492 {strides = array<i32>} : memref<208xi32, #tpu.memory_space<vmem>>, vector<16xi32>,
      %get3A_493 = arith.index_cast %add3A_324 : i32 to index
      %get3A_494 = arith.constant 128 : index
      %get3A_495 = tpu.vector_load %arg5[%get3A_493, %get3A_494] {strides = array<i32>} : memref<32x208xi32, #tpu.memory_space<vmem>>, vector<1x16xi32>,
      %get3A_496 = vector.shape_cast %get3A_495 : vector<1x16xi32> to vector<16xi32>
      %sub3A_497 = arith.constant 500000 : i32
      %sub3A_498 = vector.broadcast %sub3A_497 : i32 to vector<16xi32>
      %sub3A_499 = arith.subi %get3A_496, %sub3A_498 : vector<16xi32>
      %shift_right_arithmetic3A_500 = arith.constant 31 : i32
      %shift_right_arithmetic3A_501 = vector.broadcast %shift_right_arithmetic3A_500 : i32 to vector<16xi32>
      %shift_right_arithmetic3A_502 = arith.shrsi %sub3A_499, %shift_right_arithmetic3A_501 : vector<16xi32>
      %add3A_503 = arith.constant 1 : i32
      %add3A_504 = vector.broadcast %add3A_503 : i32 to vector<16xi32>
      %add3A_505 = arith.addi %add3A_504, %shift_right_arithmetic3A_502 : vector<16xi32>
      %mul3A_506 = arith.constant 500000 : i32
      %mul3A_507 = vector.broadcast %mul3A_506 : i32 to vector<16xi32>
      %mul3A_508 = arith.muli %add3A_505, %mul3A_507 : vector<16xi32>
      %sub3A_509 = arith.subi %get3A_496, %mul3A_508 : vector<16xi32>
      %swap3A_510 = arith.constant 128 : index
      %swap3A_511 = tpu.vector_load %arg7[%swap3A_510] {strides = array<i32>} : memref<208xi32, #tpu.memory_space<vmem>>, vector<16xi32>,
      %swap3A_512 = vector.shape_cast %swap3A_511 : vector<16xi32> to vector<16xi32>
      %swap3A_513 = vector.shape_cast %sub3A_509 : vector<16xi32> to vector<16xi32>
      tpu.vector_store %arg7[%swap3A_510], %swap3A_513 {strides = array<i32>} : memref<208xi32, #tpu.memory_space<vmem>>, vector<16xi32>,
      %get3A_514 = arith.index_cast %add3A_324 : i32 to index
      %get3A_515 = arith.constant 144 : index
      %get3A_516 = tpu.vector_load %arg5[%get3A_514, %get3A_515] {strides = array<i32>} : memref<32x208xi32, #tpu.memory_space<vmem>>, vector<1x16xi32>,
      %get3A_517 = vector.shape_cast %get3A_516 : vector<1x16xi32> to vector<16xi32>
      %sub3A_518 = arith.constant 500000 : i32
      %sub3A_519 = vector.broadcast %sub3A_518 : i32 to vector<16xi32>
      %sub3A_520 = arith.subi %get3A_517, %sub3A_519 : vector<16xi32>
      %shift_right_arithmetic3A_521 = arith.constant 31 : i32
      %shift_right_arithmetic3A_522 = vector.broadcast %shift_right_arithmetic3A_521 : i32 to vector<16xi32>
      %shift_right_arithmetic3A_523 = arith.shrsi %sub3A_520, %shift_right_arithmetic3A_522 : vector<16xi32>
      %add3A_524 = arith.constant 1 : i32
      %add3A_525 = vector.broadcast %add3A_524 : i32 to vector<16xi32>
      %add3A_526 = arith.addi %add3A_525, %shift_right_arithmetic3A_523 : vector<16xi32>
      %mul3A_527 = arith.constant 500000 : i32
      %mul3A_528 = vector.broadcast %mul3A_527 : i32 to vector<16xi32>
      %mul3A_529 = arith.muli %add3A_526, %mul3A_528 : vector<16xi32>
      %sub3A_530 = arith.subi %get3A_517, %mul3A_529 : vector<16xi32>
      %swap3A_531 = arith.constant 144 : index
      %swap3A_532 = tpu.vector_load %arg7[%swap3A_531] {strides = array<i32>} : memref<208xi32, #tpu.memory_space<vmem>>, vector<16xi32>,
      %swap3A_533 = vector.shape_cast %swap3A_532 : vector<16xi32> to vector<16xi32>
      %swap3A_534 = vector.shape_cast %sub3A_530 : vector<16xi32> to vector<16xi32>
      tpu.vector_store %arg7[%swap3A_531], %swap3A_534 {strides = array<i32>} : memref<208xi32, #tpu.memory_space<vmem>>, vector<16xi32>,
      %get3A_535 = arith.index_cast %add3A_324 : i32 to index
      %get3A_536 = arith.constant 160 : index
      %get3A_537 = tpu.vector_load %arg5[%get3A_535, %get3A_536] {strides = array<i32>} : memref<32x208xi32, #tpu.memory_space<vmem>>, vector<1x16xi32>,
      %get3A_538 = vector.shape_cast %get3A_537 : vector<1x16xi32> to vector<16xi32>
      %sub3A_539 = arith.constant 500000 : i32
      %sub3A_540 = vector.broadcast %sub3A_539 : i32 to vector<16xi32>
      %sub3A_541 = arith.subi %get3A_538, %sub3A_540 : vector<16xi32>
      %shift_right_arithmetic3A_542 = arith.constant 31 : i32
      %shift_right_arithmetic3A_543 = vector.broadcast %shift_right_arithmetic3A_542 : i32 to vector<16xi32>
      %shift_right_arithmetic3A_544 = arith.shrsi %sub3A_541, %shift_right_arithmetic3A_543 : vector<16xi32>
      %add3A_545 = arith.constant 1 : i32
      %add3A_546 = vector.broadcast %add3A_545 : i32 to vector<16xi32>
      %add3A_547 = arith.addi %add3A_546, %shift_right_arithmetic3A_544 : vector<16xi32>
      %mul3A_548 = arith.constant 500000 : i32
      %mul3A_549 = vector.broadcast %mul3A_548 : i32 to vector<16xi32>
      %mul3A_550 = arith.muli %add3A_547, %mul3A_549 : vector<16xi32>
      %sub3A_551 = arith.subi %get3A_538, %mul3A_550 : vector<16xi32>
      %swap3A_552 = arith.constant 160 : index
      %swap3A_553 = tpu.vector_load %arg7[%swap3A_552] {strides = array<i32>} : memref<208xi32, #tpu.memory_space<vmem>>, vector<16xi32>,
      %swap3A_554 = vector.shape_cast %swap3A_553 : vector<16xi32> to vector<16xi32>
      %swap3A_555 = vector.shape_cast %sub3A_551 : vector<16xi32> to vector<16xi32>
      tpu.vector_store %arg7[%swap3A_552], %swap3A_555 {strides = array<i32>} : memref<208xi32, #tpu.memory_space<vmem>>, vector<16xi32>,
      %get3A_556 = arith.index_cast %add3A_324 : i32 to index
      %get3A_557 = arith.constant 176 : index
      %get3A_558 = tpu.vector_load %arg5[%get3A_556, %get3A_557] {strides = array<i32>} : memref<32x208xi32, #tpu.memory_space<vmem>>, vector<1x16xi32>,
      %get3A_559 = vector.shape_cast %get3A_558 : vector<1x16xi32> to vector<16xi32>
      %sub3A_560 = arith.constant 500000 : i32
      %sub3A_561 = vector.broadcast %sub3A_560 : i32 to vector<16xi32>
      %sub3A_562 = arith.subi %get3A_559, %sub3A_561 : vector<16xi32>
      %shift_right_arithmetic3A_563 = arith.constant 31 : i32
      %shift_right_arithmetic3A_564 = vector.broadcast %shift_right_arithmetic3A_563 : i32 to vector<16xi32>
      %shift_right_arithmetic3A_565 = arith.shrsi %sub3A_562, %shift_right_arithmetic3A_564 : vector<16xi32>
      %add3A_566 = arith.constant 1 : i32
      %add3A_567 = vector.broadcast %add3A_566 : i32 to vector<16xi32>
      %add3A_568 = arith.addi %add3A_567, %shift_right_arithmetic3A_565 : vector<16xi32>
      %mul3A_569 = arith.constant 500000 : i32
      %mul3A_570 = vector.broadcast %mul3A_569 : i32 to vector<16xi32>
      %mul3A_571 = arith.muli %add3A_568, %mul3A_570 : vector<16xi32>
      %sub3A_572 = arith.subi %get3A_559, %mul3A_571 : vector<16xi32>
      %swap3A_573 = arith.constant 176 : index
      %swap3A_574 = tpu.vector_load %arg7[%swap3A_573] {strides = array<i32>} : memref<208xi32, #tpu.memory_space<vmem>>, vector<16xi32>,
      %swap3A_575 = vector.shape_cast %swap3A_574 : vector<16xi32> to vector<16xi32>
      %swap3A_576 = vector.shape_cast %sub3A_572 : vector<16xi32> to vector<16xi32>
      tpu.vector_store %arg7[%swap3A_573], %swap3A_576 {strides = array<i32>} : memref<208xi32, #tpu.memory_space<vmem>>, vector<16xi32>,
      %get3A_577 = arith.index_cast %add3A_324 : i32 to index
      %get3A_578 = arith.constant 192 : index
      %get3A_579 = tpu.vector_load %arg5[%get3A_577, %get3A_578] {strides = array<i32>} : memref<32x208xi32, #tpu.memory_space<vmem>>, vector<1x16xi32>,
      %get3A_580 = vector.shape_cast %get3A_579 : vector<1x16xi32> to vector<16xi32>
      %sub3A_581 = arith.constant 500000 : i32
      %sub3A_582 = vector.broadcast %sub3A_581 : i32 to vector<16xi32>
      %sub3A_583 = arith.subi %get3A_580, %sub3A_582 : vector<16xi32>
      %shift_right_arithmetic3A_584 = arith.constant 31 : i32
      %shift_right_arithmetic3A_585 = vector.broadcast %shift_right_arithmetic3A_584 : i32 to vector<16xi32>
      %shift_right_arithmetic3A_586 = arith.shrsi %sub3A_583, %shift_right_arithmetic3A_585 : vector<16xi32>
      %add3A_587 = arith.constant 1 : i32
      %add3A_588 = vector.broadcast %add3A_587 : i32 to vector<16xi32>
      %add3A_589 = arith.addi %add3A_588, %shift_right_arithmetic3A_586 : vector<16xi32>
      %mul3A_590 = arith.constant 500000 : i32
      %mul3A_591 = vector.broadcast %mul3A_590 : i32 to vector<16xi32>
      %mul3A_592 = arith.muli %add3A_589, %mul3A_591 : vector<16xi32>
      %sub3A_593 = arith.subi %get3A_580, %mul3A_592 : vector<16xi32>
      %swap3A_594 = arith.constant 192 : index
      %swap3A_595 = tpu.vector_load %arg7[%swap3A_594] {strides = array<i32>} : memref<208xi32, #tpu.memory_space<vmem>>, vector<16xi32>,
      %swap3A_596 = vector.shape_cast %swap3A_595 : vector<16xi32> to vector<16xi32>
      %swap3A_597 = vector.shape_cast %sub3A_593 : vector<16xi32> to vector<16xi32>
      tpu.vector_store %arg7[%swap3A_594], %swap3A_597 {strides = array<i32>} : memref<208xi32, #tpu.memory_space<vmem>>, vector<16xi32>,
      %dma_start3A_598 = arith.constant 0 : i32
      %dma_start3A_599 = arith.constant 0 : i32
      %dma_start3A_600 = tpu.memref_slice %arg9[%dma_start3A_598, %dma_start3A_599] : memref<200x128xf32, #tpu.memory_space<vmem>> -> memref<128x128xf32, #tpu.memory_space<vmem>>
      %dma_start3A_601 = arith.constant 0 : i32
      %dma_start3A_602 = tpu.memref_slice %arg7[%dma_start3A_601] : memref<208xi32, #tpu.memory_space<vmem>> -> memref<128xi32, #tpu.memory_space<vmem>>
      %dma_start3A_603 = arith.constant 0 : i32
      %dma_start3A_604 = arith.constant 0 : i32
      %dma_start3A_605 = tpu.memref_slice %arg3[%dma_start3A_603, %dma_start3A_604] : memref<500000x128xf32, #tpu.memory_space<hbm>> -> memref<500000x128xf32, #tpu.memory_space<hbm>>
      tpu.enqueue_indirect_dma source(%dma_start3A_605 : memref<500000x128xf32, #tpu.memory_space<hbm>>) target(%dma_start3A_600 : memref<128x128xf32, #tpu.memory_space<vmem>>) offsets(%dma_start3A_602 : memref<128xi32, #tpu.memory_space<vmem>>) semaphore(%arg13 : memref<!tpu.dma_semaphore, #tpu.memory_space<semaphore_mem>>)
      %dma_start3A_606 = arith.constant 128 : i32
      %dma_start3A_607 = arith.constant 0 : i32
      %dma_start3A_608 = tpu.memref_slice %arg9[%dma_start3A_606, %dma_start3A_607] : memref<200x128xf32, #tpu.memory_space<vmem>> -> memref<72x128xf32, #tpu.memory_space<vmem>>
      %dma_start3A_609 = arith.constant 128 : i32
      %dma_start3A_610 = tpu.memref_slice %arg7[%dma_start3A_609] : memref<208xi32, #tpu.memory_space<vmem>> -> memref<72xi32, #tpu.memory_space<vmem>>
      %dma_start3A_611 = arith.constant 0 : i32
      %dma_start3A_612 = arith.constant 0 : i32
      %dma_start3A_613 = tpu.memref_slice %arg3[%dma_start3A_611, %dma_start3A_612] : memref<500000x128xf32, #tpu.memory_space<hbm>> -> memref<500000x128xf32, #tpu.memory_space<hbm>>
      tpu.enqueue_indirect_dma source(%dma_start3A_613 : memref<500000x128xf32, #tpu.memory_space<hbm>>) target(%dma_start3A_608 : memref<72x128xf32, #tpu.memory_space<vmem>>) offsets(%dma_start3A_610 : memref<72xi32, #tpu.memory_space<vmem>>) semaphore(%arg13 : memref<!tpu.dma_semaphore, #tpu.memory_space<semaphore_mem>>)
      %mul3A_614 = arith.constant 2 : i32
      %mul3A_615 = arith.muli %mul3A_614, %scan3A_305 : i32
      %scan3A_616 = arith.constant 0 : i32
      %scan3A_617 = arith.constant 0 : i32
      %scan3A_618 = arith.constant 100 : i32
      %scan3A_619 = arith.addi %scan3A_617, %scan3A_618 : i32
      %scan3A_620 = arith.constant 2 : i32
      scf.for %scan3A_824 = %scan3A_617 to %scan3A_619 step %scan3A_620  : i32 {
        %jit3A = arith.constant 8 : i32
        %div3A = arith.divsi %scan3A_824, %jit3A : i32
        %sign3A = arith.constant 0 : i32
        %sign3A_825 = arith.cmpi sgt, %scan3A_824, %sign3A : i32
        %sign3A_826 = arith.extui %sign3A_825 : i1 to i32
        %sign3A_827 = arith.constant 0 : i32
        %sign3A_828 = arith.cmpi slt, %scan3A_824, %sign3A_827 : i32
        %sign3A_829 = arith.extui %sign3A_828 : i1 to i32
        %sign3A_830 = arith.subi %sign3A_826, %sign3A_829 : i32
        %sign3A_831 = arith.constant 0 : i32
        %sign3A_832 = arith.cmpi sgt, %jit3A, %sign3A_831 : i32
        %sign3A_833 = arith.extui %sign3A_832 : i1 to i32
        %sign3A_834 = arith.constant 0 : i32
        %sign3A_835 = arith.cmpi slt, %jit3A, %sign3A_834 : i32
        %sign3A_836 = arith.extui %sign3A_835 : i1 to i32
        %sign3A_837 = arith.subi %sign3A_833, %sign3A_836 : i32
        %ne3A = arith.cmpi ne, %sign3A_830, %sign3A_837 : i32
        %rem3A = arith.remsi %scan3A_824, %jit3A : i32
        %ne3A_838 = arith.constant 0 : i32
        %ne3A_839 = arith.cmpi ne, %rem3A, %ne3A_838 : i32
        %and3A = arith.andi %ne3A, %ne3A_839 : i1
        %sub3A_840 = arith.constant 1 : i32
        %sub3A_841 = arith.subi %div3A, %sub3A_840 : i32
        %select_n3A = arith.select %and3A, %sub3A_841, %div3A : i32
        %mul3A_842 = arith.constant 16 : i32
        %mul3A_843 = arith.muli %select_n3A, %mul3A_842 : i32
        %get3A_844 = arith.index_cast %mul3A_615 : i32 to index
        %get3A_845 = arith.index_cast %mul3A_843 : i32 to index
        %get3A_846 = tpu.vector_load %arg5[%get3A_844, %get3A_845] {strides = array<i32>} : memref<32x208xi32, #tpu.memory_space<vmem>>, vector<1x16xi32>,
        %get3A_847 = vector.shape_cast %get3A_846 : vector<1x16xi32> to vector<16xi32>
        %mul3A_848 = arith.constant 2 : i32
        %mul3A_849 = arith.muli %mul3A_848, %scan3A_824 : i32
        %add3A_850 = arith.constant 0 : i32
        %add3A_851 = arith.addi %mul3A_849, %add3A_850 : i32
        %jit3A_852 = arith.constant 16 : i32
        %eq3A = arith.constant 0 : i32
        %eq3A_853 = arith.cmpi eq, %jit3A_852, %eq3A : i32
        %jit3A_854 = arith.constant 1 : i32
        %select_n3A_855 = arith.select %eq3A_853, %jit3A_854, %jit3A_852 : i32
        %rem3A_856 = arith.remsi %add3A_851, %select_n3A_855 : i32
        %ne3A_857 = arith.constant 0 : i32
        %ne3A_858 = arith.cmpi ne, %rem3A_856, %ne3A_857 : i32
        %lt3A_859 = arith.constant 0 : i32
        %lt3A_860 = arith.cmpi slt, %rem3A_856, %lt3A_859 : i32
        %lt3A_861 = arith.constant 0 : i32
        %lt3A_862 = arith.cmpi slt, %select_n3A_855, %lt3A_861 : i32
        %ne3A_863 = arith.xori %lt3A_860, %lt3A_862 : i1
        %and3A_864 = arith.andi %ne3A_863, %ne3A_858 : i1
        %add3A_865 = arith.addi %rem3A_856, %select_n3A_855 : i32
        %select_n3A_866 = arith.select %and3A_864, %add3A_865, %rem3A_856 : i32
        %broadcast_in_dim3A = vector.broadcast %select_n3A_866 : i32 to vector<16xi32>
        %broadcast_in_dim3A_867 = vector.shape_cast %broadcast_in_dim3A : vector<16xi32> to vector<16x1xi32>
        %gather3A = vector.shape_cast %broadcast_in_dim3A_867 : vector<16x1xi32> to vector<16xi32>
        %gather3A_868 = tpu.dynamic_gather %get3A_847[%gather3A] in [0] : vector<16xi32>, vector<16xi32> -> vector<16xi32>
        %sub3A_869 = arith.constant 500000 : i32
        %sub3A_870 = vector.broadcast %sub3A_869 : i32 to vector<16xi32>
        %sub3A_871 = arith.subi %gather3A_868, %sub3A_870 : vector<16xi32>
        %shift_right_arithmetic3A_872 = arith.constant 31 : i32
        %shift_right_arithmetic3A_873 = vector.broadcast %shift_right_arithmetic3A_872 : i32 to vector<16xi32>
        %shift_right_arithmetic3A_874 = arith.shrsi %sub3A_871, %shift_right_arithmetic3A_873 : vector<16xi32>
        %add3A_875 = arith.constant 1 : i32
        %add3A_876 = vector.broadcast %add3A_875 : i32 to vector<16xi32>
        %add3A_877 = arith.addi %add3A_876, %shift_right_arithmetic3A_874 : vector<16xi32>
        %convert_element_type3A_878 = arith.sitofp %add3A_877 : vector<16xi32> to vector<16xf32>
        %sub3A_879 = arith.constant 1.000000e+00 : f32
        %sub3A_880 = vector.broadcast %sub3A_879 : f32 to vector<16xf32>
        %sub3A_881 = arith.subf %sub3A_880, %convert_element_type3A_878 : vector<16xf32>
        %get3A_882 = arith.index_cast %add3A_851 : i32 to index
        %get3A_883 = arith.constant 0 : index
        %get3A_884 = tpu.vector_load %arg8[%get3A_882, %get3A_883] {strides = array<i32>} : memref<200x128xf32, #tpu.memory_space<vmem>>, vector<1x16xf32>,
        %get3A_885 = vector.shape_cast %get3A_884 : vector<1x16xf32> to vector<16xf32>
        %get3A_886 = arith.index_cast %add3A_851 : i32 to index
        %get3A_887 = arith.constant 64 : index
        %get3A_888 = tpu.vector_load %arg8[%get3A_886, %get3A_887] {strides = array<i32>} : memref<200x128xf32, #tpu.memory_space<vmem>>, vector<1x16xf32>,
        %get3A_889 = vector.shape_cast %get3A_888 : vector<1x16xf32> to vector<16xf32>
        %mul3A_890 = arith.mulf %get3A_885, %sub3A_881 : vector<16xf32>
        %mul3A_891 = arith.mulf %get3A_889, %convert_element_type3A_878 : vector<16xf32>
        %add3A_892 = arith.addf %mul3A_890, %mul3A_891 : vector<16xf32>
        %swap3A_893 = arith.index_cast %scan3A_824 : i32 to index
        %swap3A_894 = arith.constant 0 : index
        %swap3A_895 = tpu.vector_load %arg10[%swap3A_893, %swap3A_894] {strides = array<i32>} : memref<112x128xf32, #tpu.memory_space<vmem>>, vector<1x16xf32>,
        %swap3A_896 = vector.shape_cast %swap3A_895 : vector<1x16xf32> to vector<16xf32>
        %swap3A_897 = vector.shape_cast %add3A_892 : vector<16xf32> to vector<1x16xf32>
        tpu.vector_store %arg10[%swap3A_893, %swap3A_894], %swap3A_897 {strides = array<i32>} : memref<112x128xf32, #tpu.memory_space<vmem>>, vector<1x16xf32>,
        %get3A_898 = arith.index_cast %add3A_851 : i32 to index
        %get3A_899 = arith.constant 16 : index
        %get3A_900 = tpu.vector_load %arg8[%get3A_898, %get3A_899] {strides = array<i32>} : memref<200x128xf32, #tpu.memory_space<vmem>>, vector<1x16xf32>,
        %get3A_901 = vector.shape_cast %get3A_900 : vector<1x16xf32> to vector<16xf32>
        %get3A_902 = arith.index_cast %add3A_851 : i32 to index
        %get3A_903 = arith.constant 80 : index
        %get3A_904 = tpu.vector_load %arg8[%get3A_902, %get3A_903] {strides = array<i32>} : memref<200x128xf32, #tpu.memory_space<vmem>>, vector<1x16xf32>,
        %get3A_905 = vector.shape_cast %get3A_904 : vector<1x16xf32> to vector<16xf32>
        %mul3A_906 = arith.mulf %get3A_901, %sub3A_881 : vector<16xf32>
        %mul3A_907 = arith.mulf %get3A_905, %convert_element_type3A_878 : vector<16xf32>
        %add3A_908 = arith.addf %mul3A_906, %mul3A_907 : vector<16xf32>
        %swap3A_909 = arith.index_cast %scan3A_824 : i32 to index
        %swap3A_910 = arith.constant 16 : index
        %swap3A_911 = tpu.vector_load %arg10[%swap3A_909, %swap3A_910] {strides = array<i32>} : memref<112x128xf32, #tpu.memory_space<vmem>>, vector<1x16xf32>,
        %swap3A_912 = vector.shape_cast %swap3A_911 : vector<1x16xf32> to vector<16xf32>
        %swap3A_913 = vector.shape_cast %add3A_908 : vector<16xf32> to vector<1x16xf32>
        tpu.vector_store %arg10[%swap3A_909, %swap3A_910], %swap3A_913 {strides = array<i32>} : memref<112x128xf32, #tpu.memory_space<vmem>>, vector<1x16xf32>,
        %get3A_914 = arith.index_cast %add3A_851 : i32 to index
        %get3A_915 = arith.constant 32 : index
        %get3A_916 = tpu.vector_load %arg8[%get3A_914, %get3A_915] {strides = array<i32>} : memref<200x128xf32, #tpu.memory_space<vmem>>, vector<1x16xf32>,
        %get3A_917 = vector.shape_cast %get3A_916 : vector<1x16xf32> to vector<16xf32>
        %get3A_918 = arith.index_cast %add3A_851 : i32 to index
        %get3A_919 = arith.constant 96 : index
        %get3A_920 = tpu.vector_load %arg8[%get3A_918, %get3A_919] {strides = array<i32>} : memref<200x128xf32, #tpu.memory_space<vmem>>, vector<1x16xf32>,
        %get3A_921 = vector.shape_cast %get3A_920 : vector<1x16xf32> to vector<16xf32>
        %mul3A_922 = arith.mulf %get3A_917, %sub3A_881 : vector<16xf32>
        %mul3A_923 = arith.mulf %get3A_921, %convert_element_type3A_878 : vector<16xf32>
        %add3A_924 = arith.addf %mul3A_922, %mul3A_923 : vector<16xf32>
        %swap3A_925 = arith.index_cast %scan3A_824 : i32 to index
        %swap3A_926 = arith.constant 32 : index
        %swap3A_927 = tpu.vector_load %arg10[%swap3A_925, %swap3A_926] {strides = array<i32>} : memref<112x128xf32, #tpu.memory_space<vmem>>, vector<1x16xf32>,
        %swap3A_928 = vector.shape_cast %swap3A_927 : vector<1x16xf32> to vector<16xf32>
        %swap3A_929 = vector.shape_cast %add3A_924 : vector<16xf32> to vector<1x16xf32>
        tpu.vector_store %arg10[%swap3A_925, %swap3A_926], %swap3A_929 {strides = array<i32>} : memref<112x128xf32, #tpu.memory_space<vmem>>, vector<1x16xf32>,
        %get3A_930 = arith.index_cast %add3A_851 : i32 to index
        %get3A_931 = arith.constant 48 : index
        %get3A_932 = tpu.vector_load %arg8[%get3A_930, %get3A_931] {strides = array<i32>} : memref<200x128xf32, #tpu.memory_space<vmem>>, vector<1x16xf32>,
        %get3A_933 = vector.shape_cast %get3A_932 : vector<1x16xf32> to vector<16xf32>
        %get3A_934 = arith.index_cast %add3A_851 : i32 to index
        %get3A_935 = arith.constant 112 : index
        %get3A_936 = tpu.vector_load %arg8[%get3A_934, %get3A_935] {strides = array<i32>} : memref<200x128xf32, #tpu.memory_space<vmem>>, vector<1x16xf32>,
        %get3A_937 = vector.shape_cast %get3A_936 : vector<1x16xf32> to vector<16xf32>
        %mul3A_938 = arith.mulf %get3A_933, %sub3A_881 : vector<16xf32>
        %mul3A_939 = arith.mulf %get3A_937, %convert_element_type3A_878 : vector<16xf32>
        %add3A_940 = arith.addf %mul3A_938, %mul3A_939 : vector<16xf32>
        %swap3A_941 = arith.index_cast %scan3A_824 : i32 to index
        %swap3A_942 = arith.constant 48 : index
        %swap3A_943 = tpu.vector_load %arg10[%swap3A_941, %swap3A_942] {strides = array<i32>} : memref<112x128xf32, #tpu.memory_space<vmem>>, vector<1x16xf32>,
        %swap3A_944 = vector.shape_cast %swap3A_943 : vector<1x16xf32> to vector<16xf32>
        %swap3A_945 = vector.shape_cast %add3A_940 : vector<16xf32> to vector<1x16xf32>
        tpu.vector_store %arg10[%swap3A_941, %swap3A_942], %swap3A_945 {strides = array<i32>} : memref<112x128xf32, #tpu.memory_space<vmem>>, vector<1x16xf32>,
        %mul3A_946 = arith.constant 2 : i32
        %mul3A_947 = arith.muli %mul3A_946, %scan3A_824 : i32
        %add3A_948 = arith.constant 1 : i32
        %add3A_949 = arith.addi %mul3A_947, %add3A_948 : i32
        %jit3A_950 = arith.constant 16 : i32
        %eq3A_951 = arith.constant 0 : i32
        %eq3A_952 = arith.cmpi eq, %jit3A_950, %eq3A_951 : i32
        %jit3A_953 = arith.constant 1 : i32
        %select_n3A_954 = arith.select %eq3A_952, %jit3A_953, %jit3A_950 : i32
        %rem3A_955 = arith.remsi %add3A_949, %select_n3A_954 : i32
        %ne3A_956 = arith.constant 0 : i32
        %ne3A_957 = arith.cmpi ne, %rem3A_955, %ne3A_956 : i32
        %lt3A_958 = arith.constant 0 : i32
        %lt3A_959 = arith.cmpi slt, %rem3A_955, %lt3A_958 : i32
        %lt3A_960 = arith.constant 0 : i32
        %lt3A_961 = arith.cmpi slt, %select_n3A_954, %lt3A_960 : i32
        %ne3A_962 = arith.xori %lt3A_959, %lt3A_961 : i1
        %and3A_963 = arith.andi %ne3A_962, %ne3A_957 : i1
        %add3A_964 = arith.addi %rem3A_955, %select_n3A_954 : i32
        %select_n3A_965 = arith.select %and3A_963, %add3A_964, %rem3A_955 : i32
        %broadcast_in_dim3A_966 = vector.broadcast %select_n3A_965 : i32 to vector<16xi32>
        %broadcast_in_dim3A_967 = vector.shape_cast %broadcast_in_dim3A_966 : vector<16xi32> to vector<16x1xi32>
        %gather3A_968 = vector.shape_cast %broadcast_in_dim3A_967 : vector<16x1xi32> to vector<16xi32>
        %gather3A_969 = tpu.dynamic_gather %get3A_847[%gather3A_968] in [0] : vector<16xi32>, vector<16xi32> -> vector<16xi32>
        %sub3A_970 = arith.constant 500000 : i32
        %sub3A_971 = vector.broadcast %sub3A_970 : i32 to vector<16xi32>
        %sub3A_972 = arith.subi %gather3A_969, %sub3A_971 : vector<16xi32>
        %shift_right_arithmetic3A_973 = arith.constant 31 : i32
        %shift_right_arithmetic3A_974 = vector.broadcast %shift_right_arithmetic3A_973 : i32 to vector<16xi32>
        %shift_right_arithmetic3A_975 = arith.shrsi %sub3A_972, %shift_right_arithmetic3A_974 : vector<16xi32>
        %add3A_976 = arith.constant 1 : i32
        %add3A_977 = vector.broadcast %add3A_976 : i32 to vector<16xi32>
        %add3A_978 = arith.addi %add3A_977, %shift_right_arithmetic3A_975 : vector<16xi32>
        %convert_element_type3A_979 = arith.sitofp %add3A_978 : vector<16xi32> to vector<16xf32>
        %sub3A_980 = arith.constant 1.000000e+00 : f32
        %sub3A_981 = vector.broadcast %sub3A_980 : f32 to vector<16xf32>
        %sub3A_982 = arith.subf %sub3A_981, %convert_element_type3A_979 : vector<16xf32>
        %get3A_983 = arith.index_cast %add3A_949 : i32 to index
        %get3A_984 = arith.constant 0 : index
        %get3A_985 = tpu.vector_load %arg8[%get3A_983, %get3A_984] {strides = array<i32>} : memref<200x128xf32, #tpu.memory_space<vmem>>, vector<1x16xf32>,
        %get3A_986 = vector.shape_cast %get3A_985 : vector<1x16xf32> to vector<16xf32>
        %get3A_987 = arith.index_cast %add3A_949 : i32 to index
        %get3A_988 = arith.constant 64 : index
        %get3A_989 = tpu.vector_load %arg8[%get3A_987, %get3A_988] {strides = array<i32>} : memref<200x128xf32, #tpu.memory_space<vmem>>, vector<1x16xf32>,
        %get3A_990 = vector.shape_cast %get3A_989 : vector<1x16xf32> to vector<16xf32>
        %mul3A_991 = arith.mulf %get3A_986, %sub3A_982 : vector<16xf32>
        %mul3A_992 = arith.mulf %get3A_990, %convert_element_type3A_979 : vector<16xf32>
        %add3A_993 = arith.addf %mul3A_991, %mul3A_992 : vector<16xf32>
        %swap3A_994 = arith.index_cast %scan3A_824 : i32 to index
        %swap3A_995 = arith.constant 64 : index
        %swap3A_996 = tpu.vector_load %arg10[%swap3A_994, %swap3A_995] {strides = array<i32>} : memref<112x128xf32, #tpu.memory_space<vmem>>, vector<1x16xf32>,
        %swap3A_997 = vector.shape_cast %swap3A_996 : vector<1x16xf32> to vector<16xf32>
        %swap3A_998 = vector.shape_cast %add3A_993 : vector<16xf32> to vector<1x16xf32>
        tpu.vector_store %arg10[%swap3A_994, %swap3A_995], %swap3A_998 {strides = array<i32>} : memref<112x128xf32, #tpu.memory_space<vmem>>, vector<1x16xf32>,
        %get3A_999 = arith.index_cast %add3A_949 : i32 to index
        %get3A_1000 = arith.constant 16 : index
        %get3A_1001 = tpu.vector_load %arg8[%get3A_999, %get3A_1000] {strides = array<i32>} : memref<200x128xf32, #tpu.memory_space<vmem>>, vector<1x16xf32>,
        %get3A_1002 = vector.shape_cast %get3A_1001 : vector<1x16xf32> to vector<16xf32>
        %get3A_1003 = arith.index_cast %add3A_949 : i32 to index
        %get3A_1004 = arith.constant 80 : index
        %get3A_1005 = tpu.vector_load %arg8[%get3A_1003, %get3A_1004] {strides = array<i32>} : memref<200x128xf32, #tpu.memory_space<vmem>>, vector<1x16xf32>,
        %get3A_1006 = vector.shape_cast %get3A_1005 : vector<1x16xf32> to vector<16xf32>
        %mul3A_1007 = arith.mulf %get3A_1002, %sub3A_982 : vector<16xf32>
        %mul3A_1008 = arith.mulf %get3A_1006, %convert_element_type3A_979 : vector<16xf32>
        %add3A_1009 = arith.addf %mul3A_1007, %mul3A_1008 : vector<16xf32>
        %swap3A_1010 = arith.index_cast %scan3A_824 : i32 to index
        %swap3A_1011 = arith.constant 80 : index
        %swap3A_1012 = tpu.vector_load %arg10[%swap3A_1010, %swap3A_1011] {strides = array<i32>} : memref<112x128xf32, #tpu.memory_space<vmem>>, vector<1x16xf32>,
        %swap3A_1013 = vector.shape_cast %swap3A_1012 : vector<1x16xf32> to vector<16xf32>
        %swap3A_1014 = vector.shape_cast %add3A_1009 : vector<16xf32> to vector<1x16xf32>
        tpu.vector_store %arg10[%swap3A_1010, %swap3A_1011], %swap3A_1014 {strides = array<i32>} : memref<112x128xf32, #tpu.memory_space<vmem>>, vector<1x16xf32>,
        %get3A_1015 = arith.index_cast %add3A_949 : i32 to index
        %get3A_1016 = arith.constant 32 : index
        %get3A_1017 = tpu.vector_load %arg8[%get3A_1015, %get3A_1016] {strides = array<i32>} : memref<200x128xf32, #tpu.memory_space<vmem>>, vector<1x16xf32>,
        %get3A_1018 = vector.shape_cast %get3A_1017 : vector<1x16xf32> to vector<16xf32>
        %get3A_1019 = arith.index_cast %add3A_949 : i32 to index
        %get3A_1020 = arith.constant 96 : index
        %get3A_1021 = tpu.vector_load %arg8[%get3A_1019, %get3A_1020] {strides = array<i32>} : memref<200x128xf32, #tpu.memory_space<vmem>>, vector<1x16xf32>,
        %get3A_1022 = vector.shape_cast %get3A_1021 : vector<1x16xf32> to vector<16xf32>
        %mul3A_1023 = arith.mulf %get3A_1018, %sub3A_982 : vector<16xf32>
        %mul3A_1024 = arith.mulf %get3A_1022, %convert_element_type3A_979 : vector<16xf32>
        %add3A_1025 = arith.addf %mul3A_1023, %mul3A_1024 : vector<16xf32>
        %swap3A_1026 = arith.index_cast %scan3A_824 : i32 to index
        %swap3A_1027 = arith.constant 96 : index
        %swap3A_1028 = tpu.vector_load %arg10[%swap3A_1026, %swap3A_1027] {strides = array<i32>} : memref<112x128xf32, #tpu.memory_space<vmem>>, vector<1x16xf32>,
        %swap3A_1029 = vector.shape_cast %swap3A_1028 : vector<1x16xf32> to vector<16xf32>
        %swap3A_1030 = vector.shape_cast %add3A_1025 : vector<16xf32> to vector<1x16xf32>
        tpu.vector_store %arg10[%swap3A_1026, %swap3A_1027], %swap3A_1030 {strides = array<i32>} : memref<112x128xf32, #tpu.memory_space<vmem>>, vector<1x16xf32>,
        %get3A_1031 = arith.index_cast %add3A_949 : i32 to index
        %get3A_1032 = arith.constant 48 : index
        %get3A_1033 = tpu.vector_load %arg8[%get3A_1031, %get3A_1032] {strides = array<i32>} : memref<200x128xf32, #tpu.memory_space<vmem>>, vector<1x16xf32>,
        %get3A_1034 = vector.shape_cast %get3A_1033 : vector<1x16xf32> to vector<16xf32>
        %get3A_1035 = arith.index_cast %add3A_949 : i32 to index
        %get3A_1036 = arith.constant 112 : index
        %get3A_1037 = tpu.vector_load %arg8[%get3A_1035, %get3A_1036] {strides = array<i32>} : memref<200x128xf32, #tpu.memory_space<vmem>>, vector<1x16xf32>,
        %get3A_1038 = vector.shape_cast %get3A_1037 : vector<1x16xf32> to vector<16xf32>
        %mul3A_1039 = arith.mulf %get3A_1034, %sub3A_982 : vector<16xf32>
        %mul3A_1040 = arith.mulf %get3A_1038, %convert_element_type3A_979 : vector<16xf32>
        %add3A_1041 = arith.addf %mul3A_1039, %mul3A_1040 : vector<16xf32>
        %swap3A_1042 = arith.index_cast %scan3A_824 : i32 to index
        %swap3A_1043 = arith.constant 112 : index
        %swap3A_1044 = tpu.vector_load %arg10[%swap3A_1042, %swap3A_1043] {strides = array<i32>} : memref<112x128xf32, #tpu.memory_space<vmem>>, vector<1x16xf32>,
        %swap3A_1045 = vector.shape_cast %swap3A_1044 : vector<1x16xf32> to vector<16xf32>
        %swap3A_1046 = vector.shape_cast %add3A_1041 : vector<16xf32> to vector<1x16xf32>
        tpu.vector_store %arg10[%swap3A_1042, %swap3A_1043], %swap3A_1046 {strides = array<i32>} : memref<112x128xf32, #tpu.memory_space<vmem>>, vector<1x16xf32>,
        %scan3A_1047 = arith.constant 1 : i32
        %scan3A_1048 = arith.addi %scan3A_824, %scan3A_1047 : i32
        %jit3A_1049 = arith.constant 8 : i32
        %div3A_1050 = arith.divsi %scan3A_1048, %jit3A_1049 : i32
        %sign3A_1051 = arith.constant 0 : i32
        %sign3A_1052 = arith.cmpi sgt, %scan3A_1048, %sign3A_1051 : i32
        %sign3A_1053 = arith.extui %sign3A_1052 : i1 to i32
        %sign3A_1054 = arith.constant 0 : i32
        %sign3A_1055 = arith.cmpi slt, %scan3A_1048, %sign3A_1054 : i32
        %sign3A_1056 = arith.extui %sign3A_1055 : i1 to i32
        %sign3A_1057 = arith.subi %sign3A_1053, %sign3A_1056 : i32
        %sign3A_1058 = arith.constant 0 : i32
        %sign3A_1059 = arith.cmpi sgt, %jit3A_1049, %sign3A_1058 : i32
        %sign3A_1060 = arith.extui %sign3A_1059 : i1 to i32
        %sign3A_1061 = arith.constant 0 : i32
        %sign3A_1062 = arith.cmpi slt, %jit3A_1049, %sign3A_1061 : i32
        %sign3A_1063 = arith.extui %sign3A_1062 : i1 to i32
        %sign3A_1064 = arith.subi %sign3A_1060, %sign3A_1063 : i32
        %ne3A_1065 = arith.cmpi ne, %sign3A_1057, %sign3A_1064 : i32
        %rem3A_1066 = arith.remsi %scan3A_1048, %jit3A_1049 : i32
        %ne3A_1067 = arith.constant 0 : i32
        %ne3A_1068 = arith.cmpi ne, %rem3A_1066, %ne3A_1067 : i32
        %and3A_1069 = arith.andi %ne3A_1065, %ne3A_1068 : i1
        %sub3A_1070 = arith.constant 1 : i32
        %sub3A_1071 = arith.subi %div3A_1050, %sub3A_1070 : i32
        %select_n3A_1072 = arith.select %and3A_1069, %sub3A_1071, %div3A_1050 : i32
        %mul3A_1073 = arith.constant 16 : i32
        %mul3A_1074 = arith.muli %select_n3A_1072, %mul3A_1073 : i32
        %get3A_1075 = arith.index_cast %mul3A_615 : i32 to index
        %get3A_1076 = arith.index_cast %mul3A_1074 : i32 to index
        %get3A_1077 = tpu.vector_load %arg5[%get3A_1075, %get3A_1076] {strides = array<i32>} : memref<32x208xi32, #tpu.memory_space<vmem>>, vector<1x16xi32>,
        %get3A_1078 = vector.shape_cast %get3A_1077 : vector<1x16xi32> to vector<16xi32>
        %mul3A_1079 = arith.constant 2 : i32
        %mul3A_1080 = arith.muli %mul3A_1079, %scan3A_1048 : i32
        %add3A_1081 = arith.constant 0 : i32
        %add3A_1082 = arith.addi %mul3A_1080, %add3A_1081 : i32
        %jit3A_1083 = arith.constant 16 : i32
        %eq3A_1084 = arith.constant 0 : i32
        %eq3A_1085 = arith.cmpi eq, %jit3A_1083, %eq3A_1084 : i32
        %jit3A_1086 = arith.constant 1 : i32
        %select_n3A_1087 = arith.select %eq3A_1085, %jit3A_1086, %jit3A_1083 : i32
        %rem3A_1088 = arith.remsi %add3A_1082, %select_n3A_1087 : i32
        %ne3A_1089 = arith.constant 0 : i32
        %ne3A_1090 = arith.cmpi ne, %rem3A_1088, %ne3A_1089 : i32
        %lt3A_1091 = arith.constant 0 : i32
        %lt3A_1092 = arith.cmpi slt, %rem3A_1088, %lt3A_1091 : i32
        %lt3A_1093 = arith.constant 0 : i32
        %lt3A_1094 = arith.cmpi slt, %select_n3A_1087, %lt3A_1093 : i32
        %ne3A_1095 = arith.xori %lt3A_1092, %lt3A_1094 : i1
        %and3A_1096 = arith.andi %ne3A_1095, %ne3A_1090 : i1
        %add3A_1097 = arith.addi %rem3A_1088, %select_n3A_1087 : i32
        %select_n3A_1098 = arith.select %and3A_1096, %add3A_1097, %rem3A_1088 : i32
        %broadcast_in_dim3A_1099 = vector.broadcast %select_n3A_1098 : i32 to vector<16xi32>
        %broadcast_in_dim3A_1100 = vector.shape_cast %broadcast_in_dim3A_1099 : vector<16xi32> to vector<16x1xi32>
        %gather3A_1101 = vector.shape_cast %broadcast_in_dim3A_1100 : vector<16x1xi32> to vector<16xi32>
        %gather3A_1102 = tpu.dynamic_gather %get3A_1078[%gather3A_1101] in [0] : vector<16xi32>, vector<16xi32> -> vector<16xi32>
        %sub3A_1103 = arith.constant 500000 : i32
        %sub3A_1104 = vector.broadcast %sub3A_1103 : i32 to vector<16xi32>
        %sub3A_1105 = arith.subi %gather3A_1102, %sub3A_1104 : vector<16xi32>
        %shift_right_arithmetic3A_1106 = arith.constant 31 : i32
        %shift_right_arithmetic3A_1107 = vector.broadcast %shift_right_arithmetic3A_1106 : i32 to vector<16xi32>
        %shift_right_arithmetic3A_1108 = arith.shrsi %sub3A_1105, %shift_right_arithmetic3A_1107 : vector<16xi32>
        %add3A_1109 = arith.constant 1 : i32
        %add3A_1110 = vector.broadcast %add3A_1109 : i32 to vector<16xi32>
        %add3A_1111 = arith.addi %add3A_1110, %shift_right_arithmetic3A_1108 : vector<16xi32>
        %convert_element_type3A_1112 = arith.sitofp %add3A_1111 : vector<16xi32> to vector<16xf32>
        %sub3A_1113 = arith.constant 1.000000e+00 : f32
        %sub3A_1114 = vector.broadcast %sub3A_1113 : f32 to vector<16xf32>
        %sub3A_1115 = arith.subf %sub3A_1114, %convert_element_type3A_1112 : vector<16xf32>
        %get3A_1116 = arith.index_cast %add3A_1082 : i32 to index
        %get3A_1117 = arith.constant 0 : index
        %get3A_1118 = tpu.vector_load %arg8[%get3A_1116, %get3A_1117] {strides = array<i32>} : memref<200x128xf32, #tpu.memory_space<vmem>>, vector<1x16xf32>,
        %get3A_1119 = vector.shape_cast %get3A_1118 : vector<1x16xf32> to vector<16xf32>
        %get3A_1120 = arith.index_cast %add3A_1082 : i32 to index
        %get3A_1121 = arith.constant 64 : index
        %get3A_1122 = tpu.vector_load %arg8[%get3A_1120, %get3A_1121] {strides = array<i32>} : memref<200x128xf32, #tpu.memory_space<vmem>>, vector<1x16xf32>,
        %get3A_1123 = vector.shape_cast %get3A_1122 : vector<1x16xf32> to vector<16xf32>
        %mul3A_1124 = arith.mulf %get3A_1119, %sub3A_1115 : vector<16xf32>
        %mul3A_1125 = arith.mulf %get3A_1123, %convert_element_type3A_1112 : vector<16xf32>
        %add3A_1126 = arith.addf %mul3A_1124, %mul3A_1125 : vector<16xf32>
        %swap3A_1127 = arith.index_cast %scan3A_1048 : i32 to index
        %swap3A_1128 = arith.constant 0 : index
        %swap3A_1129 = tpu.vector_load %arg10[%swap3A_1127, %swap3A_1128] {strides = array<i32>} : memref<112x128xf32, #tpu.memory_space<vmem>>, vector<1x16xf32>,
        %swap3A_1130 = vector.shape_cast %swap3A_1129 : vector<1x16xf32> to vector<16xf32>
        %swap3A_1131 = vector.shape_cast %add3A_1126 : vector<16xf32> to vector<1x16xf32>
        tpu.vector_store %arg10[%swap3A_1127, %swap3A_1128], %swap3A_1131 {strides = array<i32>} : memref<112x128xf32, #tpu.memory_space<vmem>>, vector<1x16xf32>,
        %get3A_1132 = arith.index_cast %add3A_1082 : i32 to index
        %get3A_1133 = arith.constant 16 : index
        %get3A_1134 = tpu.vector_load %arg8[%get3A_1132, %get3A_1133] {strides = array<i32>} : memref<200x128xf32, #tpu.memory_space<vmem>>, vector<1x16xf32>,
        %get3A_1135 = vector.shape_cast %get3A_1134 : vector<1x16xf32> to vector<16xf32>
        %get3A_1136 = arith.index_cast %add3A_1082 : i32 to index
        %get3A_1137 = arith.constant 80 : index
        %get3A_1138 = tpu.vector_load %arg8[%get3A_1136, %get3A_1137] {strides = array<i32>} : memref<200x128xf32, #tpu.memory_space<vmem>>, vector<1x16xf32>,
        %get3A_1139 = vector.shape_cast %get3A_1138 : vector<1x16xf32> to vector<16xf32>
        %mul3A_1140 = arith.mulf %get3A_1135, %sub3A_1115 : vector<16xf32>
        %mul3A_1141 = arith.mulf %get3A_1139, %convert_element_type3A_1112 : vector<16xf32>
        %add3A_1142 = arith.addf %mul3A_1140, %mul3A_1141 : vector<16xf32>
        %swap3A_1143 = arith.index_cast %scan3A_1048 : i32 to index
        %swap3A_1144 = arith.constant 16 : index
        %swap3A_1145 = tpu.vector_load %arg10[%swap3A_1143, %swap3A_1144] {strides = array<i32>} : memref<112x128xf32, #tpu.memory_space<vmem>>, vector<1x16xf32>,
        %swap3A_1146 = vector.shape_cast %swap3A_1145 : vector<1x16xf32> to vector<16xf32>
        %swap3A_1147 = vector.shape_cast %add3A_1142 : vector<16xf32> to vector<1x16xf32>
        tpu.vector_store %arg10[%swap3A_1143, %swap3A_1144], %swap3A_1147 {strides = array<i32>} : memref<112x128xf32, #tpu.memory_space<vmem>>, vector<1x16xf32>,
        %get3A_1148 = arith.index_cast %add3A_1082 : i32 to index
        %get3A_1149 = arith.constant 32 : index
        %get3A_1150 = tpu.vector_load %arg8[%get3A_1148, %get3A_1149] {strides = array<i32>} : memref<200x128xf32, #tpu.memory_space<vmem>>, vector<1x16xf32>,
        %get3A_1151 = vector.shape_cast %get3A_1150 : vector<1x16xf32> to vector<16xf32>
        %get3A_1152 = arith.index_cast %add3A_1082 : i32 to index
        %get3A_1153 = arith.constant 96 : index
        %get3A_1154 = tpu.vector_load %arg8[%get3A_1152, %get3A_1153] {strides = array<i32>} : memref<200x128xf32, #tpu.memory_space<vmem>>, vector<1x16xf32>,
        %get3A_1155 = vector.shape_cast %get3A_1154 : vector<1x16xf32> to vector<16xf32>
        %mul3A_1156 = arith.mulf %get3A_1151, %sub3A_1115 : vector<16xf32>
        %mul3A_1157 = arith.mulf %get3A_1155, %convert_element_type3A_1112 : vector<16xf32>
        %add3A_1158 = arith.addf %mul3A_1156, %mul3A_1157 : vector<16xf32>
        %swap3A_1159 = arith.index_cast %scan3A_1048 : i32 to index
        %swap3A_1160 = arith.constant 32 : index
        %swap3A_1161 = tpu.vector_load %arg10[%swap3A_1159, %swap3A_1160] {strides = array<i32>} : memref<112x128xf32, #tpu.memory_space<vmem>>, vector<1x16xf32>,
        %swap3A_1162 = vector.shape_cast %swap3A_1161 : vector<1x16xf32> to vector<16xf32>
        %swap3A_1163 = vector.shape_cast %add3A_1158 : vector<16xf32> to vector<1x16xf32>
        tpu.vector_store %arg10[%swap3A_1159, %swap3A_1160], %swap3A_1163 {strides = array<i32>} : memref<112x128xf32, #tpu.memory_space<vmem>>, vector<1x16xf32>,
        %get3A_1164 = arith.index_cast %add3A_1082 : i32 to index
        %get3A_1165 = arith.constant 48 : index
        %get3A_1166 = tpu.vector_load %arg8[%get3A_1164, %get3A_1165] {strides = array<i32>} : memref<200x128xf32, #tpu.memory_space<vmem>>, vector<1x16xf32>,
        %get3A_1167 = vector.shape_cast %get3A_1166 : vector<1x16xf32> to vector<16xf32>
        %get3A_1168 = arith.index_cast %add3A_1082 : i32 to index
        %get3A_1169 = arith.constant 112 : index
        %get3A_1170 = tpu.vector_load %arg8[%get3A_1168, %get3A_1169] {strides = array<i32>} : memref<200x128xf32, #tpu.memory_space<vmem>>, vector<1x16xf32>,
        %get3A_1171 = vector.shape_cast %get3A_1170 : vector<1x16xf32> to vector<16xf32>
        %mul3A_1172 = arith.mulf %get3A_1167, %sub3A_1115 : vector<16xf32>
        %mul3A_1173 = arith.mulf %get3A_1171, %convert_element_type3A_1112 : vector<16xf32>
        %add3A_1174 = arith.addf %mul3A_1172, %mul3A_1173 : vector<16xf32>
        %swap3A_1175 = arith.index_cast %scan3A_1048 : i32 to index
        %swap3A_1176 = arith.constant 48 : index
        %swap3A_1177 = tpu.vector_load %arg10[%swap3A_1175, %swap3A_1176] {strides = array<i32>} : memref<112x128xf32, #tpu.memory_space<vmem>>, vector<1x16xf32>,
        %swap3A_1178 = vector.shape_cast %swap3A_1177 : vector<1x16xf32> to vector<16xf32>
        %swap3A_1179 = vector.shape_cast %add3A_1174 : vector<16xf32> to vector<1x16xf32>
        tpu.vector_store %arg10[%swap3A_1175, %swap3A_1176], %swap3A_1179 {strides = array<i32>} : memref<112x128xf32, #tpu.memory_space<vmem>>, vector<1x16xf32>,
        %mul3A_1180 = arith.constant 2 : i32
        %mul3A_1181 = arith.muli %mul3A_1180, %scan3A_1048 : i32
        %add3A_1182 = arith.constant 1 : i32
        %add3A_1183 = arith.addi %mul3A_1181, %add3A_1182 : i32
        %jit3A_1184 = arith.constant 16 : i32
        %eq3A_1185 = arith.constant 0 : i32
        %eq3A_1186 = arith.cmpi eq, %jit3A_1184, %eq3A_1185 : i32
        %jit3A_1187 = arith.constant 1 : i32
        %select_n3A_1188 = arith.select %eq3A_1186, %jit3A_1187, %jit3A_1184 : i32
        %rem3A_1189 = arith.remsi %add3A_1183, %select_n3A_1188 : i32
        %ne3A_1190 = arith.constant 0 : i32
        %ne3A_1191 = arith.cmpi ne, %rem3A_1189, %ne3A_1190 : i32
        %lt3A_1192 = arith.constant 0 : i32
        %lt3A_1193 = arith.cmpi slt, %rem3A_1189, %lt3A_1192 : i32
        %lt3A_1194 = arith.constant 0 : i32
        %lt3A_1195 = arith.cmpi slt, %select_n3A_1188, %lt3A_1194 : i32
        %ne3A_1196 = arith.xori %lt3A_1193, %lt3A_1195 : i1
        %and3A_1197 = arith.andi %ne3A_1196, %ne3A_1191 : i1
        %add3A_1198 = arith.addi %rem3A_1189, %select_n3A_1188 : i32
        %select_n3A_1199 = arith.select %and3A_1197, %add3A_1198, %rem3A_1189 : i32
        %broadcast_in_dim3A_1200 = vector.broadcast %select_n3A_1199 : i32 to vector<16xi32>
        %broadcast_in_dim3A_1201 = vector.shape_cast %broadcast_in_dim3A_1200 : vector<16xi32> to vector<16x1xi32>
        %gather3A_1202 = vector.shape_cast %broadcast_in_dim3A_1201 : vector<16x1xi32> to vector<16xi32>
        %gather3A_1203 = tpu.dynamic_gather %get3A_1078[%gather3A_1202] in [0] : vector<16xi32>, vector<16xi32> -> vector<16xi32>
        %sub3A_1204 = arith.constant 500000 : i32
        %sub3A_1205 = vector.broadcast %sub3A_1204 : i32 to vector<16xi32>
        %sub3A_1206 = arith.subi %gather3A_1203, %sub3A_1205 : vector<16xi32>
        %shift_right_arithmetic3A_1207 = arith.constant 31 : i32
        %shift_right_arithmetic3A_1208 = vector.broadcast %shift_right_arithmetic3A_1207 : i32 to vector<16xi32>
        %shift_right_arithmetic3A_1209 = arith.shrsi %sub3A_1206, %shift_right_arithmetic3A_1208 : vector<16xi32>
        %add3A_1210 = arith.constant 1 : i32
        %add3A_1211 = vector.broadcast %add3A_1210 : i32 to vector<16xi32>
        %add3A_1212 = arith.addi %add3A_1211, %shift_right_arithmetic3A_1209 : vector<16xi32>
        %convert_element_type3A_1213 = arith.sitofp %add3A_1212 : vector<16xi32> to vector<16xf32>
        %sub3A_1214 = arith.constant 1.000000e+00 : f32
        %sub3A_1215 = vector.broadcast %sub3A_1214 : f32 to vector<16xf32>
        %sub3A_1216 = arith.subf %sub3A_1215, %convert_element_type3A_1213 : vector<16xf32>
        %get3A_1217 = arith.index_cast %add3A_1183 : i32 to index
        %get3A_1218 = arith.constant 0 : index
        %get3A_1219 = tpu.vector_load %arg8[%get3A_1217, %get3A_1218] {strides = array<i32>} : memref<200x128xf32, #tpu.memory_space<vmem>>, vector<1x16xf32>,
        %get3A_1220 = vector.shape_cast %get3A_1219 : vector<1x16xf32> to vector<16xf32>
        %get3A_1221 = arith.index_cast %add3A_1183 : i32 to index
        %get3A_1222 = arith.constant 64 : index
        %get3A_1223 = tpu.vector_load %arg8[%get3A_1221, %get3A_1222] {strides = array<i32>} : memref<200x128xf32, #tpu.memory_space<vmem>>, vector<1x16xf32>,
        %get3A_1224 = vector.shape_cast %get3A_1223 : vector<1x16xf32> to vector<16xf32>
        %mul3A_1225 = arith.mulf %get3A_1220, %sub3A_1216 : vector<16xf32>
        %mul3A_1226 = arith.mulf %get3A_1224, %convert_element_type3A_1213 : vector<16xf32>
        %add3A_1227 = arith.addf %mul3A_1225, %mul3A_1226 : vector<16xf32>
        %swap3A_1228 = arith.index_cast %scan3A_1048 : i32 to index
        %swap3A_1229 = arith.constant 64 : index
        %swap3A_1230 = tpu.vector_load %arg10[%swap3A_1228, %swap3A_1229] {strides = array<i32>} : memref<112x128xf32, #tpu.memory_space<vmem>>, vector<1x16xf32>,
        %swap3A_1231 = vector.shape_cast %swap3A_1230 : vector<1x16xf32> to vector<16xf32>
        %swap3A_1232 = vector.shape_cast %add3A_1227 : vector<16xf32> to vector<1x16xf32>
        tpu.vector_store %arg10[%swap3A_1228, %swap3A_1229], %swap3A_1232 {strides = array<i32>} : memref<112x128xf32, #tpu.memory_space<vmem>>, vector<1x16xf32>,
        %get3A_1233 = arith.index_cast %add3A_1183 : i32 to index
        %get3A_1234 = arith.constant 16 : index
        %get3A_1235 = tpu.vector_load %arg8[%get3A_1233, %get3A_1234] {strides = array<i32>} : memref<200x128xf32, #tpu.memory_space<vmem>>, vector<1x16xf32>,
        %get3A_1236 = vector.shape_cast %get3A_1235 : vector<1x16xf32> to vector<16xf32>
        %get3A_1237 = arith.index_cast %add3A_1183 : i32 to index
        %get3A_1238 = arith.constant 80 : index
        %get3A_1239 = tpu.vector_load %arg8[%get3A_1237, %get3A_1238] {strides = array<i32>} : memref<200x128xf32, #tpu.memory_space<vmem>>, vector<1x16xf32>,
        %get3A_1240 = vector.shape_cast %get3A_1239 : vector<1x16xf32> to vector<16xf32>
        %mul3A_1241 = arith.mulf %get3A_1236, %sub3A_1216 : vector<16xf32>
        %mul3A_1242 = arith.mulf %get3A_1240, %convert_element_type3A_1213 : vector<16xf32>
        %add3A_1243 = arith.addf %mul3A_1241, %mul3A_1242 : vector<16xf32>
        %swap3A_1244 = arith.index_cast %scan3A_1048 : i32 to index
        %swap3A_1245 = arith.constant 80 : index
        %swap3A_1246 = tpu.vector_load %arg10[%swap3A_1244, %swap3A_1245] {strides = array<i32>} : memref<112x128xf32, #tpu.memory_space<vmem>>, vector<1x16xf32>,
        %swap3A_1247 = vector.shape_cast %swap3A_1246 : vector<1x16xf32> to vector<16xf32>
        %swap3A_1248 = vector.shape_cast %add3A_1243 : vector<16xf32> to vector<1x16xf32>
        tpu.vector_store %arg10[%swap3A_1244, %swap3A_1245], %swap3A_1248 {strides = array<i32>} : memref<112x128xf32, #tpu.memory_space<vmem>>, vector<1x16xf32>,
        %get3A_1249 = arith.index_cast %add3A_1183 : i32 to index
        %get3A_1250 = arith.constant 32 : index
        %get3A_1251 = tpu.vector_load %arg8[%get3A_1249, %get3A_1250] {strides = array<i32>} : memref<200x128xf32, #tpu.memory_space<vmem>>, vector<1x16xf32>,
        %get3A_1252 = vector.shape_cast %get3A_1251 : vector<1x16xf32> to vector<16xf32>
        %get3A_1253 = arith.index_cast %add3A_1183 : i32 to index
        %get3A_1254 = arith.constant 96 : index
        %get3A_1255 = tpu.vector_load %arg8[%get3A_1253, %get3A_1254] {strides = array<i32>} : memref<200x128xf32, #tpu.memory_space<vmem>>, vector<1x16xf32>,
        %get3A_1256 = vector.shape_cast %get3A_1255 : vector<1x16xf32> to vector<16xf32>
        %mul3A_1257 = arith.mulf %get3A_1252, %sub3A_1216 : vector<16xf32>
        %mul3A_1258 = arith.mulf %get3A_1256, %convert_element_type3A_1213 : vector<16xf32>
        %add3A_1259 = arith.addf %mul3A_1257, %mul3A_1258 : vector<16xf32>
        %swap3A_1260 = arith.index_cast %scan3A_1048 : i32 to index
        %swap3A_1261 = arith.constant 96 : index
        %swap3A_1262 = tpu.vector_load %arg10[%swap3A_1260, %swap3A_1261] {strides = array<i32>} : memref<112x128xf32, #tpu.memory_space<vmem>>, vector<1x16xf32>,
        %swap3A_1263 = vector.shape_cast %swap3A_1262 : vector<1x16xf32> to vector<16xf32>
        %swap3A_1264 = vector.shape_cast %add3A_1259 : vector<16xf32> to vector<1x16xf32>
        tpu.vector_store %arg10[%swap3A_1260, %swap3A_1261], %swap3A_1264 {strides = array<i32>} : memref<112x128xf32, #tpu.memory_space<vmem>>, vector<1x16xf32>,
        %get3A_1265 = arith.index_cast %add3A_1183 : i32 to index
        %get3A_1266 = arith.constant 48 : index
        %get3A_1267 = tpu.vector_load %arg8[%get3A_1265, %get3A_1266] {strides = array<i32>} : memref<200x128xf32, #tpu.memory_space<vmem>>, vector<1x16xf32>,
        %get3A_1268 = vector.shape_cast %get3A_1267 : vector<1x16xf32> to vector<16xf32>
        %get3A_1269 = arith.index_cast %add3A_1183 : i32 to index
        %get3A_1270 = arith.constant 112 : index
        %get3A_1271 = tpu.vector_load %arg8[%get3A_1269, %get3A_1270] {strides = array<i32>} : memref<200x128xf32, #tpu.memory_space<vmem>>, vector<1x16xf32>,
        %get3A_1272 = vector.shape_cast %get3A_1271 : vector<1x16xf32> to vector<16xf32>
        %mul3A_1273 = arith.mulf %get3A_1268, %sub3A_1216 : vector<16xf32>
        %mul3A_1274 = arith.mulf %get3A_1272, %convert_element_type3A_1213 : vector<16xf32>
        %add3A_1275 = arith.addf %mul3A_1273, %mul3A_1274 : vector<16xf32>
        %swap3A_1276 = arith.index_cast %scan3A_1048 : i32 to index
        %swap3A_1277 = arith.constant 112 : index
        %swap3A_1278 = tpu.vector_load %arg10[%swap3A_1276, %swap3A_1277] {strides = array<i32>} : memref<112x128xf32, #tpu.memory_space<vmem>>, vector<1x16xf32>,
        %swap3A_1279 = vector.shape_cast %swap3A_1278 : vector<1x16xf32> to vector<16xf32>
        %swap3A_1280 = vector.shape_cast %add3A_1275 : vector<16xf32> to vector<1x16xf32>
        tpu.vector_store %arg10[%swap3A_1276, %swap3A_1277], %swap3A_1280 {strides = array<i32>} : memref<112x128xf32, #tpu.memory_space<vmem>>, vector<1x16xf32>,
      }
      %scan3A_621 = arith.constant 100 : i32
      %mul3A_622 = arith.constant 32 : i32
      %mul3A_623 = arith.muli %add3A, %mul3A_622 : i32
      %add3A_624 = arith.addi %mul3A_623, %mul3A_615 : i32
      %add3A_625 = arith.constant 0 : i32
      %add3A_626 = vector.broadcast %add3A_625 : i32 to vector<16xi32>
      %add3A_627 = arith.addi %add3A_626, %iota3A : vector<16xi32>
      %mul3A_628 = arith.constant 1024 : i32
      %mul3A_629 = vector.broadcast %mul3A_628 : i32 to vector<16xi32>
      %mul3A_630 = arith.muli %mul3A_629, %add3A_627 : vector<16xi32>
      %add3A_631 = vector.broadcast %add3A_624 : i32 to vector<16xi32>
      %add3A_632 = arith.addi %add3A_631, %mul3A_630 : vector<16xi32>
      %swap3A_633 = arith.constant 0 : index
      %swap3A_634 = tpu.vector_load %arg11[%swap3A_633] {strides = array<i32>} : memref<112xi32, #tpu.memory_space<vmem>>, vector<16xi32>,
      %swap3A_635 = vector.shape_cast %swap3A_634 : vector<16xi32> to vector<16xi32>
      %swap3A_636 = vector.shape_cast %add3A_632 : vector<16xi32> to vector<16xi32>
      tpu.vector_store %arg11[%swap3A_633], %swap3A_636 {strides = array<i32>} : memref<112xi32, #tpu.memory_space<vmem>>, vector<16xi32>,
      %add3A_637 = arith.constant 16 : i32
      %add3A_638 = vector.broadcast %add3A_637 : i32 to vector<16xi32>
      %add3A_639 = arith.addi %add3A_638, %iota3A : vector<16xi32>
      %mul3A_640 = arith.constant 1024 : i32
      %mul3A_641 = vector.broadcast %mul3A_640 : i32 to vector<16xi32>
      %mul3A_642 = arith.muli %mul3A_641, %add3A_639 : vector<16xi32>
      %add3A_643 = vector.broadcast %add3A_624 : i32 to vector<16xi32>
      %add3A_644 = arith.addi %add3A_643, %mul3A_642 : vector<16xi32>
      %swap3A_645 = arith.constant 16 : index
      %swap3A_646 = tpu.vector_load %arg11[%swap3A_645] {strides = array<i32>} : memref<112xi32, #tpu.memory_space<vmem>>, vector<16xi32>,
      %swap3A_647 = vector.shape_cast %swap3A_646 : vector<16xi32> to vector<16xi32>
      %swap3A_648 = vector.shape_cast %add3A_644 : vector<16xi32> to vector<16xi32>
      tpu.vector_store %arg11[%swap3A_645], %swap3A_648 {strides = array<i32>} : memref<112xi32, #tpu.memory_space<vmem>>, vector<16xi32>,
      %add3A_649 = arith.constant 32 : i32
      %add3A_650 = vector.broadcast %add3A_649 : i32 to vector<16xi32>
      %add3A_651 = arith.addi %add3A_650, %iota3A : vector<16xi32>
      %mul3A_652 = arith.constant 1024 : i32
      %mul3A_653 = vector.broadcast %mul3A_652 : i32 to vector<16xi32>
      %mul3A_654 = arith.muli %mul3A_653, %add3A_651 : vector<16xi32>
      %add3A_655 = vector.broadcast %add3A_624 : i32 to vector<16xi32>
      %add3A_656 = arith.addi %add3A_655, %mul3A_654 : vector<16xi32>
      %swap3A_657 = arith.constant 32 : index
      %swap3A_658 = tpu.vector_load %arg11[%swap3A_657] {strides = array<i32>} : memref<112xi32, #tpu.memory_space<vmem>>, vector<16xi32>,
      %swap3A_659 = vector.shape_cast %swap3A_658 : vector<16xi32> to vector<16xi32>
      %swap3A_660 = vector.shape_cast %add3A_656 : vector<16xi32> to vector<16xi32>
      tpu.vector_store %arg11[%swap3A_657], %swap3A_660 {strides = array<i32>} : memref<112xi32, #tpu.memory_space<vmem>>, vector<16xi32>,
      %add3A_661 = arith.constant 48 : i32
      %add3A_662 = vector.broadcast %add3A_661 : i32 to vector<16xi32>
      %add3A_663 = arith.addi %add3A_662, %iota3A : vector<16xi32>
      %mul3A_664 = arith.constant 1024 : i32
      %mul3A_665 = vector.broadcast %mul3A_664 : i32 to vector<16xi32>
      %mul3A_666 = arith.muli %mul3A_665, %add3A_663 : vector<16xi32>
      %add3A_667 = vector.broadcast %add3A_624 : i32 to vector<16xi32>
      %add3A_668 = arith.addi %add3A_667, %mul3A_666 : vector<16xi32>
      %swap3A_669 = arith.constant 48 : index
      %swap3A_670 = tpu.vector_load %arg11[%swap3A_669] {strides = array<i32>} : memref<112xi32, #tpu.memory_space<vmem>>, vector<16xi32>,
      %swap3A_671 = vector.shape_cast %swap3A_670 : vector<16xi32> to vector<16xi32>
      %swap3A_672 = vector.shape_cast %add3A_668 : vector<16xi32> to vector<16xi32>
      tpu.vector_store %arg11[%swap3A_669], %swap3A_672 {strides = array<i32>} : memref<112xi32, #tpu.memory_space<vmem>>, vector<16xi32>,
      %add3A_673 = arith.constant 64 : i32
      %add3A_674 = vector.broadcast %add3A_673 : i32 to vector<16xi32>
      %add3A_675 = arith.addi %add3A_674, %iota3A : vector<16xi32>
      %mul3A_676 = arith.constant 1024 : i32
      %mul3A_677 = vector.broadcast %mul3A_676 : i32 to vector<16xi32>
      %mul3A_678 = arith.muli %mul3A_677, %add3A_675 : vector<16xi32>
      %add3A_679 = vector.broadcast %add3A_624 : i32 to vector<16xi32>
      %add3A_680 = arith.addi %add3A_679, %mul3A_678 : vector<16xi32>
      %swap3A_681 = arith.constant 64 : index
      %swap3A_682 = tpu.vector_load %arg11[%swap3A_681] {strides = array<i32>} : memref<112xi32, #tpu.memory_space<vmem>>, vector<16xi32>,
      %swap3A_683 = vector.shape_cast %swap3A_682 : vector<16xi32> to vector<16xi32>
      %swap3A_684 = vector.shape_cast %add3A_680 : vector<16xi32> to vector<16xi32>
      tpu.vector_store %arg11[%swap3A_681], %swap3A_684 {strides = array<i32>} : memref<112xi32, #tpu.memory_space<vmem>>, vector<16xi32>,
      %add3A_685 = arith.constant 80 : i32
      %add3A_686 = vector.broadcast %add3A_685 : i32 to vector<16xi32>
      %add3A_687 = arith.addi %add3A_686, %iota3A : vector<16xi32>
      %mul3A_688 = arith.constant 1024 : i32
      %mul3A_689 = vector.broadcast %mul3A_688 : i32 to vector<16xi32>
      %mul3A_690 = arith.muli %mul3A_689, %add3A_687 : vector<16xi32>
      %add3A_691 = vector.broadcast %add3A_624 : i32 to vector<16xi32>
      %add3A_692 = arith.addi %add3A_691, %mul3A_690 : vector<16xi32>
      %swap3A_693 = arith.constant 80 : index
      %swap3A_694 = tpu.vector_load %arg11[%swap3A_693] {strides = array<i32>} : memref<112xi32, #tpu.memory_space<vmem>>, vector<16xi32>,
      %swap3A_695 = vector.shape_cast %swap3A_694 : vector<16xi32> to vector<16xi32>
      %swap3A_696 = vector.shape_cast %add3A_692 : vector<16xi32> to vector<16xi32>
      tpu.vector_store %arg11[%swap3A_693], %swap3A_696 {strides = array<i32>} : memref<112xi32, #tpu.memory_space<vmem>>, vector<16xi32>,
      %add3A_697 = arith.constant 96 : i32
      %add3A_698 = vector.broadcast %add3A_697 : i32 to vector<16xi32>
      %add3A_699 = arith.addi %add3A_698, %iota3A : vector<16xi32>
      %mul3A_700 = arith.constant 1024 : i32
      %mul3A_701 = vector.broadcast %mul3A_700 : i32 to vector<16xi32>
      %mul3A_702 = arith.muli %mul3A_701, %add3A_699 : vector<16xi32>
      %add3A_703 = vector.broadcast %add3A_624 : i32 to vector<16xi32>
      %add3A_704 = arith.addi %add3A_703, %mul3A_702 : vector<16xi32>
      %swap3A_705 = arith.constant 96 : index
      %swap3A_706 = tpu.vector_load %arg11[%swap3A_705] {strides = array<i32>} : memref<112xi32, #tpu.memory_space<vmem>>, vector<16xi32>,
      %swap3A_707 = vector.shape_cast %swap3A_706 : vector<16xi32> to vector<16xi32>
      %swap3A_708 = vector.shape_cast %add3A_704 : vector<16xi32> to vector<16xi32>
      tpu.vector_store %arg11[%swap3A_705], %swap3A_708 {strides = array<i32>} : memref<112xi32, #tpu.memory_space<vmem>>, vector<16xi32>,
      "tpu.region"() ({
        %run_scoped3A = tpu.sem_alloc : memref<!tpu.dma_semaphore, #tpu.memory_space<semaphore_mem>>
        %dma_start3A_824 = arith.constant 0 : i32
        %dma_start3A_825 = arith.constant 0 : i32
        %dma_start3A_826 = tpu.memref_slice %arg4[%dma_start3A_824, %dma_start3A_825] : memref<114688x128xf32, #tpu.memory_space<hbm>> -> memref<114688x128xf32, #tpu.memory_space<hbm>>
        tpu.enqueue_indirect_dma source(%arg10 : memref<112x128xf32, #tpu.memory_space<vmem>>) target(%dma_start3A_826 : memref<114688x128xf32, #tpu.memory_space<hbm>>) offsets(%arg11 : memref<112xi32, #tpu.memory_space<vmem>>) semaphore(%run_scoped3A : memref<!tpu.dma_semaphore, #tpu.memory_space<semaphore_mem>>)
        %dma_wait3A_827 = arith.constant 0 : i32
        %dma_wait3A_828 = arith.constant 0 : i32
        %dma_wait3A_829 = tpu.memref_slice %arg4[%dma_wait3A_827, %dma_wait3A_828] : memref<114688x128xf32, #tpu.memory_space<hbm>> -> memref<114688x128xf32, #tpu.memory_space<hbm>>
        tpu.wait_indirect_dma semaphore(%run_scoped3A : memref<!tpu.dma_semaphore, #tpu.memory_space<semaphore_mem>>) src(%arg10 : memref<112x128xf32, #tpu.memory_space<vmem>>) dst(%dma_wait3A_829 : memref<114688x128xf32, #tpu.memory_space<hbm>>)
        tpu.yield
      }) : () -> ()
      %dma_wait3A_709 = arith.constant 0 : i32
      %dma_wait3A_710 = arith.constant 0 : i32
      %dma_wait3A_711 = tpu.memref_slice %arg9[%dma_wait3A_709, %dma_wait3A_710] : memref<200x128xf32, #tpu.memory_space<vmem>> -> memref<128x128xf32, #tpu.memory_space<vmem>>
      %dma_wait3A_712 = arith.constant 0 : i32
      %dma_wait3A_713 = tpu.memref_slice %arg7[%dma_wait3A_712] : memref<208xi32, #tpu.memory_space<vmem>> -> memref<128xi32, #tpu.memory_space<vmem>>
      %dma_wait3A_714 = arith.constant 0 : i32
      %dma_wait3A_715 = arith.constant 0 : i32
      %dma_wait3A_716 = tpu.memref_slice %arg3[%dma_wait3A_714, %dma_wait3A_715] : memref<500000x128xf32, #tpu.memory_space<hbm>> -> memref<500000x128xf32, #tpu.memory_space<hbm>>
      tpu.wait_indirect_dma semaphore(%arg13 : memref<!tpu.dma_semaphore, #tpu.memory_space<semaphore_mem>>) src(%dma_wait3A_716 : memref<500000x128xf32, #tpu.memory_space<hbm>>) dst(%dma_wait3A_711 : memref<128x128xf32, #tpu.memory_space<vmem>>)
      %dma_wait3A_717 = arith.constant 128 : i32
      %dma_wait3A_718 = arith.constant 0 : i32
      %dma_wait3A_719 = tpu.memref_slice %arg9[%dma_wait3A_717, %dma_wait3A_718] : memref<200x128xf32, #tpu.memory_space<vmem>> -> memref<72x128xf32, #tpu.memory_space<vmem>>
      %dma_wait3A_720 = arith.constant 128 : i32
      %dma_wait3A_721 = tpu.memref_slice %arg7[%dma_wait3A_720] : memref<208xi32, #tpu.memory_space<vmem>> -> memref<72xi32, #tpu.memory_space<vmem>>
      %dma_wait3A_722 = arith.constant 0 : i32
      %dma_wait3A_723 = arith.constant 0 : i32
      %dma_wait3A_724 = tpu.memref_slice %arg3[%dma_wait3A_722, %dma_wait3A_723] : memref<500000x128xf32, #tpu.memory_space<hbm>> -> memref<500000x128xf32, #tpu.memory_space<hbm>>
      tpu.wait_indirect_dma semaphore(%arg13 : memref<!tpu.dma_semaphore, #tpu.memory_space<semaphore_mem>>) src(%dma_wait3A_724 : memref<500000x128xf32, #tpu.memory_space<hbm>>) dst(%dma_wait3A_719 : memref<72x128xf32, #tpu.memory_space<vmem>>)
      %lt3A = arith.constant 15 : i32
      %lt3A_725 = arith.cmpi slt, %scan3A_305, %lt3A : i32
      %convert_element_type3A = arith.extui %lt3A_725 : i1 to i32
      %cond3A = arith.constant 0 : i32
      %cond3A_726 = arith.cmpi ne, %convert_element_type3A, %cond3A : i32
      scf.if %cond3A_726 {
        %mul3A_824 = arith.constant 2 : i32
        %mul3A_825 = arith.muli %mul3A_824, %scan3A_305 : i32
        %add3A_826 = arith.constant 2 : i32
        %add3A_827 = arith.addi %mul3A_825, %add3A_826 : i32
        %get3A_828 = arith.index_cast %add3A_827 : i32 to index
        %get3A_829 = arith.constant 0 : index
        %get3A_830 = tpu.vector_load %arg5[%get3A_828, %get3A_829] {strides = array<i32>} : memref<32x208xi32, #tpu.memory_space<vmem>>, vector<1x16xi32>,
        %get3A_831 = vector.shape_cast %get3A_830 : vector<1x16xi32> to vector<16xi32>
        %sub3A_832 = arith.constant 500000 : i32
        %sub3A_833 = vector.broadcast %sub3A_832 : i32 to vector<16xi32>
        %sub3A_834 = arith.subi %get3A_831, %sub3A_833 : vector<16xi32>
        %shift_right_arithmetic3A_835 = arith.constant 31 : i32
        %shift_right_arithmetic3A_836 = vector.broadcast %shift_right_arithmetic3A_835 : i32 to vector<16xi32>
        %shift_right_arithmetic3A_837 = arith.shrsi %sub3A_834, %shift_right_arithmetic3A_836 : vector<16xi32>
        %add3A_838 = arith.constant 1 : i32
        %add3A_839 = vector.broadcast %add3A_838 : i32 to vector<16xi32>
        %add3A_840 = arith.addi %add3A_839, %shift_right_arithmetic3A_837 : vector<16xi32>
        %mul3A_841 = arith.constant 500000 : i32
        %mul3A_842 = vector.broadcast %mul3A_841 : i32 to vector<16xi32>
        %mul3A_843 = arith.muli %add3A_840, %mul3A_842 : vector<16xi32>
        %sub3A_844 = arith.subi %get3A_831, %mul3A_843 : vector<16xi32>
        %swap3A_845 = arith.constant 0 : index
        %swap3A_846 = tpu.vector_load %arg6[%swap3A_845] {strides = array<i32>} : memref<208xi32, #tpu.memory_space<vmem>>, vector<16xi32>,
        %swap3A_847 = vector.shape_cast %swap3A_846 : vector<16xi32> to vector<16xi32>
        %swap3A_848 = vector.shape_cast %sub3A_844 : vector<16xi32> to vector<16xi32>
        tpu.vector_store %arg6[%swap3A_845], %swap3A_848 {strides = array<i32>} : memref<208xi32, #tpu.memory_space<vmem>>, vector<16xi32>,
        %get3A_849 = arith.index_cast %add3A_827 : i32 to index
        %get3A_850 = arith.constant 16 : index
        %get3A_851 = tpu.vector_load %arg5[%get3A_849, %get3A_850] {strides = array<i32>} : memref<32x208xi32, #tpu.memory_space<vmem>>, vector<1x16xi32>,
        %get3A_852 = vector.shape_cast %get3A_851 : vector<1x16xi32> to vector<16xi32>
        %sub3A_853 = arith.constant 500000 : i32
        %sub3A_854 = vector.broadcast %sub3A_853 : i32 to vector<16xi32>
        %sub3A_855 = arith.subi %get3A_852, %sub3A_854 : vector<16xi32>
        %shift_right_arithmetic3A_856 = arith.constant 31 : i32
        %shift_right_arithmetic3A_857 = vector.broadcast %shift_right_arithmetic3A_856 : i32 to vector<16xi32>
        %shift_right_arithmetic3A_858 = arith.shrsi %sub3A_855, %shift_right_arithmetic3A_857 : vector<16xi32>
        %add3A_859 = arith.constant 1 : i32
        %add3A_860 = vector.broadcast %add3A_859 : i32 to vector<16xi32>
        %add3A_861 = arith.addi %add3A_860, %shift_right_arithmetic3A_858 : vector<16xi32>
        %mul3A_862 = arith.constant 500000 : i32
        %mul3A_863 = vector.broadcast %mul3A_862 : i32 to vector<16xi32>
        %mul3A_864 = arith.muli %add3A_861, %mul3A_863 : vector<16xi32>
        %sub3A_865 = arith.subi %get3A_852, %mul3A_864 : vector<16xi32>
        %swap3A_866 = arith.constant 16 : index
        %swap3A_867 = tpu.vector_load %arg6[%swap3A_866] {strides = array<i32>} : memref<208xi32, #tpu.memory_space<vmem>>, vector<16xi32>,
        %swap3A_868 = vector.shape_cast %swap3A_867 : vector<16xi32> to vector<16xi32>
        %swap3A_869 = vector.shape_cast %sub3A_865 : vector<16xi32> to vector<16xi32>
        tpu.vector_store %arg6[%swap3A_866], %swap3A_869 {strides = array<i32>} : memref<208xi32, #tpu.memory_space<vmem>>, vector<16xi32>,
        %get3A_870 = arith.index_cast %add3A_827 : i32 to index
        %get3A_871 = arith.constant 32 : index
        %get3A_872 = tpu.vector_load %arg5[%get3A_870, %get3A_871] {strides = array<i32>} : memref<32x208xi32, #tpu.memory_space<vmem>>, vector<1x16xi32>,
        %get3A_873 = vector.shape_cast %get3A_872 : vector<1x16xi32> to vector<16xi32>
        %sub3A_874 = arith.constant 500000 : i32
        %sub3A_875 = vector.broadcast %sub3A_874 : i32 to vector<16xi32>
        %sub3A_876 = arith.subi %get3A_873, %sub3A_875 : vector<16xi32>
        %shift_right_arithmetic3A_877 = arith.constant 31 : i32
        %shift_right_arithmetic3A_878 = vector.broadcast %shift_right_arithmetic3A_877 : i32 to vector<16xi32>
        %shift_right_arithmetic3A_879 = arith.shrsi %sub3A_876, %shift_right_arithmetic3A_878 : vector<16xi32>
        %add3A_880 = arith.constant 1 : i32
        %add3A_881 = vector.broadcast %add3A_880 : i32 to vector<16xi32>
        %add3A_882 = arith.addi %add3A_881, %shift_right_arithmetic3A_879 : vector<16xi32>
        %mul3A_883 = arith.constant 500000 : i32
        %mul3A_884 = vector.broadcast %mul3A_883 : i32 to vector<16xi32>
        %mul3A_885 = arith.muli %add3A_882, %mul3A_884 : vector<16xi32>
        %sub3A_886 = arith.subi %get3A_873, %mul3A_885 : vector<16xi32>
        %swap3A_887 = arith.constant 32 : index
        %swap3A_888 = tpu.vector_load %arg6[%swap3A_887] {strides = array<i32>} : memref<208xi32, #tpu.memory_space<vmem>>, vector<16xi32>,
        %swap3A_889 = vector.shape_cast %swap3A_888 : vector<16xi32> to vector<16xi32>
        %swap3A_890 = vector.shape_cast %sub3A_886 : vector<16xi32> to vector<16xi32>
        tpu.vector_store %arg6[%swap3A_887], %swap3A_890 {strides = array<i32>} : memref<208xi32, #tpu.memory_space<vmem>>, vector<16xi32>,
        %get3A_891 = arith.index_cast %add3A_827 : i32 to index
        %get3A_892 = arith.constant 48 : index
        %get3A_893 = tpu.vector_load %arg5[%get3A_891, %get3A_892] {strides = array<i32>} : memref<32x208xi32, #tpu.memory_space<vmem>>, vector<1x16xi32>,
        %get3A_894 = vector.shape_cast %get3A_893 : vector<1x16xi32> to vector<16xi32>
        %sub3A_895 = arith.constant 500000 : i32
        %sub3A_896 = vector.broadcast %sub3A_895 : i32 to vector<16xi32>
        %sub3A_897 = arith.subi %get3A_894, %sub3A_896 : vector<16xi32>
        %shift_right_arithmetic3A_898 = arith.constant 31 : i32
        %shift_right_arithmetic3A_899 = vector.broadcast %shift_right_arithmetic3A_898 : i32 to vector<16xi32>
        %shift_right_arithmetic3A_900 = arith.shrsi %sub3A_897, %shift_right_arithmetic3A_899 : vector<16xi32>
        %add3A_901 = arith.constant 1 : i32
        %add3A_902 = vector.broadcast %add3A_901 : i32 to vector<16xi32>
        %add3A_903 = arith.addi %add3A_902, %shift_right_arithmetic3A_900 : vector<16xi32>
        %mul3A_904 = arith.constant 500000 : i32
        %mul3A_905 = vector.broadcast %mul3A_904 : i32 to vector<16xi32>
        %mul3A_906 = arith.muli %add3A_903, %mul3A_905 : vector<16xi32>
        %sub3A_907 = arith.subi %get3A_894, %mul3A_906 : vector<16xi32>
        %swap3A_908 = arith.constant 48 : index
        %swap3A_909 = tpu.vector_load %arg6[%swap3A_908] {strides = array<i32>} : memref<208xi32, #tpu.memory_space<vmem>>, vector<16xi32>,
        %swap3A_910 = vector.shape_cast %swap3A_909 : vector<16xi32> to vector<16xi32>
        %swap3A_911 = vector.shape_cast %sub3A_907 : vector<16xi32> to vector<16xi32>
        tpu.vector_store %arg6[%swap3A_908], %swap3A_911 {strides = array<i32>} : memref<208xi32, #tpu.memory_space<vmem>>, vector<16xi32>,
        %get3A_912 = arith.index_cast %add3A_827 : i32 to index
        %get3A_913 = arith.constant 64 : index
        %get3A_914 = tpu.vector_load %arg5[%get3A_912, %get3A_913] {strides = array<i32>} : memref<32x208xi32, #tpu.memory_space<vmem>>, vector<1x16xi32>,
        %get3A_915 = vector.shape_cast %get3A_914 : vector<1x16xi32> to vector<16xi32>
        %sub3A_916 = arith.constant 500000 : i32
        %sub3A_917 = vector.broadcast %sub3A_916 : i32 to vector<16xi32>
        %sub3A_918 = arith.subi %get3A_915, %sub3A_917 : vector<16xi32>
        %shift_right_arithmetic3A_919 = arith.constant 31 : i32
        %shift_right_arithmetic3A_920 = vector.broadcast %shift_right_arithmetic3A_919 : i32 to vector<16xi32>
        %shift_right_arithmetic3A_921 = arith.shrsi %sub3A_918, %shift_right_arithmetic3A_920 : vector<16xi32>
        %add3A_922 = arith.constant 1 : i32
        %add3A_923 = vector.broadcast %add3A_922 : i32 to vector<16xi32>
        %add3A_924 = arith.addi %add3A_923, %shift_right_arithmetic3A_921 : vector<16xi32>
        %mul3A_925 = arith.constant 500000 : i32
        %mul3A_926 = vector.broadcast %mul3A_925 : i32 to vector<16xi32>
        %mul3A_927 = arith.muli %add3A_924, %mul3A_926 : vector<16xi32>
        %sub3A_928 = arith.subi %get3A_915, %mul3A_927 : vector<16xi32>
        %swap3A_929 = arith.constant 64 : index
        %swap3A_930 = tpu.vector_load %arg6[%swap3A_929] {strides = array<i32>} : memref<208xi32, #tpu.memory_space<vmem>>, vector<16xi32>,
        %swap3A_931 = vector.shape_cast %swap3A_930 : vector<16xi32> to vector<16xi32>
        %swap3A_932 = vector.shape_cast %sub3A_928 : vector<16xi32> to vector<16xi32>
        tpu.vector_store %arg6[%swap3A_929], %swap3A_932 {strides = array<i32>} : memref<208xi32, #tpu.memory_space<vmem>>, vector<16xi32>,
        %get3A_933 = arith.index_cast %add3A_827 : i32 to index
        %get3A_934 = arith.constant 80 : index
        %get3A_935 = tpu.vector_load %arg5[%get3A_933, %get3A_934] {strides = array<i32>} : memref<32x208xi32, #tpu.memory_space<vmem>>, vector<1x16xi32>,
        %get3A_936 = vector.shape_cast %get3A_935 : vector<1x16xi32> to vector<16xi32>
        %sub3A_937 = arith.constant 500000 : i32
        %sub3A_938 = vector.broadcast %sub3A_937 : i32 to vector<16xi32>
        %sub3A_939 = arith.subi %get3A_936, %sub3A_938 : vector<16xi32>
        %shift_right_arithmetic3A_940 = arith.constant 31 : i32
        %shift_right_arithmetic3A_941 = vector.broadcast %shift_right_arithmetic3A_940 : i32 to vector<16xi32>
        %shift_right_arithmetic3A_942 = arith.shrsi %sub3A_939, %shift_right_arithmetic3A_941 : vector<16xi32>
        %add3A_943 = arith.constant 1 : i32
        %add3A_944 = vector.broadcast %add3A_943 : i32 to vector<16xi32>
        %add3A_945 = arith.addi %add3A_944, %shift_right_arithmetic3A_942 : vector<16xi32>
        %mul3A_946 = arith.constant 500000 : i32
        %mul3A_947 = vector.broadcast %mul3A_946 : i32 to vector<16xi32>
        %mul3A_948 = arith.muli %add3A_945, %mul3A_947 : vector<16xi32>
        %sub3A_949 = arith.subi %get3A_936, %mul3A_948 : vector<16xi32>
        %swap3A_950 = arith.constant 80 : index
        %swap3A_951 = tpu.vector_load %arg6[%swap3A_950] {strides = array<i32>} : memref<208xi32, #tpu.memory_space<vmem>>, vector<16xi32>,
        %swap3A_952 = vector.shape_cast %swap3A_951 : vector<16xi32> to vector<16xi32>
        %swap3A_953 = vector.shape_cast %sub3A_949 : vector<16xi32> to vector<16xi32>
        tpu.vector_store %arg6[%swap3A_950], %swap3A_953 {strides = array<i32>} : memref<208xi32, #tpu.memory_space<vmem>>, vector<16xi32>,
        %get3A_954 = arith.index_cast %add3A_827 : i32 to index
        %get3A_955 = arith.constant 96 : index
        %get3A_956 = tpu.vector_load %arg5[%get3A_954, %get3A_955] {strides = array<i32>} : memref<32x208xi32, #tpu.memory_space<vmem>>, vector<1x16xi32>,
        %get3A_957 = vector.shape_cast %get3A_956 : vector<1x16xi32> to vector<16xi32>
        %sub3A_958 = arith.constant 500000 : i32
        %sub3A_959 = vector.broadcast %sub3A_958 : i32 to vector<16xi32>
        %sub3A_960 = arith.subi %get3A_957, %sub3A_959 : vector<16xi32>
        %shift_right_arithmetic3A_961 = arith.constant 31 : i32
        %shift_right_arithmetic3A_962 = vector.broadcast %shift_right_arithmetic3A_961 : i32 to vector<16xi32>
        %shift_right_arithmetic3A_963 = arith.shrsi %sub3A_960, %shift_right_arithmetic3A_962 : vector<16xi32>
        %add3A_964 = arith.constant 1 : i32
        %add3A_965 = vector.broadcast %add3A_964 : i32 to vector<16xi32>
        %add3A_966 = arith.addi %add3A_965, %shift_right_arithmetic3A_963 : vector<16xi32>
        %mul3A_967 = arith.constant 500000 : i32
        %mul3A_968 = vector.broadcast %mul3A_967 : i32 to vector<16xi32>
        %mul3A_969 = arith.muli %add3A_966, %mul3A_968 : vector<16xi32>
        %sub3A_970 = arith.subi %get3A_957, %mul3A_969 : vector<16xi32>
        %swap3A_971 = arith.constant 96 : index
        %swap3A_972 = tpu.vector_load %arg6[%swap3A_971] {strides = array<i32>} : memref<208xi32, #tpu.memory_space<vmem>>, vector<16xi32>,
        %swap3A_973 = vector.shape_cast %swap3A_972 : vector<16xi32> to vector<16xi32>
        %swap3A_974 = vector.shape_cast %sub3A_970 : vector<16xi32> to vector<16xi32>
        tpu.vector_store %arg6[%swap3A_971], %swap3A_974 {strides = array<i32>} : memref<208xi32, #tpu.memory_space<vmem>>, vector<16xi32>,
        %get3A_975 = arith.index_cast %add3A_827 : i32 to index
        %get3A_976 = arith.constant 112 : index
        %get3A_977 = tpu.vector_load %arg5[%get3A_975, %get3A_976] {strides = array<i32>} : memref<32x208xi32, #tpu.memory_space<vmem>>, vector<1x16xi32>,
        %get3A_978 = vector.shape_cast %get3A_977 : vector<1x16xi32> to vector<16xi32>
        %sub3A_979 = arith.constant 500000 : i32
        %sub3A_980 = vector.broadcast %sub3A_979 : i32 to vector<16xi32>
        %sub3A_981 = arith.subi %get3A_978, %sub3A_980 : vector<16xi32>
        %shift_right_arithmetic3A_982 = arith.constant 31 : i32
        %shift_right_arithmetic3A_983 = vector.broadcast %shift_right_arithmetic3A_982 : i32 to vector<16xi32>
        %shift_right_arithmetic3A_984 = arith.shrsi %sub3A_981, %shift_right_arithmetic3A_983 : vector<16xi32>
        %add3A_985 = arith.constant 1 : i32
        %add3A_986 = vector.broadcast %add3A_985 : i32 to vector<16xi32>
        %add3A_987 = arith.addi %add3A_986, %shift_right_arithmetic3A_984 : vector<16xi32>
        %mul3A_988 = arith.constant 500000 : i32
        %mul3A_989 = vector.broadcast %mul3A_988 : i32 to vector<16xi32>
        %mul3A_990 = arith.muli %add3A_987, %mul3A_989 : vector<16xi32>
        %sub3A_991 = arith.subi %get3A_978, %mul3A_990 : vector<16xi32>
        %swap3A_992 = arith.constant 112 : index
        %swap3A_993 = tpu.vector_load %arg6[%swap3A_992] {strides = array<i32>} : memref<208xi32, #tpu.memory_space<vmem>>, vector<16xi32>,
        %swap3A_994 = vector.shape_cast %swap3A_993 : vector<16xi32> to vector<16xi32>
        %swap3A_995 = vector.shape_cast %sub3A_991 : vector<16xi32> to vector<16xi32>
        tpu.vector_store %arg6[%swap3A_992], %swap3A_995 {strides = array<i32>} : memref<208xi32, #tpu.memory_space<vmem>>, vector<16xi32>,
        %get3A_996 = arith.index_cast %add3A_827 : i32 to index
        %get3A_997 = arith.constant 128 : index
        %get3A_998 = tpu.vector_load %arg5[%get3A_996, %get3A_997] {strides = array<i32>} : memref<32x208xi32, #tpu.memory_space<vmem>>, vector<1x16xi32>,
        %get3A_999 = vector.shape_cast %get3A_998 : vector<1x16xi32> to vector<16xi32>
        %sub3A_1000 = arith.constant 500000 : i32
        %sub3A_1001 = vector.broadcast %sub3A_1000 : i32 to vector<16xi32>
        %sub3A_1002 = arith.subi %get3A_999, %sub3A_1001 : vector<16xi32>
        %shift_right_arithmetic3A_1003 = arith.constant 31 : i32
        %shift_right_arithmetic3A_1004 = vector.broadcast %shift_right_arithmetic3A_1003 : i32 to vector<16xi32>
        %shift_right_arithmetic3A_1005 = arith.shrsi %sub3A_1002, %shift_right_arithmetic3A_1004 : vector<16xi32>
        %add3A_1006 = arith.constant 1 : i32
        %add3A_1007 = vector.broadcast %add3A_1006 : i32 to vector<16xi32>
        %add3A_1008 = arith.addi %add3A_1007, %shift_right_arithmetic3A_1005 : vector<16xi32>
        %mul3A_1009 = arith.constant 500000 : i32
        %mul3A_1010 = vector.broadcast %mul3A_1009 : i32 to vector<16xi32>
        %mul3A_1011 = arith.muli %add3A_1008, %mul3A_1010 : vector<16xi32>
        %sub3A_1012 = arith.subi %get3A_999, %mul3A_1011 : vector<16xi32>
        %swap3A_1013 = arith.constant 128 : index
        %swap3A_1014 = tpu.vector_load %arg6[%swap3A_1013] {strides = array<i32>} : memref<208xi32, #tpu.memory_space<vmem>>, vector<16xi32>,
        %swap3A_1015 = vector.shape_cast %swap3A_1014 : vector<16xi32> to vector<16xi32>
        %swap3A_1016 = vector.shape_cast %sub3A_1012 : vector<16xi32> to vector<16xi32>
        tpu.vector_store %arg6[%swap3A_1013], %swap3A_1016 {strides = array<i32>} : memref<208xi32, #tpu.memory_space<vmem>>, vector<16xi32>,
        %get3A_1017 = arith.index_cast %add3A_827 : i32 to index
        %get3A_1018 = arith.constant 144 : index
        %get3A_1019 = tpu.vector_load %arg5[%get3A_1017, %get3A_1018] {strides = array<i32>} : memref<32x208xi32, #tpu.memory_space<vmem>>, vector<1x16xi32>,
        %get3A_1020 = vector.shape_cast %get3A_1019 : vector<1x16xi32> to vector<16xi32>
        %sub3A_1021 = arith.constant 500000 : i32
        %sub3A_1022 = vector.broadcast %sub3A_1021 : i32 to vector<16xi32>
        %sub3A_1023 = arith.subi %get3A_1020, %sub3A_1022 : vector<16xi32>
        %shift_right_arithmetic3A_1024 = arith.constant 31 : i32
        %shift_right_arithmetic3A_1025 = vector.broadcast %shift_right_arithmetic3A_1024 : i32 to vector<16xi32>
        %shift_right_arithmetic3A_1026 = arith.shrsi %sub3A_1023, %shift_right_arithmetic3A_1025 : vector<16xi32>
        %add3A_1027 = arith.constant 1 : i32
        %add3A_1028 = vector.broadcast %add3A_1027 : i32 to vector<16xi32>
        %add3A_1029 = arith.addi %add3A_1028, %shift_right_arithmetic3A_1026 : vector<16xi32>
        %mul3A_1030 = arith.constant 500000 : i32
        %mul3A_1031 = vector.broadcast %mul3A_1030 : i32 to vector<16xi32>
        %mul3A_1032 = arith.muli %add3A_1029, %mul3A_1031 : vector<16xi32>
        %sub3A_1033 = arith.subi %get3A_1020, %mul3A_1032 : vector<16xi32>
        %swap3A_1034 = arith.constant 144 : index
        %swap3A_1035 = tpu.vector_load %arg6[%swap3A_1034] {strides = array<i32>} : memref<208xi32, #tpu.memory_space<vmem>>, vector<16xi32>,
        %swap3A_1036 = vector.shape_cast %swap3A_1035 : vector<16xi32> to vector<16xi32>
        %swap3A_1037 = vector.shape_cast %sub3A_1033 : vector<16xi32> to vector<16xi32>
        tpu.vector_store %arg6[%swap3A_1034], %swap3A_1037 {strides = array<i32>} : memref<208xi32, #tpu.memory_space<vmem>>, vector<16xi32>,
        %get3A_1038 = arith.index_cast %add3A_827 : i32 to index
        %get3A_1039 = arith.constant 160 : index
        %get3A_1040 = tpu.vector_load %arg5[%get3A_1038, %get3A_1039] {strides = array<i32>} : memref<32x208xi32, #tpu.memory_space<vmem>>, vector<1x16xi32>,
        %get3A_1041 = vector.shape_cast %get3A_1040 : vector<1x16xi32> to vector<16xi32>
        %sub3A_1042 = arith.constant 500000 : i32
        %sub3A_1043 = vector.broadcast %sub3A_1042 : i32 to vector<16xi32>
        %sub3A_1044 = arith.subi %get3A_1041, %sub3A_1043 : vector<16xi32>
        %shift_right_arithmetic3A_1045 = arith.constant 31 : i32
        %shift_right_arithmetic3A_1046 = vector.broadcast %shift_right_arithmetic3A_1045 : i32 to vector<16xi32>
        %shift_right_arithmetic3A_1047 = arith.shrsi %sub3A_1044, %shift_right_arithmetic3A_1046 : vector<16xi32>
        %add3A_1048 = arith.constant 1 : i32
        %add3A_1049 = vector.broadcast %add3A_1048 : i32 to vector<16xi32>
        %add3A_1050 = arith.addi %add3A_1049, %shift_right_arithmetic3A_1047 : vector<16xi32>
        %mul3A_1051 = arith.constant 500000 : i32
        %mul3A_1052 = vector.broadcast %mul3A_1051 : i32 to vector<16xi32>
        %mul3A_1053 = arith.muli %add3A_1050, %mul3A_1052 : vector<16xi32>
        %sub3A_1054 = arith.subi %get3A_1041, %mul3A_1053 : vector<16xi32>
        %swap3A_1055 = arith.constant 160 : index
        %swap3A_1056 = tpu.vector_load %arg6[%swap3A_1055] {strides = array<i32>} : memref<208xi32, #tpu.memory_space<vmem>>, vector<16xi32>,
        %swap3A_1057 = vector.shape_cast %swap3A_1056 : vector<16xi32> to vector<16xi32>
        %swap3A_1058 = vector.shape_cast %sub3A_1054 : vector<16xi32> to vector<16xi32>
        tpu.vector_store %arg6[%swap3A_1055], %swap3A_1058 {strides = array<i32>} : memref<208xi32, #tpu.memory_space<vmem>>, vector<16xi32>,
        %get3A_1059 = arith.index_cast %add3A_827 : i32 to index
        %get3A_1060 = arith.constant 176 : index
        %get3A_1061 = tpu.vector_load %arg5[%get3A_1059, %get3A_1060] {strides = array<i32>} : memref<32x208xi32, #tpu.memory_space<vmem>>, vector<1x16xi32>,
        %get3A_1062 = vector.shape_cast %get3A_1061 : vector<1x16xi32> to vector<16xi32>
        %sub3A_1063 = arith.constant 500000 : i32
        %sub3A_1064 = vector.broadcast %sub3A_1063 : i32 to vector<16xi32>
        %sub3A_1065 = arith.subi %get3A_1062, %sub3A_1064 : vector<16xi32>
        %shift_right_arithmetic3A_1066 = arith.constant 31 : i32
        %shift_right_arithmetic3A_1067 = vector.broadcast %shift_right_arithmetic3A_1066 : i32 to vector<16xi32>
        %shift_right_arithmetic3A_1068 = arith.shrsi %sub3A_1065, %shift_right_arithmetic3A_1067 : vector<16xi32>
        %add3A_1069 = arith.constant 1 : i32
        %add3A_1070 = vector.broadcast %add3A_1069 : i32 to vector<16xi32>
        %add3A_1071 = arith.addi %add3A_1070, %shift_right_arithmetic3A_1068 : vector<16xi32>
        %mul3A_1072 = arith.constant 500000 : i32
        %mul3A_1073 = vector.broadcast %mul3A_1072 : i32 to vector<16xi32>
        %mul3A_1074 = arith.muli %add3A_1071, %mul3A_1073 : vector<16xi32>
        %sub3A_1075 = arith.subi %get3A_1062, %mul3A_1074 : vector<16xi32>
        %swap3A_1076 = arith.constant 176 : index
        %swap3A_1077 = tpu.vector_load %arg6[%swap3A_1076] {strides = array<i32>} : memref<208xi32, #tpu.memory_space<vmem>>, vector<16xi32>,
        %swap3A_1078 = vector.shape_cast %swap3A_1077 : vector<16xi32> to vector<16xi32>
        %swap3A_1079 = vector.shape_cast %sub3A_1075 : vector<16xi32> to vector<16xi32>
        tpu.vector_store %arg6[%swap3A_1076], %swap3A_1079 {strides = array<i32>} : memref<208xi32, #tpu.memory_space<vmem>>, vector<16xi32>,
        %get3A_1080 = arith.index_cast %add3A_827 : i32 to index
        %get3A_1081 = arith.constant 192 : index
        %get3A_1082 = tpu.vector_load %arg5[%get3A_1080, %get3A_1081] {strides = array<i32>} : memref<32x208xi32, #tpu.memory_space<vmem>>, vector<1x16xi32>,
        %get3A_1083 = vector.shape_cast %get3A_1082 : vector<1x16xi32> to vector<16xi32>
        %sub3A_1084 = arith.constant 500000 : i32
        %sub3A_1085 = vector.broadcast %sub3A_1084 : i32 to vector<16xi32>
        %sub3A_1086 = arith.subi %get3A_1083, %sub3A_1085 : vector<16xi32>
        %shift_right_arithmetic3A_1087 = arith.constant 31 : i32
        %shift_right_arithmetic3A_1088 = vector.broadcast %shift_right_arithmetic3A_1087 : i32 to vector<16xi32>
        %shift_right_arithmetic3A_1089 = arith.shrsi %sub3A_1086, %shift_right_arithmetic3A_1088 : vector<16xi32>
        %add3A_1090 = arith.constant 1 : i32
        %add3A_1091 = vector.broadcast %add3A_1090 : i32 to vector<16xi32>
        %add3A_1092 = arith.addi %add3A_1091, %shift_right_arithmetic3A_1089 : vector<16xi32>
        %mul3A_1093 = arith.constant 500000 : i32
        %mul3A_1094 = vector.broadcast %mul3A_1093 : i32 to vector<16xi32>
        %mul3A_1095 = arith.muli %add3A_1092, %mul3A_1094 : vector<16xi32>
        %sub3A_1096 = arith.subi %get3A_1083, %mul3A_1095 : vector<16xi32>
        %swap3A_1097 = arith.constant 192 : index
        %swap3A_1098 = tpu.vector_load %arg6[%swap3A_1097] {strides = array<i32>} : memref<208xi32, #tpu.memory_space<vmem>>, vector<16xi32>,
        %swap3A_1099 = vector.shape_cast %swap3A_1098 : vector<16xi32> to vector<16xi32>
        %swap3A_1100 = vector.shape_cast %sub3A_1096 : vector<16xi32> to vector<16xi32>
        tpu.vector_store %arg6[%swap3A_1097], %swap3A_1100 {strides = array<i32>} : memref<208xi32, #tpu.memory_space<vmem>>, vector<16xi32>,
        %dma_start3A_1101 = arith.constant 0 : i32
        %dma_start3A_1102 = arith.constant 0 : i32
        %dma_start3A_1103 = tpu.memref_slice %arg8[%dma_start3A_1101, %dma_start3A_1102] : memref<200x128xf32, #tpu.memory_space<vmem>> -> memref<128x128xf32, #tpu.memory_space<vmem>>
        %dma_start3A_1104 = arith.constant 0 : i32
        %dma_start3A_1105 = tpu.memref_slice %arg6[%dma_start3A_1104] : memref<208xi32, #tpu.memory_space<vmem>> -> memref<128xi32, #tpu.memory_space<vmem>>
        %dma_start3A_1106 = arith.constant 0 : i32
        %dma_start3A_1107 = arith.constant 0 : i32
        %dma_start3A_1108 = tpu.memref_slice %arg3[%dma_start3A_1106, %dma_start3A_1107] : memref<500000x128xf32, #tpu.memory_space<hbm>> -> memref<500000x128xf32, #tpu.memory_space<hbm>>
        tpu.enqueue_indirect_dma source(%dma_start3A_1108 : memref<500000x128xf32, #tpu.memory_space<hbm>>) target(%dma_start3A_1103 : memref<128x128xf32, #tpu.memory_space<vmem>>) offsets(%dma_start3A_1105 : memref<128xi32, #tpu.memory_space<vmem>>) semaphore(%arg12 : memref<!tpu.dma_semaphore, #tpu.memory_space<semaphore_mem>>)
        %dma_start3A_1109 = arith.constant 128 : i32
        %dma_start3A_1110 = arith.constant 0 : i32
        %dma_start3A_1111 = tpu.memref_slice %arg8[%dma_start3A_1109, %dma_start3A_1110] : memref<200x128xf32, #tpu.memory_space<vmem>> -> memref<72x128xf32, #tpu.memory_space<vmem>>
        %dma_start3A_1112 = arith.constant 128 : i32
        %dma_start3A_1113 = tpu.memref_slice %arg6[%dma_start3A_1112] : memref<208xi32, #tpu.memory_space<vmem>> -> memref<72xi32, #tpu.memory_space<vmem>>
        %dma_start3A_1114 = arith.constant 0 : i32
        %dma_start3A_1115 = arith.constant 0 : i32
        %dma_start3A_1116 = tpu.memref_slice %arg3[%dma_start3A_1114, %dma_start3A_1115] : memref<500000x128xf32, #tpu.memory_space<hbm>> -> memref<500000x128xf32, #tpu.memory_space<hbm>>
        tpu.enqueue_indirect_dma source(%dma_start3A_1116 : memref<500000x128xf32, #tpu.memory_space<hbm>>) target(%dma_start3A_1111 : memref<72x128xf32, #tpu.memory_space<vmem>>) offsets(%dma_start3A_1113 : memref<72xi32, #tpu.memory_space<vmem>>) semaphore(%arg12 : memref<!tpu.dma_semaphore, #tpu.memory_space<semaphore_mem>>)
      } else {
      }
      %mul3A_727 = arith.constant 2 : i32
      %mul3A_728 = arith.muli %mul3A_727, %scan3A_305 : i32
      %add3A_729 = arith.constant 1 : i32
      %add3A_730 = arith.addi %mul3A_728, %add3A_729 : i32
      %scan3A_731 = arith.constant 0 : i32
      %scan3A_732 = arith.constant 0 : i32
      %scan3A_733 = arith.constant 100 : i32
      %scan3A_734 = arith.addi %scan3A_732, %scan3A_733 : i32
      %scan3A_735 = arith.constant 2 : i32
      scf.for %scan3A_824 = %scan3A_732 to %scan3A_734 step %scan3A_735  : i32 {
        %jit3A = arith.constant 8 : i32
        %div3A = arith.divsi %scan3A_824, %jit3A : i32
        %sign3A = arith.constant 0 : i32
        %sign3A_825 = arith.cmpi sgt, %scan3A_824, %sign3A : i32
        %sign3A_826 = arith.extui %sign3A_825 : i1 to i32
        %sign3A_827 = arith.constant 0 : i32
        %sign3A_828 = arith.cmpi slt, %scan3A_824, %sign3A_827 : i32
        %sign3A_829 = arith.extui %sign3A_828 : i1 to i32
        %sign3A_830 = arith.subi %sign3A_826, %sign3A_829 : i32
        %sign3A_831 = arith.constant 0 : i32
        %sign3A_832 = arith.cmpi sgt, %jit3A, %sign3A_831 : i32
        %sign3A_833 = arith.extui %sign3A_832 : i1 to i32
        %sign3A_834 = arith.constant 0 : i32
        %sign3A_835 = arith.cmpi slt, %jit3A, %sign3A_834 : i32
        %sign3A_836 = arith.extui %sign3A_835 : i1 to i32
        %sign3A_837 = arith.subi %sign3A_833, %sign3A_836 : i32
        %ne3A = arith.cmpi ne, %sign3A_830, %sign3A_837 : i32
        %rem3A = arith.remsi %scan3A_824, %jit3A : i32
        %ne3A_838 = arith.constant 0 : i32
        %ne3A_839 = arith.cmpi ne, %rem3A, %ne3A_838 : i32
        %and3A = arith.andi %ne3A, %ne3A_839 : i1
        %sub3A_840 = arith.constant 1 : i32
        %sub3A_841 = arith.subi %div3A, %sub3A_840 : i32
        %select_n3A = arith.select %and3A, %sub3A_841, %div3A : i32
        %mul3A_842 = arith.constant 16 : i32
        %mul3A_843 = arith.muli %select_n3A, %mul3A_842 : i32
        %get3A_844 = arith.index_cast %add3A_730 : i32 to index
        %get3A_845 = arith.index_cast %mul3A_843 : i32 to index
        %get3A_846 = tpu.vector_load %arg5[%get3A_844, %get3A_845] {strides = array<i32>} : memref<32x208xi32, #tpu.memory_space<vmem>>, vector<1x16xi32>,
        %get3A_847 = vector.shape_cast %get3A_846 : vector<1x16xi32> to vector<16xi32>
        %mul3A_848 = arith.constant 2 : i32
        %mul3A_849 = arith.muli %mul3A_848, %scan3A_824 : i32
        %add3A_850 = arith.constant 0 : i32
        %add3A_851 = arith.addi %mul3A_849, %add3A_850 : i32
        %jit3A_852 = arith.constant 16 : i32
        %eq3A = arith.constant 0 : i32
        %eq3A_853 = arith.cmpi eq, %jit3A_852, %eq3A : i32
        %jit3A_854 = arith.constant 1 : i32
        %select_n3A_855 = arith.select %eq3A_853, %jit3A_854, %jit3A_852 : i32
        %rem3A_856 = arith.remsi %add3A_851, %select_n3A_855 : i32
        %ne3A_857 = arith.constant 0 : i32
        %ne3A_858 = arith.cmpi ne, %rem3A_856, %ne3A_857 : i32
        %lt3A_859 = arith.constant 0 : i32
        %lt3A_860 = arith.cmpi slt, %rem3A_856, %lt3A_859 : i32
        %lt3A_861 = arith.constant 0 : i32
        %lt3A_862 = arith.cmpi slt, %select_n3A_855, %lt3A_861 : i32
        %ne3A_863 = arith.xori %lt3A_860, %lt3A_862 : i1
        %and3A_864 = arith.andi %ne3A_863, %ne3A_858 : i1
        %add3A_865 = arith.addi %rem3A_856, %select_n3A_855 : i32
        %select_n3A_866 = arith.select %and3A_864, %add3A_865, %rem3A_856 : i32
        %broadcast_in_dim3A = vector.broadcast %select_n3A_866 : i32 to vector<16xi32>
        %broadcast_in_dim3A_867 = vector.shape_cast %broadcast_in_dim3A : vector<16xi32> to vector<16x1xi32>
        %gather3A = vector.shape_cast %broadcast_in_dim3A_867 : vector<16x1xi32> to vector<16xi32>
        %gather3A_868 = tpu.dynamic_gather %get3A_847[%gather3A] in [0] : vector<16xi32>, vector<16xi32> -> vector<16xi32>
        %sub3A_869 = arith.constant 500000 : i32
        %sub3A_870 = vector.broadcast %sub3A_869 : i32 to vector<16xi32>
        %sub3A_871 = arith.subi %gather3A_868, %sub3A_870 : vector<16xi32>
        %shift_right_arithmetic3A_872 = arith.constant 31 : i32
        %shift_right_arithmetic3A_873 = vector.broadcast %shift_right_arithmetic3A_872 : i32 to vector<16xi32>
        %shift_right_arithmetic3A_874 = arith.shrsi %sub3A_871, %shift_right_arithmetic3A_873 : vector<16xi32>
        %add3A_875 = arith.constant 1 : i32
        %add3A_876 = vector.broadcast %add3A_875 : i32 to vector<16xi32>
        %add3A_877 = arith.addi %add3A_876, %shift_right_arithmetic3A_874 : vector<16xi32>
        %convert_element_type3A_878 = arith.sitofp %add3A_877 : vector<16xi32> to vector<16xf32>
        %sub3A_879 = arith.constant 1.000000e+00 : f32
        %sub3A_880 = vector.broadcast %sub3A_879 : f32 to vector<16xf32>
        %sub3A_881 = arith.subf %sub3A_880, %convert_element_type3A_878 : vector<16xf32>
        %get3A_882 = arith.index_cast %add3A_851 : i32 to index
        %get3A_883 = arith.constant 0 : index
        %get3A_884 = tpu.vector_load %arg9[%get3A_882, %get3A_883] {strides = array<i32>} : memref<200x128xf32, #tpu.memory_space<vmem>>, vector<1x16xf32>,
        %get3A_885 = vector.shape_cast %get3A_884 : vector<1x16xf32> to vector<16xf32>
        %get3A_886 = arith.index_cast %add3A_851 : i32 to index
        %get3A_887 = arith.constant 64 : index
        %get3A_888 = tpu.vector_load %arg9[%get3A_886, %get3A_887] {strides = array<i32>} : memref<200x128xf32, #tpu.memory_space<vmem>>, vector<1x16xf32>,
        %get3A_889 = vector.shape_cast %get3A_888 : vector<1x16xf32> to vector<16xf32>
        %mul3A_890 = arith.mulf %get3A_885, %sub3A_881 : vector<16xf32>
        %mul3A_891 = arith.mulf %get3A_889, %convert_element_type3A_878 : vector<16xf32>
        %add3A_892 = arith.addf %mul3A_890, %mul3A_891 : vector<16xf32>
        %swap3A_893 = arith.index_cast %scan3A_824 : i32 to index
        %swap3A_894 = arith.constant 0 : index
        %swap3A_895 = tpu.vector_load %arg10[%swap3A_893, %swap3A_894] {strides = array<i32>} : memref<112x128xf32, #tpu.memory_space<vmem>>, vector<1x16xf32>,
        %swap3A_896 = vector.shape_cast %swap3A_895 : vector<1x16xf32> to vector<16xf32>
        %swap3A_897 = vector.shape_cast %add3A_892 : vector<16xf32> to vector<1x16xf32>
        tpu.vector_store %arg10[%swap3A_893, %swap3A_894], %swap3A_897 {strides = array<i32>} : memref<112x128xf32, #tpu.memory_space<vmem>>, vector<1x16xf32>,
        %get3A_898 = arith.index_cast %add3A_851 : i32 to index
        %get3A_899 = arith.constant 16 : index
        %get3A_900 = tpu.vector_load %arg9[%get3A_898, %get3A_899] {strides = array<i32>} : memref<200x128xf32, #tpu.memory_space<vmem>>, vector<1x16xf32>,
        %get3A_901 = vector.shape_cast %get3A_900 : vector<1x16xf32> to vector<16xf32>
        %get3A_902 = arith.index_cast %add3A_851 : i32 to index
        %get3A_903 = arith.constant 80 : index
        %get3A_904 = tpu.vector_load %arg9[%get3A_902, %get3A_903] {strides = array<i32>} : memref<200x128xf32, #tpu.memory_space<vmem>>, vector<1x16xf32>,
        %get3A_905 = vector.shape_cast %get3A_904 : vector<1x16xf32> to vector<16xf32>
        %mul3A_906 = arith.mulf %get3A_901, %sub3A_881 : vector<16xf32>
        %mul3A_907 = arith.mulf %get3A_905, %convert_element_type3A_878 : vector<16xf32>
        %add3A_908 = arith.addf %mul3A_906, %mul3A_907 : vector<16xf32>
        %swap3A_909 = arith.index_cast %scan3A_824 : i32 to index
        %swap3A_910 = arith.constant 16 : index
        %swap3A_911 = tpu.vector_load %arg10[%swap3A_909, %swap3A_910] {strides = array<i32>} : memref<112x128xf32, #tpu.memory_space<vmem>>, vector<1x16xf32>,
        %swap3A_912 = vector.shape_cast %swap3A_911 : vector<1x16xf32> to vector<16xf32>
        %swap3A_913 = vector.shape_cast %add3A_908 : vector<16xf32> to vector<1x16xf32>
        tpu.vector_store %arg10[%swap3A_909, %swap3A_910], %swap3A_913 {strides = array<i32>} : memref<112x128xf32, #tpu.memory_space<vmem>>, vector<1x16xf32>,
        %get3A_914 = arith.index_cast %add3A_851 : i32 to index
        %get3A_915 = arith.constant 32 : index
        %get3A_916 = tpu.vector_load %arg9[%get3A_914, %get3A_915] {strides = array<i32>} : memref<200x128xf32, #tpu.memory_space<vmem>>, vector<1x16xf32>,
        %get3A_917 = vector.shape_cast %get3A_916 : vector<1x16xf32> to vector<16xf32>
        %get3A_918 = arith.index_cast %add3A_851 : i32 to index
        %get3A_919 = arith.constant 96 : index
        %get3A_920 = tpu.vector_load %arg9[%get3A_918, %get3A_919] {strides = array<i32>} : memref<200x128xf32, #tpu.memory_space<vmem>>, vector<1x16xf32>,
        %get3A_921 = vector.shape_cast %get3A_920 : vector<1x16xf32> to vector<16xf32>
        %mul3A_922 = arith.mulf %get3A_917, %sub3A_881 : vector<16xf32>
        %mul3A_923 = arith.mulf %get3A_921, %convert_element_type3A_878 : vector<16xf32>
        %add3A_924 = arith.addf %mul3A_922, %mul3A_923 : vector<16xf32>
        %swap3A_925 = arith.index_cast %scan3A_824 : i32 to index
        %swap3A_926 = arith.constant 32 : index
        %swap3A_927 = tpu.vector_load %arg10[%swap3A_925, %swap3A_926] {strides = array<i32>} : memref<112x128xf32, #tpu.memory_space<vmem>>, vector<1x16xf32>,
        %swap3A_928 = vector.shape_cast %swap3A_927 : vector<1x16xf32> to vector<16xf32>
        %swap3A_929 = vector.shape_cast %add3A_924 : vector<16xf32> to vector<1x16xf32>
        tpu.vector_store %arg10[%swap3A_925, %swap3A_926], %swap3A_929 {strides = array<i32>} : memref<112x128xf32, #tpu.memory_space<vmem>>, vector<1x16xf32>,
        %get3A_930 = arith.index_cast %add3A_851 : i32 to index
        %get3A_931 = arith.constant 48 : index
        %get3A_932 = tpu.vector_load %arg9[%get3A_930, %get3A_931] {strides = array<i32>} : memref<200x128xf32, #tpu.memory_space<vmem>>, vector<1x16xf32>,
        %get3A_933 = vector.shape_cast %get3A_932 : vector<1x16xf32> to vector<16xf32>
        %get3A_934 = arith.index_cast %add3A_851 : i32 to index
        %get3A_935 = arith.constant 112 : index
        %get3A_936 = tpu.vector_load %arg9[%get3A_934, %get3A_935] {strides = array<i32>} : memref<200x128xf32, #tpu.memory_space<vmem>>, vector<1x16xf32>,
        %get3A_937 = vector.shape_cast %get3A_936 : vector<1x16xf32> to vector<16xf32>
        %mul3A_938 = arith.mulf %get3A_933, %sub3A_881 : vector<16xf32>
        %mul3A_939 = arith.mulf %get3A_937, %convert_element_type3A_878 : vector<16xf32>
        %add3A_940 = arith.addf %mul3A_938, %mul3A_939 : vector<16xf32>
        %swap3A_941 = arith.index_cast %scan3A_824 : i32 to index
        %swap3A_942 = arith.constant 48 : index
        %swap3A_943 = tpu.vector_load %arg10[%swap3A_941, %swap3A_942] {strides = array<i32>} : memref<112x128xf32, #tpu.memory_space<vmem>>, vector<1x16xf32>,
        %swap3A_944 = vector.shape_cast %swap3A_943 : vector<1x16xf32> to vector<16xf32>
        %swap3A_945 = vector.shape_cast %add3A_940 : vector<16xf32> to vector<1x16xf32>
        tpu.vector_store %arg10[%swap3A_941, %swap3A_942], %swap3A_945 {strides = array<i32>} : memref<112x128xf32, #tpu.memory_space<vmem>>, vector<1x16xf32>,
        %mul3A_946 = arith.constant 2 : i32
        %mul3A_947 = arith.muli %mul3A_946, %scan3A_824 : i32
        %add3A_948 = arith.constant 1 : i32
        %add3A_949 = arith.addi %mul3A_947, %add3A_948 : i32
        %jit3A_950 = arith.constant 16 : i32
        %eq3A_951 = arith.constant 0 : i32
        %eq3A_952 = arith.cmpi eq, %jit3A_950, %eq3A_951 : i32
        %jit3A_953 = arith.constant 1 : i32
        %select_n3A_954 = arith.select %eq3A_952, %jit3A_953, %jit3A_950 : i32
        %rem3A_955 = arith.remsi %add3A_949, %select_n3A_954 : i32
        %ne3A_956 = arith.constant 0 : i32
        %ne3A_957 = arith.cmpi ne, %rem3A_955, %ne3A_956 : i32
        %lt3A_958 = arith.constant 0 : i32
        %lt3A_959 = arith.cmpi slt, %rem3A_955, %lt3A_958 : i32
        %lt3A_960 = arith.constant 0 : i32
        %lt3A_961 = arith.cmpi slt, %select_n3A_954, %lt3A_960 : i32
        %ne3A_962 = arith.xori %lt3A_959, %lt3A_961 : i1
        %and3A_963 = arith.andi %ne3A_962, %ne3A_957 : i1
        %add3A_964 = arith.addi %rem3A_955, %select_n3A_954 : i32
        %select_n3A_965 = arith.select %and3A_963, %add3A_964, %rem3A_955 : i32
        %broadcast_in_dim3A_966 = vector.broadcast %select_n3A_965 : i32 to vector<16xi32>
        %broadcast_in_dim3A_967 = vector.shape_cast %broadcast_in_dim3A_966 : vector<16xi32> to vector<16x1xi32>
        %gather3A_968 = vector.shape_cast %broadcast_in_dim3A_967 : vector<16x1xi32> to vector<16xi32>
        %gather3A_969 = tpu.dynamic_gather %get3A_847[%gather3A_968] in [0] : vector<16xi32>, vector<16xi32> -> vector<16xi32>
        %sub3A_970 = arith.constant 500000 : i32
        %sub3A_971 = vector.broadcast %sub3A_970 : i32 to vector<16xi32>
        %sub3A_972 = arith.subi %gather3A_969, %sub3A_971 : vector<16xi32>
        %shift_right_arithmetic3A_973 = arith.constant 31 : i32
        %shift_right_arithmetic3A_974 = vector.broadcast %shift_right_arithmetic3A_973 : i32 to vector<16xi32>
        %shift_right_arithmetic3A_975 = arith.shrsi %sub3A_972, %shift_right_arithmetic3A_974 : vector<16xi32>
        %add3A_976 = arith.constant 1 : i32
        %add3A_977 = vector.broadcast %add3A_976 : i32 to vector<16xi32>
        %add3A_978 = arith.addi %add3A_977, %shift_right_arithmetic3A_975 : vector<16xi32>
        %convert_element_type3A_979 = arith.sitofp %add3A_978 : vector<16xi32> to vector<16xf32>
        %sub3A_980 = arith.constant 1.000000e+00 : f32
        %sub3A_981 = vector.broadcast %sub3A_980 : f32 to vector<16xf32>
        %sub3A_982 = arith.subf %sub3A_981, %convert_element_type3A_979 : vector<16xf32>
        %get3A_983 = arith.index_cast %add3A_949 : i32 to index
        %get3A_984 = arith.constant 0 : index
        %get3A_985 = tpu.vector_load %arg9[%get3A_983, %get3A_984] {strides = array<i32>} : memref<200x128xf32, #tpu.memory_space<vmem>>, vector<1x16xf32>,
        %get3A_986 = vector.shape_cast %get3A_985 : vector<1x16xf32> to vector<16xf32>
        %get3A_987 = arith.index_cast %add3A_949 : i32 to index
        %get3A_988 = arith.constant 64 : index
        %get3A_989 = tpu.vector_load %arg9[%get3A_987, %get3A_988] {strides = array<i32>} : memref<200x128xf32, #tpu.memory_space<vmem>>, vector<1x16xf32>,
        %get3A_990 = vector.shape_cast %get3A_989 : vector<1x16xf32> to vector<16xf32>
        %mul3A_991 = arith.mulf %get3A_986, %sub3A_982 : vector<16xf32>
        %mul3A_992 = arith.mulf %get3A_990, %convert_element_type3A_979 : vector<16xf32>
        %add3A_993 = arith.addf %mul3A_991, %mul3A_992 : vector<16xf32>
        %swap3A_994 = arith.index_cast %scan3A_824 : i32 to index
        %swap3A_995 = arith.constant 64 : index
        %swap3A_996 = tpu.vector_load %arg10[%swap3A_994, %swap3A_995] {strides = array<i32>} : memref<112x128xf32, #tpu.memory_space<vmem>>, vector<1x16xf32>,
        %swap3A_997 = vector.shape_cast %swap3A_996 : vector<1x16xf32> to vector<16xf32>
        %swap3A_998 = vector.shape_cast %add3A_993 : vector<16xf32> to vector<1x16xf32>
        tpu.vector_store %arg10[%swap3A_994, %swap3A_995], %swap3A_998 {strides = array<i32>} : memref<112x128xf32, #tpu.memory_space<vmem>>, vector<1x16xf32>,
        %get3A_999 = arith.index_cast %add3A_949 : i32 to index
        %get3A_1000 = arith.constant 16 : index
        %get3A_1001 = tpu.vector_load %arg9[%get3A_999, %get3A_1000] {strides = array<i32>} : memref<200x128xf32, #tpu.memory_space<vmem>>, vector<1x16xf32>,
        %get3A_1002 = vector.shape_cast %get3A_1001 : vector<1x16xf32> to vector<16xf32>
        %get3A_1003 = arith.index_cast %add3A_949 : i32 to index
        %get3A_1004 = arith.constant 80 : index
        %get3A_1005 = tpu.vector_load %arg9[%get3A_1003, %get3A_1004] {strides = array<i32>} : memref<200x128xf32, #tpu.memory_space<vmem>>, vector<1x16xf32>,
        %get3A_1006 = vector.shape_cast %get3A_1005 : vector<1x16xf32> to vector<16xf32>
        %mul3A_1007 = arith.mulf %get3A_1002, %sub3A_982 : vector<16xf32>
        %mul3A_1008 = arith.mulf %get3A_1006, %convert_element_type3A_979 : vector<16xf32>
        %add3A_1009 = arith.addf %mul3A_1007, %mul3A_1008 : vector<16xf32>
        %swap3A_1010 = arith.index_cast %scan3A_824 : i32 to index
        %swap3A_1011 = arith.constant 80 : index
        %swap3A_1012 = tpu.vector_load %arg10[%swap3A_1010, %swap3A_1011] {strides = array<i32>} : memref<112x128xf32, #tpu.memory_space<vmem>>, vector<1x16xf32>,
        %swap3A_1013 = vector.shape_cast %swap3A_1012 : vector<1x16xf32> to vector<16xf32>
        %swap3A_1014 = vector.shape_cast %add3A_1009 : vector<16xf32> to vector<1x16xf32>
        tpu.vector_store %arg10[%swap3A_1010, %swap3A_1011], %swap3A_1014 {strides = array<i32>} : memref<112x128xf32, #tpu.memory_space<vmem>>, vector<1x16xf32>,
        %get3A_1015 = arith.index_cast %add3A_949 : i32 to index
        %get3A_1016 = arith.constant 32 : index
        %get3A_1017 = tpu.vector_load %arg9[%get3A_1015, %get3A_1016] {strides = array<i32>} : memref<200x128xf32, #tpu.memory_space<vmem>>, vector<1x16xf32>,
        %get3A_1018 = vector.shape_cast %get3A_1017 : vector<1x16xf32> to vector<16xf32>
        %get3A_1019 = arith.index_cast %add3A_949 : i32 to index
        %get3A_1020 = arith.constant 96 : index
        %get3A_1021 = tpu.vector_load %arg9[%get3A_1019, %get3A_1020] {strides = array<i32>} : memref<200x128xf32, #tpu.memory_space<vmem>>, vector<1x16xf32>,
        %get3A_1022 = vector.shape_cast %get3A_1021 : vector<1x16xf32> to vector<16xf32>
        %mul3A_1023 = arith.mulf %get3A_1018, %sub3A_982 : vector<16xf32>
        %mul3A_1024 = arith.mulf %get3A_1022, %convert_element_type3A_979 : vector<16xf32>
        %add3A_1025 = arith.addf %mul3A_1023, %mul3A_1024 : vector<16xf32>
        %swap3A_1026 = arith.index_cast %scan3A_824 : i32 to index
        %swap3A_1027 = arith.constant 96 : index
        %swap3A_1028 = tpu.vector_load %arg10[%swap3A_1026, %swap3A_1027] {strides = array<i32>} : memref<112x128xf32, #tpu.memory_space<vmem>>, vector<1x16xf32>,
        %swap3A_1029 = vector.shape_cast %swap3A_1028 : vector<1x16xf32> to vector<16xf32>
        %swap3A_1030 = vector.shape_cast %add3A_1025 : vector<16xf32> to vector<1x16xf32>
        tpu.vector_store %arg10[%swap3A_1026, %swap3A_1027], %swap3A_1030 {strides = array<i32>} : memref<112x128xf32, #tpu.memory_space<vmem>>, vector<1x16xf32>,
        %get3A_1031 = arith.index_cast %add3A_949 : i32 to index
        %get3A_1032 = arith.constant 48 : index
        %get3A_1033 = tpu.vector_load %arg9[%get3A_1031, %get3A_1032] {strides = array<i32>} : memref<200x128xf32, #tpu.memory_space<vmem>>, vector<1x16xf32>,
        %get3A_1034 = vector.shape_cast %get3A_1033 : vector<1x16xf32> to vector<16xf32>
        %get3A_1035 = arith.index_cast %add3A_949 : i32 to index
        %get3A_1036 = arith.constant 112 : index
        %get3A_1037 = tpu.vector_load %arg9[%get3A_1035, %get3A_1036] {strides = array<i32>} : memref<200x128xf32, #tpu.memory_space<vmem>>, vector<1x16xf32>,
        %get3A_1038 = vector.shape_cast %get3A_1037 : vector<1x16xf32> to vector<16xf32>
        %mul3A_1039 = arith.mulf %get3A_1034, %sub3A_982 : vector<16xf32>
        %mul3A_1040 = arith.mulf %get3A_1038, %convert_element_type3A_979 : vector<16xf32>
        %add3A_1041 = arith.addf %mul3A_1039, %mul3A_1040 : vector<16xf32>
        %swap3A_1042 = arith.index_cast %scan3A_824 : i32 to index
        %swap3A_1043 = arith.constant 112 : index
        %swap3A_1044 = tpu.vector_load %arg10[%swap3A_1042, %swap3A_1043] {strides = array<i32>} : memref<112x128xf32, #tpu.memory_space<vmem>>, vector<1x16xf32>,
        %swap3A_1045 = vector.shape_cast %swap3A_1044 : vector<1x16xf32> to vector<16xf32>
        %swap3A_1046 = vector.shape_cast %add3A_1041 : vector<16xf32> to vector<1x16xf32>
        tpu.vector_store %arg10[%swap3A_1042, %swap3A_1043], %swap3A_1046 {strides = array<i32>} : memref<112x128xf32, #tpu.memory_space<vmem>>, vector<1x16xf32>,
        %scan3A_1047 = arith.constant 1 : i32
        %scan3A_1048 = arith.addi %scan3A_824, %scan3A_1047 : i32
        %jit3A_1049 = arith.constant 8 : i32
        %div3A_1050 = arith.divsi %scan3A_1048, %jit3A_1049 : i32
        %sign3A_1051 = arith.constant 0 : i32
        %sign3A_1052 = arith.cmpi sgt, %scan3A_1048, %sign3A_1051 : i32
        %sign3A_1053 = arith.extui %sign3A_1052 : i1 to i32
        %sign3A_1054 = arith.constant 0 : i32
        %sign3A_1055 = arith.cmpi slt, %scan3A_1048, %sign3A_1054 : i32
        %sign3A_1056 = arith.extui %sign3A_1055 : i1 to i32
        %sign3A_1057 = arith.subi %sign3A_1053, %sign3A_1056 : i32
        %sign3A_1058 = arith.constant 0 : i32
        %sign3A_1059 = arith.cmpi sgt, %jit3A_1049, %sign3A_1058 : i32
        %sign3A_1060 = arith.extui %sign3A_1059 : i1 to i32
        %sign3A_1061 = arith.constant 0 : i32
        %sign3A_1062 = arith.cmpi slt, %jit3A_1049, %sign3A_1061 : i32
        %sign3A_1063 = arith.extui %sign3A_1062 : i1 to i32
        %sign3A_1064 = arith.subi %sign3A_1060, %sign3A_1063 : i32
        %ne3A_1065 = arith.cmpi ne, %sign3A_1057, %sign3A_1064 : i32
        %rem3A_1066 = arith.remsi %scan3A_1048, %jit3A_1049 : i32
        %ne3A_1067 = arith.constant 0 : i32
        %ne3A_1068 = arith.cmpi ne, %rem3A_1066, %ne3A_1067 : i32
        %and3A_1069 = arith.andi %ne3A_1065, %ne3A_1068 : i1
        %sub3A_1070 = arith.constant 1 : i32
        %sub3A_1071 = arith.subi %div3A_1050, %sub3A_1070 : i32
        %select_n3A_1072 = arith.select %and3A_1069, %sub3A_1071, %div3A_1050 : i32
        %mul3A_1073 = arith.constant 16 : i32
        %mul3A_1074 = arith.muli %select_n3A_1072, %mul3A_1073 : i32
        %get3A_1075 = arith.index_cast %add3A_730 : i32 to index
        %get3A_1076 = arith.index_cast %mul3A_1074 : i32 to index
        %get3A_1077 = tpu.vector_load %arg5[%get3A_1075, %get3A_1076] {strides = array<i32>} : memref<32x208xi32, #tpu.memory_space<vmem>>, vector<1x16xi32>,
        %get3A_1078 = vector.shape_cast %get3A_1077 : vector<1x16xi32> to vector<16xi32>
        %mul3A_1079 = arith.constant 2 : i32
        %mul3A_1080 = arith.muli %mul3A_1079, %scan3A_1048 : i32
        %add3A_1081 = arith.constant 0 : i32
        %add3A_1082 = arith.addi %mul3A_1080, %add3A_1081 : i32
        %jit3A_1083 = arith.constant 16 : i32
        %eq3A_1084 = arith.constant 0 : i32
        %eq3A_1085 = arith.cmpi eq, %jit3A_1083, %eq3A_1084 : i32
        %jit3A_1086 = arith.constant 1 : i32
        %select_n3A_1087 = arith.select %eq3A_1085, %jit3A_1086, %jit3A_1083 : i32
        %rem3A_1088 = arith.remsi %add3A_1082, %select_n3A_1087 : i32
        %ne3A_1089 = arith.constant 0 : i32
        %ne3A_1090 = arith.cmpi ne, %rem3A_1088, %ne3A_1089 : i32
        %lt3A_1091 = arith.constant 0 : i32
        %lt3A_1092 = arith.cmpi slt, %rem3A_1088, %lt3A_1091 : i32
        %lt3A_1093 = arith.constant 0 : i32
        %lt3A_1094 = arith.cmpi slt, %select_n3A_1087, %lt3A_1093 : i32
        %ne3A_1095 = arith.xori %lt3A_1092, %lt3A_1094 : i1
        %and3A_1096 = arith.andi %ne3A_1095, %ne3A_1090 : i1
        %add3A_1097 = arith.addi %rem3A_1088, %select_n3A_1087 : i32
        %select_n3A_1098 = arith.select %and3A_1096, %add3A_1097, %rem3A_1088 : i32
        %broadcast_in_dim3A_1099 = vector.broadcast %select_n3A_1098 : i32 to vector<16xi32>
        %broadcast_in_dim3A_1100 = vector.shape_cast %broadcast_in_dim3A_1099 : vector<16xi32> to vector<16x1xi32>
        %gather3A_1101 = vector.shape_cast %broadcast_in_dim3A_1100 : vector<16x1xi32> to vector<16xi32>
        %gather3A_1102 = tpu.dynamic_gather %get3A_1078[%gather3A_1101] in [0] : vector<16xi32>, vector<16xi32> -> vector<16xi32>
        %sub3A_1103 = arith.constant 500000 : i32
        %sub3A_1104 = vector.broadcast %sub3A_1103 : i32 to vector<16xi32>
        %sub3A_1105 = arith.subi %gather3A_1102, %sub3A_1104 : vector<16xi32>
        %shift_right_arithmetic3A_1106 = arith.constant 31 : i32
        %shift_right_arithmetic3A_1107 = vector.broadcast %shift_right_arithmetic3A_1106 : i32 to vector<16xi32>
        %shift_right_arithmetic3A_1108 = arith.shrsi %sub3A_1105, %shift_right_arithmetic3A_1107 : vector<16xi32>
        %add3A_1109 = arith.constant 1 : i32
        %add3A_1110 = vector.broadcast %add3A_1109 : i32 to vector<16xi32>
        %add3A_1111 = arith.addi %add3A_1110, %shift_right_arithmetic3A_1108 : vector<16xi32>
        %convert_element_type3A_1112 = arith.sitofp %add3A_1111 : vector<16xi32> to vector<16xf32>
        %sub3A_1113 = arith.constant 1.000000e+00 : f32
        %sub3A_1114 = vector.broadcast %sub3A_1113 : f32 to vector<16xf32>
        %sub3A_1115 = arith.subf %sub3A_1114, %convert_element_type3A_1112 : vector<16xf32>
        %get3A_1116 = arith.index_cast %add3A_1082 : i32 to index
        %get3A_1117 = arith.constant 0 : index
        %get3A_1118 = tpu.vector_load %arg9[%get3A_1116, %get3A_1117] {strides = array<i32>} : memref<200x128xf32, #tpu.memory_space<vmem>>, vector<1x16xf32>,
        %get3A_1119 = vector.shape_cast %get3A_1118 : vector<1x16xf32> to vector<16xf32>
        %get3A_1120 = arith.index_cast %add3A_1082 : i32 to index
        %get3A_1121 = arith.constant 64 : index
        %get3A_1122 = tpu.vector_load %arg9[%get3A_1120, %get3A_1121] {strides = array<i32>} : memref<200x128xf32, #tpu.memory_space<vmem>>, vector<1x16xf32>,
        %get3A_1123 = vector.shape_cast %get3A_1122 : vector<1x16xf32> to vector<16xf32>
        %mul3A_1124 = arith.mulf %get3A_1119, %sub3A_1115 : vector<16xf32>
        %mul3A_1125 = arith.mulf %get3A_1123, %convert_element_type3A_1112 : vector<16xf32>
        %add3A_1126 = arith.addf %mul3A_1124, %mul3A_1125 : vector<16xf32>
        %swap3A_1127 = arith.index_cast %scan3A_1048 : i32 to index
        %swap3A_1128 = arith.constant 0 : index
        %swap3A_1129 = tpu.vector_load %arg10[%swap3A_1127, %swap3A_1128] {strides = array<i32>} : memref<112x128xf32, #tpu.memory_space<vmem>>, vector<1x16xf32>,
        %swap3A_1130 = vector.shape_cast %swap3A_1129 : vector<1x16xf32> to vector<16xf32>
        %swap3A_1131 = vector.shape_cast %add3A_1126 : vector<16xf32> to vector<1x16xf32>
        tpu.vector_store %arg10[%swap3A_1127, %swap3A_1128], %swap3A_1131 {strides = array<i32>} : memref<112x128xf32, #tpu.memory_space<vmem>>, vector<1x16xf32>,
        %get3A_1132 = arith.index_cast %add3A_1082 : i32 to index
        %get3A_1133 = arith.constant 16 : index
        %get3A_1134 = tpu.vector_load %arg9[%get3A_1132, %get3A_1133] {strides = array<i32>} : memref<200x128xf32, #tpu.memory_space<vmem>>, vector<1x16xf32>,
        %get3A_1135 = vector.shape_cast %get3A_1134 : vector<1x16xf32> to vector<16xf32>
        %get3A_1136 = arith.index_cast %add3A_1082 : i32 to index
        %get3A_1137 = arith.constant 80 : index
        %get3A_1138 = tpu.vector_load %arg9[%get3A_1136, %get3A_1137] {strides = array<i32>} : memref<200x128xf32, #tpu.memory_space<vmem>>, vector<1x16xf32>,
        %get3A_1139 = vector.shape_cast %get3A_1138 : vector<1x16xf32> to vector<16xf32>
        %mul3A_1140 = arith.mulf %get3A_1135, %sub3A_1115 : vector<16xf32>
        %mul3A_1141 = arith.mulf %get3A_1139, %convert_element_type3A_1112 : vector<16xf32>
        %add3A_1142 = arith.addf %mul3A_1140, %mul3A_1141 : vector<16xf32>
        %swap3A_1143 = arith.index_cast %scan3A_1048 : i32 to index
        %swap3A_1144 = arith.constant 16 : index
        %swap3A_1145 = tpu.vector_load %arg10[%swap3A_1143, %swap3A_1144] {strides = array<i32>} : memref<112x128xf32, #tpu.memory_space<vmem>>, vector<1x16xf32>,
        %swap3A_1146 = vector.shape_cast %swap3A_1145 : vector<1x16xf32> to vector<16xf32>
        %swap3A_1147 = vector.shape_cast %add3A_1142 : vector<16xf32> to vector<1x16xf32>
        tpu.vector_store %arg10[%swap3A_1143, %swap3A_1144], %swap3A_1147 {strides = array<i32>} : memref<112x128xf32, #tpu.memory_space<vmem>>, vector<1x16xf32>,
        %get3A_1148 = arith.index_cast %add3A_1082 : i32 to index
        %get3A_1149 = arith.constant 32 : index
        %get3A_1150 = tpu.vector_load %arg9[%get3A_1148, %get3A_1149] {strides = array<i32>} : memref<200x128xf32, #tpu.memory_space<vmem>>, vector<1x16xf32>,
        %get3A_1151 = vector.shape_cast %get3A_1150 : vector<1x16xf32> to vector<16xf32>
        %get3A_1152 = arith.index_cast %add3A_1082 : i32 to index
        %get3A_1153 = arith.constant 96 : index
        %get3A_1154 = tpu.vector_load %arg9[%get3A_1152, %get3A_1153] {strides = array<i32>} : memref<200x128xf32, #tpu.memory_space<vmem>>, vector<1x16xf32>,
        %get3A_1155 = vector.shape_cast %get3A_1154 : vector<1x16xf32> to vector<16xf32>
        %mul3A_1156 = arith.mulf %get3A_1151, %sub3A_1115 : vector<16xf32>
        %mul3A_1157 = arith.mulf %get3A_1155, %convert_element_type3A_1112 : vector<16xf32>
        %add3A_1158 = arith.addf %mul3A_1156, %mul3A_1157 : vector<16xf32>
        %swap3A_1159 = arith.index_cast %scan3A_1048 : i32 to index
        %swap3A_1160 = arith.constant 32 : index
        %swap3A_1161 = tpu.vector_load %arg10[%swap3A_1159, %swap3A_1160] {strides = array<i32>} : memref<112x128xf32, #tpu.memory_space<vmem>>, vector<1x16xf32>,
        %swap3A_1162 = vector.shape_cast %swap3A_1161 : vector<1x16xf32> to vector<16xf32>
        %swap3A_1163 = vector.shape_cast %add3A_1158 : vector<16xf32> to vector<1x16xf32>
        tpu.vector_store %arg10[%swap3A_1159, %swap3A_1160], %swap3A_1163 {strides = array<i32>} : memref<112x128xf32, #tpu.memory_space<vmem>>, vector<1x16xf32>,
        %get3A_1164 = arith.index_cast %add3A_1082 : i32 to index
        %get3A_1165 = arith.constant 48 : index
        %get3A_1166 = tpu.vector_load %arg9[%get3A_1164, %get3A_1165] {strides = array<i32>} : memref<200x128xf32, #tpu.memory_space<vmem>>, vector<1x16xf32>,
        %get3A_1167 = vector.shape_cast %get3A_1166 : vector<1x16xf32> to vector<16xf32>
        %get3A_1168 = arith.index_cast %add3A_1082 : i32 to index
        %get3A_1169 = arith.constant 112 : index
        %get3A_1170 = tpu.vector_load %arg9[%get3A_1168, %get3A_1169] {strides = array<i32>} : memref<200x128xf32, #tpu.memory_space<vmem>>, vector<1x16xf32>,
        %get3A_1171 = vector.shape_cast %get3A_1170 : vector<1x16xf32> to vector<16xf32>
        %mul3A_1172 = arith.mulf %get3A_1167, %sub3A_1115 : vector<16xf32>
        %mul3A_1173 = arith.mulf %get3A_1171, %convert_element_type3A_1112 : vector<16xf32>
        %add3A_1174 = arith.addf %mul3A_1172, %mul3A_1173 : vector<16xf32>
        %swap3A_1175 = arith.index_cast %scan3A_1048 : i32 to index
        %swap3A_1176 = arith.constant 48 : index
        %swap3A_1177 = tpu.vector_load %arg10[%swap3A_1175, %swap3A_1176] {strides = array<i32>} : memref<112x128xf32, #tpu.memory_space<vmem>>, vector<1x16xf32>,
        %swap3A_1178 = vector.shape_cast %swap3A_1177 : vector<1x16xf32> to vector<16xf32>
        %swap3A_1179 = vector.shape_cast %add3A_1174 : vector<16xf32> to vector<1x16xf32>
        tpu.vector_store %arg10[%swap3A_1175, %swap3A_1176], %swap3A_1179 {strides = array<i32>} : memref<112x128xf32, #tpu.memory_space<vmem>>, vector<1x16xf32>,
        %mul3A_1180 = arith.constant 2 : i32
        %mul3A_1181 = arith.muli %mul3A_1180, %scan3A_1048 : i32
        %add3A_1182 = arith.constant 1 : i32
        %add3A_1183 = arith.addi %mul3A_1181, %add3A_1182 : i32
        %jit3A_1184 = arith.constant 16 : i32
        %eq3A_1185 = arith.constant 0 : i32
        %eq3A_1186 = arith.cmpi eq, %jit3A_1184, %eq3A_1185 : i32
        %jit3A_1187 = arith.constant 1 : i32
        %select_n3A_1188 = arith.select %eq3A_1186, %jit3A_1187, %jit3A_1184 : i32
        %rem3A_1189 = arith.remsi %add3A_1183, %select_n3A_1188 : i32
        %ne3A_1190 = arith.constant 0 : i32
        %ne3A_1191 = arith.cmpi ne, %rem3A_1189, %ne3A_1190 : i32
        %lt3A_1192 = arith.constant 0 : i32
        %lt3A_1193 = arith.cmpi slt, %rem3A_1189, %lt3A_1192 : i32
        %lt3A_1194 = arith.constant 0 : i32
        %lt3A_1195 = arith.cmpi slt, %select_n3A_1188, %lt3A_1194 : i32
        %ne3A_1196 = arith.xori %lt3A_1193, %lt3A_1195 : i1
        %and3A_1197 = arith.andi %ne3A_1196, %ne3A_1191 : i1
        %add3A_1198 = arith.addi %rem3A_1189, %select_n3A_1188 : i32
        %select_n3A_1199 = arith.select %and3A_1197, %add3A_1198, %rem3A_1189 : i32
        %broadcast_in_dim3A_1200 = vector.broadcast %select_n3A_1199 : i32 to vector<16xi32>
        %broadcast_in_dim3A_1201 = vector.shape_cast %broadcast_in_dim3A_1200 : vector<16xi32> to vector<16x1xi32>
        %gather3A_1202 = vector.shape_cast %broadcast_in_dim3A_1201 : vector<16x1xi32> to vector<16xi32>
        %gather3A_1203 = tpu.dynamic_gather %get3A_1078[%gather3A_1202] in [0] : vector<16xi32>, vector<16xi32> -> vector<16xi32>
        %sub3A_1204 = arith.constant 500000 : i32
        %sub3A_1205 = vector.broadcast %sub3A_1204 : i32 to vector<16xi32>
        %sub3A_1206 = arith.subi %gather3A_1203, %sub3A_1205 : vector<16xi32>
        %shift_right_arithmetic3A_1207 = arith.constant 31 : i32
        %shift_right_arithmetic3A_1208 = vector.broadcast %shift_right_arithmetic3A_1207 : i32 to vector<16xi32>
        %shift_right_arithmetic3A_1209 = arith.shrsi %sub3A_1206, %shift_right_arithmetic3A_1208 : vector<16xi32>
        %add3A_1210 = arith.constant 1 : i32
        %add3A_1211 = vector.broadcast %add3A_1210 : i32 to vector<16xi32>
        %add3A_1212 = arith.addi %add3A_1211, %shift_right_arithmetic3A_1209 : vector<16xi32>
        %convert_element_type3A_1213 = arith.sitofp %add3A_1212 : vector<16xi32> to vector<16xf32>
        %sub3A_1214 = arith.constant 1.000000e+00 : f32
        %sub3A_1215 = vector.broadcast %sub3A_1214 : f32 to vector<16xf32>
        %sub3A_1216 = arith.subf %sub3A_1215, %convert_element_type3A_1213 : vector<16xf32>
        %get3A_1217 = arith.index_cast %add3A_1183 : i32 to index
        %get3A_1218 = arith.constant 0 : index
        %get3A_1219 = tpu.vector_load %arg9[%get3A_1217, %get3A_1218] {strides = array<i32>} : memref<200x128xf32, #tpu.memory_space<vmem>>, vector<1x16xf32>,
        %get3A_1220 = vector.shape_cast %get3A_1219 : vector<1x16xf32> to vector<16xf32>
        %get3A_1221 = arith.index_cast %add3A_1183 : i32 to index
        %get3A_1222 = arith.constant 64 : index
        %get3A_1223 = tpu.vector_load %arg9[%get3A_1221, %get3A_1222] {strides = array<i32>} : memref<200x128xf32, #tpu.memory_space<vmem>>, vector<1x16xf32>,
        %get3A_1224 = vector.shape_cast %get3A_1223 : vector<1x16xf32> to vector<16xf32>
        %mul3A_1225 = arith.mulf %get3A_1220, %sub3A_1216 : vector<16xf32>
        %mul3A_1226 = arith.mulf %get3A_1224, %convert_element_type3A_1213 : vector<16xf32>
        %add3A_1227 = arith.addf %mul3A_1225, %mul3A_1226 : vector<16xf32>
        %swap3A_1228 = arith.index_cast %scan3A_1048 : i32 to index
        %swap3A_1229 = arith.constant 64 : index
        %swap3A_1230 = tpu.vector_load %arg10[%swap3A_1228, %swap3A_1229] {strides = array<i32>} : memref<112x128xf32, #tpu.memory_space<vmem>>, vector<1x16xf32>,
        %swap3A_1231 = vector.shape_cast %swap3A_1230 : vector<1x16xf32> to vector<16xf32>
        %swap3A_1232 = vector.shape_cast %add3A_1227 : vector<16xf32> to vector<1x16xf32>
        tpu.vector_store %arg10[%swap3A_1228, %swap3A_1229], %swap3A_1232 {strides = array<i32>} : memref<112x128xf32, #tpu.memory_space<vmem>>, vector<1x16xf32>,
        %get3A_1233 = arith.index_cast %add3A_1183 : i32 to index
        %get3A_1234 = arith.constant 16 : index
        %get3A_1235 = tpu.vector_load %arg9[%get3A_1233, %get3A_1234] {strides = array<i32>} : memref<200x128xf32, #tpu.memory_space<vmem>>, vector<1x16xf32>,
        %get3A_1236 = vector.shape_cast %get3A_1235 : vector<1x16xf32> to vector<16xf32>
        %get3A_1237 = arith.index_cast %add3A_1183 : i32 to index
        %get3A_1238 = arith.constant 80 : index
        %get3A_1239 = tpu.vector_load %arg9[%get3A_1237, %get3A_1238] {strides = array<i32>} : memref<200x128xf32, #tpu.memory_space<vmem>>, vector<1x16xf32>,
        %get3A_1240 = vector.shape_cast %get3A_1239 : vector<1x16xf32> to vector<16xf32>
        %mul3A_1241 = arith.mulf %get3A_1236, %sub3A_1216 : vector<16xf32>
        %mul3A_1242 = arith.mulf %get3A_1240, %convert_element_type3A_1213 : vector<16xf32>
        %add3A_1243 = arith.addf %mul3A_1241, %mul3A_1242 : vector<16xf32>
        %swap3A_1244 = arith.index_cast %scan3A_1048 : i32 to index
        %swap3A_1245 = arith.constant 80 : index
        %swap3A_1246 = tpu.vector_load %arg10[%swap3A_1244, %swap3A_1245] {strides = array<i32>} : memref<112x128xf32, #tpu.memory_space<vmem>>, vector<1x16xf32>,
        %swap3A_1247 = vector.shape_cast %swap3A_1246 : vector<1x16xf32> to vector<16xf32>
        %swap3A_1248 = vector.shape_cast %add3A_1243 : vector<16xf32> to vector<1x16xf32>
        tpu.vector_store %arg10[%swap3A_1244, %swap3A_1245], %swap3A_1248 {strides = array<i32>} : memref<112x128xf32, #tpu.memory_space<vmem>>, vector<1x16xf32>,
        %get3A_1249 = arith.index_cast %add3A_1183 : i32 to index
        %get3A_1250 = arith.constant 32 : index
        %get3A_1251 = tpu.vector_load %arg9[%get3A_1249, %get3A_1250] {strides = array<i32>} : memref<200x128xf32, #tpu.memory_space<vmem>>, vector<1x16xf32>,
        %get3A_1252 = vector.shape_cast %get3A_1251 : vector<1x16xf32> to vector<16xf32>
        %get3A_1253 = arith.index_cast %add3A_1183 : i32 to index
        %get3A_1254 = arith.constant 96 : index
        %get3A_1255 = tpu.vector_load %arg9[%get3A_1253, %get3A_1254] {strides = array<i32>} : memref<200x128xf32, #tpu.memory_space<vmem>>, vector<1x16xf32>,
        %get3A_1256 = vector.shape_cast %get3A_1255 : vector<1x16xf32> to vector<16xf32>
        %mul3A_1257 = arith.mulf %get3A_1252, %sub3A_1216 : vector<16xf32>
        %mul3A_1258 = arith.mulf %get3A_1256, %convert_element_type3A_1213 : vector<16xf32>
        %add3A_1259 = arith.addf %mul3A_1257, %mul3A_1258 : vector<16xf32>
        %swap3A_1260 = arith.index_cast %scan3A_1048 : i32 to index
        %swap3A_1261 = arith.constant 96 : index
        %swap3A_1262 = tpu.vector_load %arg10[%swap3A_1260, %swap3A_1261] {strides = array<i32>} : memref<112x128xf32, #tpu.memory_space<vmem>>, vector<1x16xf32>,
        %swap3A_1263 = vector.shape_cast %swap3A_1262 : vector<1x16xf32> to vector<16xf32>
        %swap3A_1264 = vector.shape_cast %add3A_1259 : vector<16xf32> to vector<1x16xf32>
        tpu.vector_store %arg10[%swap3A_1260, %swap3A_1261], %swap3A_1264 {strides = array<i32>} : memref<112x128xf32, #tpu.memory_space<vmem>>, vector<1x16xf32>,
        %get3A_1265 = arith.index_cast %add3A_1183 : i32 to index
        %get3A_1266 = arith.constant 48 : index
        %get3A_1267 = tpu.vector_load %arg9[%get3A_1265, %get3A_1266] {strides = array<i32>} : memref<200x128xf32, #tpu.memory_space<vmem>>, vector<1x16xf32>,
        %get3A_1268 = vector.shape_cast %get3A_1267 : vector<1x16xf32> to vector<16xf32>
        %get3A_1269 = arith.index_cast %add3A_1183 : i32 to index
        %get3A_1270 = arith.constant 112 : index
        %get3A_1271 = tpu.vector_load %arg9[%get3A_1269, %get3A_1270] {strides = array<i32>} : memref<200x128xf32, #tpu.memory_space<vmem>>, vector<1x16xf32>,
        %get3A_1272 = vector.shape_cast %get3A_1271 : vector<1x16xf32> to vector<16xf32>
        %mul3A_1273 = arith.mulf %get3A_1268, %sub3A_1216 : vector<16xf32>
        %mul3A_1274 = arith.mulf %get3A_1272, %convert_element_type3A_1213 : vector<16xf32>
        %add3A_1275 = arith.addf %mul3A_1273, %mul3A_1274 : vector<16xf32>
        %swap3A_1276 = arith.index_cast %scan3A_1048 : i32 to index
        %swap3A_1277 = arith.constant 112 : index
        %swap3A_1278 = tpu.vector_load %arg10[%swap3A_1276, %swap3A_1277] {strides = array<i32>} : memref<112x128xf32, #tpu.memory_space<vmem>>, vector<1x16xf32>,
        %swap3A_1279 = vector.shape_cast %swap3A_1278 : vector<1x16xf32> to vector<16xf32>
        %swap3A_1280 = vector.shape_cast %add3A_1275 : vector<16xf32> to vector<1x16xf32>
        tpu.vector_store %arg10[%swap3A_1276, %swap3A_1277], %swap3A_1280 {strides = array<i32>} : memref<112x128xf32, #tpu.memory_space<vmem>>, vector<1x16xf32>,
      }
      %scan3A_736 = arith.constant 100 : i32
      %mul3A_737 = arith.constant 32 : i32
      %mul3A_738 = arith.muli %add3A, %mul3A_737 : i32
      %add3A_739 = arith.addi %mul3A_738, %add3A_730 : i32
      %add3A_740 = arith.constant 0 : i32
      %add3A_741 = vector.broadcast %add3A_740 : i32 to vector<16xi32>
      %add3A_742 = arith.addi %add3A_741, %iota3A : vector<16xi32>
      %mul3A_743 = arith.constant 1024 : i32
      %mul3A_744 = vector.broadcast %mul3A_743 : i32 to vector<16xi32>
      %mul3A_745 = arith.muli %mul3A_744, %add3A_742 : vector<16xi32>
      %add3A_746 = vector.broadcast %add3A_739 : i32 to vector<16xi32>
      %add3A_747 = arith.addi %add3A_746, %mul3A_745 : vector<16xi32>
      %swap3A_748 = arith.constant 0 : index
      %swap3A_749 = tpu.vector_load %arg11[%swap3A_748] {strides = array<i32>} : memref<112xi32, #tpu.memory_space<vmem>>, vector<16xi32>,
      %swap3A_750 = vector.shape_cast %swap3A_749 : vector<16xi32> to vector<16xi32>
      %swap3A_751 = vector.shape_cast %add3A_747 : vector<16xi32> to vector<16xi32>
      tpu.vector_store %arg11[%swap3A_748], %swap3A_751 {strides = array<i32>} : memref<112xi32, #tpu.memory_space<vmem>>, vector<16xi32>,
      %add3A_752 = arith.constant 16 : i32
      %add3A_753 = vector.broadcast %add3A_752 : i32 to vector<16xi32>
      %add3A_754 = arith.addi %add3A_753, %iota3A : vector<16xi32>
      %mul3A_755 = arith.constant 1024 : i32
      %mul3A_756 = vector.broadcast %mul3A_755 : i32 to vector<16xi32>
      %mul3A_757 = arith.muli %mul3A_756, %add3A_754 : vector<16xi32>
      %add3A_758 = vector.broadcast %add3A_739 : i32 to vector<16xi32>
      %add3A_759 = arith.addi %add3A_758, %mul3A_757 : vector<16xi32>
      %swap3A_760 = arith.constant 16 : index
      %swap3A_761 = tpu.vector_load %arg11[%swap3A_760] {strides = array<i32>} : memref<112xi32, #tpu.memory_space<vmem>>, vector<16xi32>,
      %swap3A_762 = vector.shape_cast %swap3A_761 : vector<16xi32> to vector<16xi32>
      %swap3A_763 = vector.shape_cast %add3A_759 : vector<16xi32> to vector<16xi32>
      tpu.vector_store %arg11[%swap3A_760], %swap3A_763 {strides = array<i32>} : memref<112xi32, #tpu.memory_space<vmem>>, vector<16xi32>,
      %add3A_764 = arith.constant 32 : i32
      %add3A_765 = vector.broadcast %add3A_764 : i32 to vector<16xi32>
      %add3A_766 = arith.addi %add3A_765, %iota3A : vector<16xi32>
      %mul3A_767 = arith.constant 1024 : i32
      %mul3A_768 = vector.broadcast %mul3A_767 : i32 to vector<16xi32>
      %mul3A_769 = arith.muli %mul3A_768, %add3A_766 : vector<16xi32>
      %add3A_770 = vector.broadcast %add3A_739 : i32 to vector<16xi32>
      %add3A_771 = arith.addi %add3A_770, %mul3A_769 : vector<16xi32>
      %swap3A_772 = arith.constant 32 : index
      %swap3A_773 = tpu.vector_load %arg11[%swap3A_772] {strides = array<i32>} : memref<112xi32, #tpu.memory_space<vmem>>, vector<16xi32>,
      %swap3A_774 = vector.shape_cast %swap3A_773 : vector<16xi32> to vector<16xi32>
      %swap3A_775 = vector.shape_cast %add3A_771 : vector<16xi32> to vector<16xi32>
      tpu.vector_store %arg11[%swap3A_772], %swap3A_775 {strides = array<i32>} : memref<112xi32, #tpu.memory_space<vmem>>, vector<16xi32>,
      %add3A_776 = arith.constant 48 : i32
      %add3A_777 = vector.broadcast %add3A_776 : i32 to vector<16xi32>
      %add3A_778 = arith.addi %add3A_777, %iota3A : vector<16xi32>
      %mul3A_779 = arith.constant 1024 : i32
      %mul3A_780 = vector.broadcast %mul3A_779 : i32 to vector<16xi32>
      %mul3A_781 = arith.muli %mul3A_780, %add3A_778 : vector<16xi32>
      %add3A_782 = vector.broadcast %add3A_739 : i32 to vector<16xi32>
      %add3A_783 = arith.addi %add3A_782, %mul3A_781 : vector<16xi32>
      %swap3A_784 = arith.constant 48 : index
      %swap3A_785 = tpu.vector_load %arg11[%swap3A_784] {strides = array<i32>} : memref<112xi32, #tpu.memory_space<vmem>>, vector<16xi32>,
      %swap3A_786 = vector.shape_cast %swap3A_785 : vector<16xi32> to vector<16xi32>
      %swap3A_787 = vector.shape_cast %add3A_783 : vector<16xi32> to vector<16xi32>
      tpu.vector_store %arg11[%swap3A_784], %swap3A_787 {strides = array<i32>} : memref<112xi32, #tpu.memory_space<vmem>>, vector<16xi32>,
      %add3A_788 = arith.constant 64 : i32
      %add3A_789 = vector.broadcast %add3A_788 : i32 to vector<16xi32>
      %add3A_790 = arith.addi %add3A_789, %iota3A : vector<16xi32>
      %mul3A_791 = arith.constant 1024 : i32
      %mul3A_792 = vector.broadcast %mul3A_791 : i32 to vector<16xi32>
      %mul3A_793 = arith.muli %mul3A_792, %add3A_790 : vector<16xi32>
      %add3A_794 = vector.broadcast %add3A_739 : i32 to vector<16xi32>
      %add3A_795 = arith.addi %add3A_794, %mul3A_793 : vector<16xi32>
      %swap3A_796 = arith.constant 64 : index
      %swap3A_797 = tpu.vector_load %arg11[%swap3A_796] {strides = array<i32>} : memref<112xi32, #tpu.memory_space<vmem>>, vector<16xi32>,
      %swap3A_798 = vector.shape_cast %swap3A_797 : vector<16xi32> to vector<16xi32>
      %swap3A_799 = vector.shape_cast %add3A_795 : vector<16xi32> to vector<16xi32>
      tpu.vector_store %arg11[%swap3A_796], %swap3A_799 {strides = array<i32>} : memref<112xi32, #tpu.memory_space<vmem>>, vector<16xi32>,
      %add3A_800 = arith.constant 80 : i32
      %add3A_801 = vector.broadcast %add3A_800 : i32 to vector<16xi32>
      %add3A_802 = arith.addi %add3A_801, %iota3A : vector<16xi32>
      %mul3A_803 = arith.constant 1024 : i32
      %mul3A_804 = vector.broadcast %mul3A_803 : i32 to vector<16xi32>
      %mul3A_805 = arith.muli %mul3A_804, %add3A_802 : vector<16xi32>
      %add3A_806 = vector.broadcast %add3A_739 : i32 to vector<16xi32>
      %add3A_807 = arith.addi %add3A_806, %mul3A_805 : vector<16xi32>
      %swap3A_808 = arith.constant 80 : index
      %swap3A_809 = tpu.vector_load %arg11[%swap3A_808] {strides = array<i32>} : memref<112xi32, #tpu.memory_space<vmem>>, vector<16xi32>,
      %swap3A_810 = vector.shape_cast %swap3A_809 : vector<16xi32> to vector<16xi32>
      %swap3A_811 = vector.shape_cast %add3A_807 : vector<16xi32> to vector<16xi32>
      tpu.vector_store %arg11[%swap3A_808], %swap3A_811 {strides = array<i32>} : memref<112xi32, #tpu.memory_space<vmem>>, vector<16xi32>,
      %add3A_812 = arith.constant 96 : i32
      %add3A_813 = vector.broadcast %add3A_812 : i32 to vector<16xi32>
      %add3A_814 = arith.addi %add3A_813, %iota3A : vector<16xi32>
      %mul3A_815 = arith.constant 1024 : i32
      %mul3A_816 = vector.broadcast %mul3A_815 : i32 to vector<16xi32>
      %mul3A_817 = arith.muli %mul3A_816, %add3A_814 : vector<16xi32>
      %add3A_818 = vector.broadcast %add3A_739 : i32 to vector<16xi32>
      %add3A_819 = arith.addi %add3A_818, %mul3A_817 : vector<16xi32>
      %swap3A_820 = arith.constant 96 : index
      %swap3A_821 = tpu.vector_load %arg11[%swap3A_820] {strides = array<i32>} : memref<112xi32, #tpu.memory_space<vmem>>, vector<16xi32>,
      %swap3A_822 = vector.shape_cast %swap3A_821 : vector<16xi32> to vector<16xi32>
      %swap3A_823 = vector.shape_cast %add3A_819 : vector<16xi32> to vector<16xi32>
      tpu.vector_store %arg11[%swap3A_820], %swap3A_823 {strides = array<i32>} : memref<112xi32, #tpu.memory_space<vmem>>, vector<16xi32>,
      "tpu.region"() ({
        %run_scoped3A = tpu.sem_alloc : memref<!tpu.dma_semaphore, #tpu.memory_space<semaphore_mem>>
        %dma_start3A_824 = arith.constant 0 : i32
        %dma_start3A_825 = arith.constant 0 : i32
        %dma_start3A_826 = tpu.memref_slice %arg4[%dma_start3A_824, %dma_start3A_825] : memref<114688x128xf32, #tpu.memory_space<hbm>> -> memref<114688x128xf32, #tpu.memory_space<hbm>>
        tpu.enqueue_indirect_dma source(%arg10 : memref<112x128xf32, #tpu.memory_space<vmem>>) target(%dma_start3A_826 : memref<114688x128xf32, #tpu.memory_space<hbm>>) offsets(%arg11 : memref<112xi32, #tpu.memory_space<vmem>>) semaphore(%run_scoped3A : memref<!tpu.dma_semaphore, #tpu.memory_space<semaphore_mem>>)
        %dma_wait3A_827 = arith.constant 0 : i32
        %dma_wait3A_828 = arith.constant 0 : i32
        %dma_wait3A_829 = tpu.memref_slice %arg4[%dma_wait3A_827, %dma_wait3A_828] : memref<114688x128xf32, #tpu.memory_space<hbm>> -> memref<114688x128xf32, #tpu.memory_space<hbm>>
        tpu.wait_indirect_dma semaphore(%run_scoped3A : memref<!tpu.dma_semaphore, #tpu.memory_space<semaphore_mem>>) src(%arg10 : memref<112x128xf32, #tpu.memory_space<vmem>>) dst(%dma_wait3A_829 : memref<114688x128xf32, #tpu.memory_space<hbm>>)
        tpu.yield
      }) : () -> ()
    }
    %scan3A_304 = arith.constant 16 : i32
    return
  }
}

module attributes {stable_mosaic.version = 14 : i64} {
  func.func @_pairs_body(%arg0: i32, %arg1: memref<64x2048xf32, #tpu.memory_space<vmem>>, %arg2: memref<64x2048xf32, #tpu.memory_space<vmem>>, %arg3: memref<2048x128xf32, #tpu.memory_space<vmem>>) attributes {dimension_semantics = [#tpu.dimension_semantics<arbitrary>], iteration_bounds = array<i64: 244>, scalar_prefetch = 0 : i64, scratch_operands = 0 : i64, tpu.core_type = #tpu.core_type<tc>, window_params = [{transform_indices = @transform_0, window_bounds = array<i64: 64, 2048>}, {transform_indices = @transform_1, window_bounds = array<i64: 64, 2048>}, {transform_indices = @transform_2, window_bounds = array<i64: 2048, 128>}]} {
    %get3A = arith.constant 0 : index
    %get3A_0 = arith.constant 0 : index
    %get3A_1 = vector.load %arg1[%get3A, %get3A_0] : memref<64x2048xf32, #tpu.memory_space<vmem>>, vector<64x2048xf32>
    %transpose3A = tpu.transpose %get3A_1, [1, 0] : vector<64x2048xf32> -> vector<2048x64xf32>
    %get3A_2 = arith.constant 0 : index
    %get3A_3 = arith.constant 0 : index
    %get3A_4 = vector.load %arg2[%get3A_2, %get3A_3] : memref<64x2048xf32, #tpu.memory_space<vmem>>, vector<64x2048xf32>
    %transpose3A_5 = tpu.transpose %get3A_4, [1, 0] : vector<64x2048xf32> -> vector<2048x64xf32>
    %concatenate3A = tpu.concatenate %transpose3A, %transpose3A_5 in 1 : vector<2048x64xf32>, vector<2048x64xf32> -> vector<2048x128xf32>
    %swap3A = arith.constant 0 : index
    %swap3A_6 = arith.constant 0 : index
    %swap3A_7 = vector.load %arg3[%swap3A, %swap3A_6] : memref<2048x128xf32, #tpu.memory_space<vmem>>, vector<2048x128xf32>
    tpu.vector_store %arg3[%swap3A, %swap3A_6], %concatenate3A {strides = array<i32>} : memref<2048x128xf32, #tpu.memory_space<vmem>>, vector<2048x128xf32>,
    return
  }
  func.func @transform_0(%arg0: i32) -> (i32, i32) {
    %c0_i32 = arith.constant 0 : i32
    %c0_i32_0 = arith.constant 0 : i32
    return %c0_i32, %arg0 : i32, i32
  }
  func.func @transform_1(%arg0: i32) -> (i32, i32) {
    %add3A = arith.constant 244 : i32
    %add3A_0 = arith.addi %arg0, %add3A : i32
    %c0_i32 = arith.constant 0 : i32
    %c0_i32_1 = arith.constant 0 : i32
    return %c0_i32, %add3A_0 : i32, i32
  }
  func.func @transform_2(%arg0: i32) -> (i32, i32) {
    %c0_i32 = arith.constant 0 : i32
    %c0_i32_0 = arith.constant 0 : i32
    return %arg0, %c0_i32 : i32, i32
  }
}

module attributes {stable_mosaic.version = 14 : i64} {
  func.func @_tc_body(%arg0: i32, %arg1: memref<2x64x1024xf32, #tpu.memory_space<vmem>>, %arg2: memref<1x1024x128xf32, #tpu.memory_space<vmem>>, %arg3: memref<64x64xf32, #tpu.memory_space<vmem>>, %arg4: memref<64x1xf32, #tpu.memory_space<vmem>>, %arg5: memref<4x64x1xf32, #tpu.memory_space<vmem>>, %arg6: memref<4x64x1024xf32, #tpu.memory_space<vmem>>) attributes {dimension_semantics = [#tpu.dimension_semantics<arbitrary>], iteration_bounds = array<i64: 100>, scalar_prefetch = 0 : i64, scratch_operands = 0 : i64, tpu.core_type = #tpu.core_type<tc>, window_params = [{transform_indices = @transform_0, window_bounds = array<i64: 2, 64, 1024>}, {transform_indices = @transform_1, window_bounds = array<i64: 1, 1024, 128>}, {pipeline_mode = #tpu.pipeline_mode<synchronous>, transform_indices = @transform_2, window_bounds = array<i64: 64, 64>}, {pipeline_mode = #tpu.pipeline_mode<synchronous>, transform_indices = @transform_3, window_bounds = array<i64: 64, 1>}, {transform_indices = @transform_4, window_bounds = array<i64: 4, 64, 1>}, {transform_indices = @transform_5, window_bounds = array<i64: 4, 64, 1024>}]} {
    %iota3A = tpu.iota {dimensions = array<i32: 0>} : vector<64x64xi32>
    %iota3A_0 = tpu.iota {dimensions = array<i32: 1>} : vector<64x64xi32>
    %eq3A = arith.cmpi eq, %iota3A, %iota3A_0 : vector<64x64xi32>
    %convert_element_type3A = arith.extui %eq3A : vector<64x64xi1> to vector<64x64xi32>
    %convert_element_type3A_1 = arith.sitofp %convert_element_type3A : vector<64x64xi32> to vector<64x64xf32>
    %get3A = arith.constant 0 : index
    %get3A_2 = arith.constant 0 : index
    %get3A_3 = vector.load %arg3[%get3A, %get3A_2] : memref<64x64xf32, #tpu.memory_space<vmem>>, vector<64x64xf32>
    %get3A_4 = arith.constant 0 : index
    %get3A_5 = arith.constant 0 : index
    %get3A_6 = vector.load %arg4[%get3A_4, %get3A_5] : memref<64x1xf32, #tpu.memory_space<vmem>>, vector<64x1xf32>
    %get3A_7 = arith.constant 0 : index
    %get3A_8 = arith.constant 0 : index
    %get3A_9 = arith.constant 0 : index
    %get3A_10 = vector.load %arg1[%get3A_7, %get3A_8, %get3A_9] : memref<2x64x1024xf32, #tpu.memory_space<vmem>>, vector<2x64x1024xf32>
    %get3A_11 = arith.constant 0 : index
    %get3A_12 = arith.constant 0 : index
    %get3A_13 = arith.constant 0 : index
    %get3A_14 = vector.load %arg2[%get3A_11, %get3A_12, %get3A_13] : memref<1x1024x128xf32, #tpu.memory_space<vmem>>, vector<1x1024x128xf32>
    %squeeze3A = vector.shape_cast %get3A_14 : vector<1x1024x128xf32> to vector<1024x128xf32>
    %slice3A = vector.extract_strided_slice %get3A_10 {offsets = [0, 0, 0], sizes = [1, 64, 1024], strides = [1, 1, 1]} : vector<2x64x1024xf32> to vector<1x64x1024xf32>
    %squeeze3A_15 = vector.shape_cast %slice3A : vector<1x64x1024xf32> to vector<64x1024xf32>
    %dot_general3A = arith.constant dense<0.000000e+00> : vector<64x1024xf32>
    %dot_general3A_16 = tpu.matmul %get3A_3, %squeeze3A_15, %dot_general3A {dimension_numbers = #tpu.dot_dimension_numbers<[1], [0], [0], [1], [0, 0, 1, 1], [], []>, transpose_lhs_hint = false} : vector<64x64xf32>, vector<64x1024xf32>, vector<64x1024xf32> -> vector<64x1024xf32>
    %add3A = vector.broadcast %get3A_6 : vector<64x1xf32> to vector<64x1024xf32>
    %add3A_17 = arith.addf %dot_general3A_16, %add3A : vector<64x1024xf32>
    %get3A_18 = arith.constant 0 : index
    %get3A_19 = arith.constant 0 : index
    %get3A_20 = arith.constant 0 : index
    %get3A_21 = vector.load %arg5[%get3A_18, %get3A_19, %get3A_20] : memref<4x64x1xf32, #tpu.memory_space<vmem>>, vector<1x64x1xf32>
    %get3A_22 = vector.shape_cast %get3A_21 : vector<1x64x1xf32> to vector<64x1xf32>
    %add3A_23 = vector.broadcast %get3A_22 : vector<64x1xf32> to vector<64x1024xf32>
    %add3A_24 = arith.addf %add3A_17, %add3A_23 : vector<64x1024xf32>
    %swap3A = arith.constant 0 : index
    %swap3A_25 = arith.constant 0 : index
    %swap3A_26 = arith.constant 0 : index
    %swap3A_27 = vector.load %arg6[%swap3A, %swap3A_25, %swap3A_26] : memref<4x64x1024xf32, #tpu.memory_space<vmem>>, vector<1x64x1024xf32>
    %swap3A_28 = vector.shape_cast %swap3A_27 : vector<1x64x1024xf32> to vector<64x1024xf32>
    %swap3A_29 = vector.shape_cast %add3A_24 : vector<64x1024xf32> to vector<1x64x1024xf32>
    tpu.vector_store %arg6[%swap3A, %swap3A_25, %swap3A_26], %swap3A_29 {strides = array<i32>} : memref<4x64x1024xf32, #tpu.memory_space<vmem>>, vector<1x64x1024xf32>,
    %slice3A_30 = vector.extract_strided_slice %squeeze3A {offsets = [0, 0], sizes = [1024, 64], strides = [1, 1]} : vector<1024x128xf32> to vector<1024x64xf32>
    %dot_general3A_31 = arith.constant dense<0.000000e+00> : vector<64x1024xf32>
    %dot_general3A_32 = tpu.matmul %convert_element_type3A_1, %slice3A_30, %dot_general3A_31 {dimension_numbers = #tpu.dot_dimension_numbers<[1], [1], [0], [0], [0, 0, 1, 0], [], []>, transpose_lhs_hint = false} : vector<64x64xf32>, vector<1024x64xf32>, vector<64x1024xf32> -> vector<64x1024xf32>
    %get3A_33 = arith.constant 1 : index
    %get3A_34 = arith.constant 0 : index
    %get3A_35 = arith.constant 0 : index
    %get3A_36 = vector.load %arg5[%get3A_33, %get3A_34, %get3A_35] : memref<4x64x1xf32, #tpu.memory_space<vmem>>, vector<1x64x1xf32>
    %get3A_37 = vector.shape_cast %get3A_36 : vector<1x64x1xf32> to vector<64x1xf32>
    %add3A_38 = vector.broadcast %get3A_37 : vector<64x1xf32> to vector<64x1024xf32>
    %add3A_39 = arith.addf %dot_general3A_32, %add3A_38 : vector<64x1024xf32>
    %swap3A_40 = arith.constant 1 : index
    %swap3A_41 = arith.constant 0 : index
    %swap3A_42 = arith.constant 0 : index
    %swap3A_43 = vector.load %arg6[%swap3A_40, %swap3A_41, %swap3A_42] : memref<4x64x1024xf32, #tpu.memory_space<vmem>>, vector<1x64x1024xf32>
    %swap3A_44 = vector.shape_cast %swap3A_43 : vector<1x64x1024xf32> to vector<64x1024xf32>
    %swap3A_45 = vector.shape_cast %add3A_39 : vector<64x1024xf32> to vector<1x64x1024xf32>
    tpu.vector_store %arg6[%swap3A_40, %swap3A_41, %swap3A_42], %swap3A_45 {strides = array<i32>} : memref<4x64x1024xf32, #tpu.memory_space<vmem>>, vector<1x64x1024xf32>,
    %slice3A_46 = vector.extract_strided_slice %get3A_10 {offsets = [1, 0, 0], sizes = [1, 64, 1024], strides = [1, 1, 1]} : vector<2x64x1024xf32> to vector<1x64x1024xf32>
    %squeeze3A_47 = vector.shape_cast %slice3A_46 : vector<1x64x1024xf32> to vector<64x1024xf32>
    %dot_general3A_48 = arith.constant dense<0.000000e+00> : vector<64x1024xf32>
    %dot_general3A_49 = tpu.matmul %get3A_3, %squeeze3A_47, %dot_general3A_48 {dimension_numbers = #tpu.dot_dimension_numbers<[1], [0], [0], [1], [0, 0, 1, 1], [], []>, transpose_lhs_hint = false} : vector<64x64xf32>, vector<64x1024xf32>, vector<64x1024xf32> -> vector<64x1024xf32>
    %add3A_50 = vector.broadcast %get3A_6 : vector<64x1xf32> to vector<64x1024xf32>
    %add3A_51 = arith.addf %dot_general3A_49, %add3A_50 : vector<64x1024xf32>
    %get3A_52 = arith.constant 2 : index
    %get3A_53 = arith.constant 0 : index
    %get3A_54 = arith.constant 0 : index
    %get3A_55 = vector.load %arg5[%get3A_52, %get3A_53, %get3A_54] : memref<4x64x1xf32, #tpu.memory_space<vmem>>, vector<1x64x1xf32>
    %get3A_56 = vector.shape_cast %get3A_55 : vector<1x64x1xf32> to vector<64x1xf32>
    %add3A_57 = vector.broadcast %get3A_56 : vector<64x1xf32> to vector<64x1024xf32>
    %add3A_58 = arith.addf %add3A_51, %add3A_57 : vector<64x1024xf32>
    %swap3A_59 = arith.constant 2 : index
    %swap3A_60 = arith.constant 0 : index
    %swap3A_61 = arith.constant 0 : index
    %swap3A_62 = vector.load %arg6[%swap3A_59, %swap3A_60, %swap3A_61] : memref<4x64x1024xf32, #tpu.memory_space<vmem>>, vector<1x64x1024xf32>
    %swap3A_63 = vector.shape_cast %swap3A_62 : vector<1x64x1024xf32> to vector<64x1024xf32>
    %swap3A_64 = vector.shape_cast %add3A_58 : vector<64x1024xf32> to vector<1x64x1024xf32>
    tpu.vector_store %arg6[%swap3A_59, %swap3A_60, %swap3A_61], %swap3A_64 {strides = array<i32>} : memref<4x64x1024xf32, #tpu.memory_space<vmem>>, vector<1x64x1024xf32>,
    %slice3A_65 = vector.extract_strided_slice %squeeze3A {offsets = [0, 64], sizes = [1024, 64], strides = [1, 1]} : vector<1024x128xf32> to vector<1024x64xf32>
    %dot_general3A_66 = arith.constant dense<0.000000e+00> : vector<64x1024xf32>
    %dot_general3A_67 = tpu.matmul %convert_element_type3A_1, %slice3A_65, %dot_general3A_66 {dimension_numbers = #tpu.dot_dimension_numbers<[1], [1], [0], [0], [0, 0, 1, 0], [], []>, transpose_lhs_hint = false} : vector<64x64xf32>, vector<1024x64xf32>, vector<64x1024xf32> -> vector<64x1024xf32>
    %get3A_68 = arith.constant 3 : index
    %get3A_69 = arith.constant 0 : index
    %get3A_70 = arith.constant 0 : index
    %get3A_71 = vector.load %arg5[%get3A_68, %get3A_69, %get3A_70] : memref<4x64x1xf32, #tpu.memory_space<vmem>>, vector<1x64x1xf32>
    %get3A_72 = vector.shape_cast %get3A_71 : vector<1x64x1xf32> to vector<64x1xf32>
    %add3A_73 = vector.broadcast %get3A_72 : vector<64x1xf32> to vector<64x1024xf32>
    %add3A_74 = arith.addf %dot_general3A_67, %add3A_73 : vector<64x1024xf32>
    %swap3A_75 = arith.constant 3 : index
    %swap3A_76 = arith.constant 0 : index
    %swap3A_77 = arith.constant 0 : index
    %swap3A_78 = vector.load %arg6[%swap3A_75, %swap3A_76, %swap3A_77] : memref<4x64x1024xf32, #tpu.memory_space<vmem>>, vector<1x64x1024xf32>
    %swap3A_79 = vector.shape_cast %swap3A_78 : vector<1x64x1024xf32> to vector<64x1024xf32>
    %swap3A_80 = vector.shape_cast %add3A_74 : vector<64x1024xf32> to vector<1x64x1024xf32>
    tpu.vector_store %arg6[%swap3A_75, %swap3A_76, %swap3A_77], %swap3A_80 {strides = array<i32>} : memref<4x64x1024xf32, #tpu.memory_space<vmem>>, vector<1x64x1024xf32>,
    return
  }
  func.func @transform_0(%arg0: i32) -> (i32, i32, i32) {
    %c0_i32 = arith.constant 0 : i32
    %c0_i32_0 = arith.constant 0 : i32
    %c0_i32_1 = arith.constant 0 : i32
    return %arg0, %c0_i32, %c0_i32_0 : i32, i32, i32
  }
  func.func @transform_1(%arg0: i32) -> (i32, i32, i32) {
    %c0_i32 = arith.constant 0 : i32
    %c0_i32_0 = arith.constant 0 : i32
    %c0_i32_1 = arith.constant 0 : i32
    return %arg0, %c0_i32, %c0_i32_0 : i32, i32, i32
  }
  func.func @transform_2(%arg0: i32) -> (i32, i32) {
    %c0_i32 = arith.constant 0 : i32
    %c0_i32_0 = arith.constant 0 : i32
    %c0_i32_1 = arith.constant 0 : i32
    return %c0_i32, %c0_i32_0 : i32, i32
  }
  func.func @transform_3(%arg0: i32) -> (i32, i32) {
    %c0_i32 = arith.constant 0 : i32
    %c0_i32_0 = arith.constant 0 : i32
    %c0_i32_1 = arith.constant 0 : i32
    return %c0_i32, %c0_i32_0 : i32, i32
  }
  func.func @transform_4(%arg0: i32) -> (i32, i32, i32) {
    %c0_i32 = arith.constant 0 : i32
    %c0_i32_0 = arith.constant 0 : i32
    %c0_i32_1 = arith.constant 0 : i32
    return %arg0, %c0_i32, %c0_i32_0 : i32, i32, i32
  }
  func.func @transform_5(%arg0: i32) -> (i32, i32, i32) {
    %c0_i32 = arith.constant 0 : i32
    %c0_i32_0 = arith.constant 0 : i32
    %c0_i32_1 = arith.constant 0 : i32
    return %arg0, %c0_i32, %c0_i32_0 : i32, i32, i32
  }
}

</mosaic_0001>

<sc_bundles>
// kernel: kernel.5.cloned.1.call-start
scs
__scs_entry_jumppad:
0x0: {  	(pc) =	sbr.rel $0x88, $3  }
0x1: {  	(tag) =	ssettag $0x0;
	lr =	simm.s32 $0x1  }
0x2: {  	[smem:$0x3F9C] =	sst lr;
	_ =	strace $0xD0000000  }
0x3: {  	_ = 	snop  }
0x4: {  	_ = 	snop  }
0x5: {  	_ = 	snop  }
0x6: {  	_ = 	snop  }
0x7: {  	_ = 	snop  }
__scs_overlays_trampoline_lowered:
0x8: {  	[smem:$0x3FAB] =	sst s0  }
0x9: {  	[smem:$0x3FAC] =	sst s1  }
0xa: {  	[smem:$0x3FAD] =	sst s2  }
0xb: {  	[smem:$0x3FAE] =	sst s3  }
0xc: {  	[smem:$0x3FAF] =	sst s4  }
0xd: {  	[smem:$0x3FB0] =	sst s5  }
0xe: {  	[smem:$0x3FB1] =	sst s6  }
0xf: {  	[smem:$0x3FB2] =	sst s7  }
0x10: {  	[smem:$0x3FB3] =	sst s8  }
0x11: {  	[smem:$0x3FB4] =	sst s9;
	s0 =	simm.s32 @!p0 $0x0  }
0x12: {  	s1 =	sld [smem:$0x3F9A];
	s0 =	simm.s32 @p0 $0x1  }
0x13: {  	[smem:$0x3FB5] =	sst s0;
	s0 =	simm.s32 @!p1 $0x0  }
0x14: {  	s2 =	sld [smem:$0x3F99];
	s0 =	simm.s32 @p1 $0x1  }
0x15: {  	[smem:$0x3FB6] =	sst s0;
	s0 =	simm.s32 @!p2 $0x0  }
0x16: {  	s3 =	sld [smem:$0x3FDB];
	s0 =	simm.s32 @p2 $0x1  }
0x17: {  	s4 =	simm.s32 $0x1BF5;
	[smem:$0x3FB8] =	sst s0  }
0x18: {  	s0 =	sld [smem:$0x3F9B];
	_ =	swait.ge [sflag:s4], $0x0  }
0x19: {  	s7 =	sld [smem:$0x3F9C]  }
0x1a: {  	s8 =	sadd.s32 $0xFFFFE003, lr  }
0x1b: {  	s9 =	sadd.s32 $0xFFFFFEF7, lr;
	s5 =	simm.s32 $0xFFFFFFFF;
	p2 =	slt.u32 s8, $0xFFFFF086  }
0x1c: {  	p1 =	slt.u32 s9, $0xF7A;
	s5 =	simm.s32 @!p2 $0x0  }
0x1d: {  	s5 =	simm.s32 @p1 $0x1;
	p0 =	seq.s32 s7, s2  }
0x1e: {  	s7 =	smul.u32 @!p0 $0xF7A, s2;
	p2 =	seq.s32 @!p0 s5, $0x0  }
0x1f: {  	s9 =	smul.u32 $0xF7A, s1;
	s8 =	simm.s32 @!p0 $0x1BF5;
	p2 =	por !p2, p0  }
0x20: {  	[sflag:s8] =	ssyncset.s32 @!p0 $0xFFFFF086;
	s6 =	sadd.s32 @!p0 s3, s7;
	s7 =	simm.s32 @!p0 $0x108  }
0x21: {  	s3 =	sadd.s32 s3, s9;
	s6 =	sadd.s32 @!p0 $0x88, s6;
	s7 =	simm.s32 @p2 $0x1082  }
0x22: {  	[simem:s7], [sflag:s8] =	dma.local @!p0 [hbm:s6], $0xF7A  }
0x23: {  	s9 =	sor.u32 $0xD0000000, s2;
	s6 =	simm.s32 $0x108;
	_ =	swait.ge @!p0 [sflag:s8], $0x0  }
0x24: {  	s3 =	sadd.s32 $0x88, s3;
	s6 =	simm.s32 @!p1 $0x1082;
	[sflag:s4] =	ssyncset.s32 $0xFFFFF086  }
0x25: {  	[simem:s6], [sflag:s4] =	dma.local [hbm:s3], $0xF7A  }
0x26: {  	[smem:$0x3F9C] =	sst s1;
	(tag) =	ssettag s2;
	_ =	strace s9  }
0x27: {  	s1 =	sld [smem:$0x3FAC]  }
0x28: {  	s2 =	sld [smem:$0x3FAD]  }
0x29: {  	s4 =	sld [smem:$0x3FAF]  }
0x2a: {  	p0 =	seq.s32 s5, $0x0;
	s5 =	sld [smem:$0x3FB0]  }
0x2b: {  	s6 =	sld [smem:$0x3FB1]  }
0x2c: {  	s7 =	sld [smem:$0x3FB2]  }
0x2d: {  	s3 =	simm.s32 $0x108;
	s8 =	sld [smem:$0x3FB3]  }
0x2e: {  	s3 =	simm.s32 @!p0 $0x1082;
	s9 =	sld [smem:$0x3FB4]  }
0x2f: {  	lr =	sadd.s32 s0, s3;
	s0 =	sld [smem:$0x3FAB]  }
0x30: {  	s3 =	sld [smem:$0x3FAE]  }
0x31: {  	[smem:$0x3FB7] =	sst s10  }
0x32: {  	s10 =	sld [smem:$0x3FB5];
	_ =	sdelay $0x3  }
0x33: {  	p0 =	seq.s32 s10, $0x1;
	s10 =	sld [smem:$0x3FB7];
	_ =	sdelay $0x3  }
0x34: {  	[smem:$0x3FB7] =	sst s10  }
0x35: {  	s10 =	sld [smem:$0x3FB6];
	_ =	sdelay $0x3  }
0x36: {  	p1 =	seq.s32 s10, $0x1;
	s10 =	sld [smem:$0x3FB7];
	_ =	sdelay $0x3  }
0x37: {  	[smem:$0x3FB7] =	sst s10  }
0x38: {  	s10 =	sld [smem:$0x3FB8]  }
0x39: {  	_ = 	snop;
	(pc) =	sbr.ind lr, $3  }
0x3a: {  	_ = 	snop  }
0x3b: {  	_ = 	snop  }
0x3c: {  	p2 =	seq.s32 s10, $0x1;
	s10 =	sld [smem:$0x3FB7]  }
0x3d: {  	_ =	shalt  }
0x3e: {  	_ =	shalt  }
0x3f: {  	_ =	shalt  }
0x40: {  	_ =	shalt  }
0x41: {  	_ =	shalt  }
0x42: {  	_ =	shalt  }
0x43: {  	_ =	shalt  }
0x44: {  	_ =	shalt  }
0x45: {  	_ =	shalt  }
0x46: {  	_ =	shalt  }
0x47: {  	_ =	shalt  }
0x48: {  	_ =	shalt  }
0x49: {  	_ =	shalt  }
0x4a: {  	_ =	shalt  }
0x4b: {  	_ =	shalt  }
0x4c: {  	_ =	shalt  }
0x4d: {  	_ =	shalt  }
0x4e: {  	_ =	shalt  }
0x4f: {  	_ =	shalt  }
0x50: {  	_ =	shalt  }
0x51: {  	_ =	shalt  }
0x52: {  	_ =	shalt  }
0x53: {  	_ =	shalt  }
0x54: {  	_ =	shalt  }
0x55: {  	_ =	shalt  }
0x56: {  	_ =	shalt  }
0x57: {  	_ =	shalt  }
0x58: {  	_ =	shalt  }
0x59: {  	_ =	shalt  }
0x5a: {  	_ =	shalt  }
0x5b: {  	_ =	shalt  }
0x5c: {  	_ =	shalt  }
0x5d: {  	_ =	shalt  }
0x5e: {  	_ =	shalt  }
0x5f: {  	_ =	shalt  }
0x60: {  	_ =	shalt  }
0x61: {  	_ =	shalt  }
0x62: {  	_ =	shalt  }
0x63: {  	_ =	shalt  }
0x64: {  	_ =	shalt  }
0x65: {  	_ =	shalt  }
0x66: {  	_ =	shalt  }
0x67: {  	_ =	shalt  }
0x68: {  	_ =	shalt  }
0x69: {  	_ =	shalt  }
0x6a: {  	_ =	shalt  }
0x6b: {  	_ =	shalt  }
0x6c: {  	_ =	shalt  }
0x6d: {  	_ =	shalt  }
0x6e: {  	_ =	shalt  }
0x6f: {  	_ =	shalt  }
0x70: {  	_ =	shalt  }
0x71: {  	_ =	shalt  }
0x72: {  	_ =	shalt  }
0x73: {  	_ =	shalt  }
0x74: {  	_ =	shalt  }
0x75: {  	_ =	shalt  }
0x76: {  	_ =	shalt  }
0x77: {  	_ =	shalt  }
0x78: {  	_ =	shalt  }
0x79: {  	_ =	shalt  }
0x7a: {  	_ =	shalt  }
0x7b: {  	_ =	shalt  }
0x7c: {  	_ =	shalt  }
0x7d: {  	_ =	shalt  }
0x7e: {  	_ =	shalt  }
0x7f: {  	_ =	shalt  }
0x80: {  	_ =	shalt  }
0x81: {  	_ =	shalt  }
0x82: {  	_ =	shalt  }
0x83: {  	_ =	shalt  }
0x84: {  	_ =	shalt  }
0x85: {  	_ =	shalt  }
0x86: {  	_ =	shalt  }
0x87: {  	_ =	shalt  }
.Lfunc_end0:
.L_simem_size_0:
called_computation_lowered:
.L_overlay_start_0:
0x88: {  	s2 =	sld [smem:$0x3FD9]  }
0x89: {  	s3 =	sld [smem:$0x3FFE];
	_ =	sdelay $0x1  }
0x8a: {  	s1 =	srdreg.scid  }
0x8b: {  	s0 =	sand.u32 $0x1, s1  }
0x8c: {  	s17 =	sshll.u32 s0, $0xA;
	s2 =	sadd.s32 s3, s2  }
0x8d: {  	s2 =	sadd.s32 s2, s17  }
0x8e: {  	[smem:$0x3FC3] =	sst s2  }
0x8f: {  	_ = 	snop  }
0x90: {  	s2 =	sld [smem:$0x3FD0];
	(tm) =	ssettm $0x1  }
0x91: {  	s18 =	sld [smem:$0x3FFB];
	_ =	sdelay $0x3  }
0x92: {  	_ =	strace s18  }
0x93: {  	s3 =	sld [smem:$0x3FFC];
	_ =	sdelay $0x3  }
0x94: {  	_ =	strace s3  }
0x95: {  	s3 =	sld [smem:$0x3FFD];
	_ =	sdelay $0x3  }
0x96: {  	_ =	strace s3  }
0x97: {  	_ =	strace $0x8FFFFFFF  }
0x98: {  	s19 =	sld [smem:$0x3FDB];
	_ =	sdelay $0x1  }
0x99: {  	s4 =	simm.s32 $_scs_section_size  }
0x9a: {  	s5 =	simm.s32 $_size__tile_overlayer_lowered;
	s6 =	simm.s32 $_tile_overlayer_lowered  }
0x9b: {  	s22 =	simm.s32 $0x1BFF;
	s21 =	sshll.u32 s6, $0x1;
	s3 =	sadd.s32 s4, s19  }
0x9c: {  	s7 =	simm.s32 $0x0;
	s20 =	sshll.u32 s5, $0x1;
	s5 =	sadd.s32 s21, s3  }
0x9d: {  	[timem:s7], [sflag:s22] =	dma.local [hbm:s5], s20  }
0x9e: {  	_ =	swait.ge [sflag:s22], s20  }
0x9f: {  	s4 =	ssub.s32 $0x0, s20;
	[sflag:s22] =	ssyncset.done $0x0  }
0xa0: {  	[sflag:s22] =	ssyncadd.s32 s4;
	_ =	sdelay $0x1  }
0xa1: {  	s23 =	simm.s32 $0x1B8B  }
0xa2: {  	_ =	swait.ge [sflag:s23], $0x1  }
0xa3: {  	[sflag:s23] =	ssyncset.done $0x0  }
0xa4: {  	s25 =	simm.s32 $0x1B8E;
	s24 =	sld [smem:$0x3FFE];
	[sflag:s23] =	ssyncadd.s32 $0xFFFFFFFF  }
0xa5: {  	s26 =	simm.s32 $execute0_lowered;
	[smem:$0x3FD2] =	sst s25  }
0xa6: {  	s5 =	sshll.u32 s26, $0x1;
	_ =	strace $0x80000046;
	[dreg:$0x1] =	wrdreg $0xFFFFFFFF  }
0xa7: {  	s28 =	simm.s32 $_size_execute0_lowered;
	s3 =	sadd.s32 s3, s5;
	[dreg:$0x0] =	wrdreg $0x0  }
0xa8: {  	s5 =	sshll.u32 s28, $0x1;
	[dreg:$0x2] =	wrdreg s3  }
0xa9: {  	[dreg:$0x3] =	wrdreg s5  }
0xaa: {  	[dreg:$0x4] =	wrdreg $0xC0  }
0xab: {  	_ =	task [dreg:s7], $0x5FFFF  }
0xac: {  	[dreg:$0x1] =	wrdreg $0xFFFFFFFF  }
0xad: {  	[dreg:$0x0] =	wrdreg $0x60  }
0xae: {  	[dreg:$0x2] =	wrdreg s2  }
0xaf: {  	[dreg:$0x3] =	wrdreg s24  }
0xb0: {  	[dreg:$0x4] =	wrdreg $0x9  }
0xb1: {  	_ =	task.clear_ibuf [dreg:s7], $0x5FFFF;
	_ =	strace $0x90000046  }
0xb2: {  	s29 =	simm.s32 $0x9;
	_ =	strace $0x80000048  }
0xb3: {  	_ =	swait.ge [sflag:s29], $0x1  }
0xb4: {  	[sflag:s29] =	ssyncadd.s32 $0xFFFFFFFF  }
0xb5: {  	_ =	strace $0x90000048  }
0xb6: {  	_ =	sfence  }
0xb7: {  	s30 =	sld [smem:$0x0];
	_ =	sdelay $0x2  }
0xb8: {  	s31 =	sshll.u32 s1, $0xD;
	s1 =	sshrl.u32 s1, $0x2  }
0xb9: {  	s3 =	sand.u32 $0x4000, s31;
	s1 =	sadd.s32 s1, s30  }
0xba: {  	s0 =	sor.u32 s3, s0;
	s1 =	sshll.u32 s1, $0x11  }
0xbb: {  	s0 =	sor.u32 s1, s0  }
0xbc: {  	s0 =	sadd.s32 $0x8F2B, s0  }
0xbd: {  	[sflag:s0] =	ssyncadd.remote.s32 $0x1  }
0xbe: {  	_ =	sfence.sel $0xFFFF  }
0xbf: {  	[dreg:$0x0] =	wrdreg $0xFFFFFFFF;
	(pc) =	sbr.abs _section_cstart, $3  }
0xc0: {  	[dreg:$0x1] =	wrdreg $0xFFFFFFFF  }
0xc1: {  	_ =	task.clear_ibuf [dreg:s7], $0x2FFFF;
	_ =	strace $0x9FFFFFFF  }
0xc2: {  	(tm) =	ssettm $0x7FFFFFFF  }
0xc3: {  	_ =	shalt  }
tec
execute0_lowered:
.L_overlay_start_1:
0x0: {  	(tag) =	ssettag $0x1  }
0x1: {  	s0 =	srdreg.scid;
	s1 =	rddreg [dreg:$0x0]  }
0x2: {  	s2 =	stileid.u32;
	s5 =	rddreg [dreg:$0x1];
	s8 =	simm.s32 $0x3  }
0x3: {  	s9 =	simm.s32 $0x80;
	s12 =	simm.s32 $0x48;
	s15 =	simm.s32 $0x1  }
0x4: {  	s18 =	simm.s32 $0x1B50;
	s19 =	simm.s32 $0xBFA0;
	s20 =	simm.s32 $0x70  }
0x5: {  	s21 =	simm.s32 $0x11BA0;
	s22 =	simm.s32 $0xE3A0;
	s23 =	simm.s32 $0x2  }
0x6: {  	s25 =	simm.s32 $0x0;
	s0 =	sand.u32 $0x1, s0;
	s3 =	sshll.u32 s2, $0x6  }
0x7: {  	v0 =	vlaneseq.u32;
	s2 =	simm.s32 $0x0;
	s4 =	sshll.u32 s0, $0x5;
	s0 =	ssub.s32 $0x2, s0  }
0x8: {  	v0 =	vmul.u32 $0x400, v0;
	[smem:$0x7FF] =	sst s2;
	s3 =	sor.u32 s4, s3;
	s7 =	sshrl.u32 s0, $0x1  }
0x9: {  	v1 =	vimm.s32 $0xFFF85EE0;
	v2 =	vimm.s32 $0x0;
	_ =	strace $0x80000047;
	s6 =	smul.u32 $0x19, s3;
	s0 =	ssub.s32 s0, s7  }
0xa: {  	s4 =	sadd.s32 $0xC00, s5;
	s5 =	sadd.s32 $0x7A1E00, s5;
	v3 =	vor.u32 $0x4000, v0;
	v4 =	vor.u32 $0x8000, v0;
	v5 =	vor.u32 $0xC000, v0;
	s0 =	smax.u32 s0, $0x1  }
0xb: {  	v6 =	vor.u32 $0x10000, v0;
	v7 =	vor.u32 $0x14000, v0;
	v8 =	vor.u32 $0x18000, v0;
	s6 =	sadd.s32 s1, s6;
	[dreg:$0x3] =	wrdreg s0;
	s1 =	simm.s32 $0x0  }
.LBB2_1:
0xc: {  	[dreg:$0x4] =	wrdreg s1;
	s0 =	simm.s32 $0x19  }
0xd: {  	s10 =	sadd.s32 $0x0, s6;
	s1 =	simm.s32 $0xD0;
	s7 =	simm.s32 $0x0  }
.LBB2_2:
0xe: {  	[tilespmem:s7], [sflag:$0x3] =	stream.linear.gather [hbm4b:s10+s2], $0xC8, $0x38;
	[tilespmem:$0x11C10] =	vst v63  }
0xf: {  	s10 =	smov.u32 s0;
	s7 =	smov.u32 s1;
	p0 =	sne.s32 s0, $0x307  }
.Ltmp0:
0x10: {  	s0 =	sadd.s32 $0x19, s0;
	(pc) =	sbr.rel @p0 .LBB2_2-.Ltmp0, $2  }
0x11: {  	_ =	sdelay $0x2  }
0x12: {  	s1 =	sadd.s32 $0xD0, s1;
	s10 =	sadd.s32 s10, s6  }
0x13: {  	[tilespmem:s7], [sflag:$0x3] =	stream.linear.gather [hbm4b:s10+s2], $0xC8, $0x38;
	[tilespmem:$0x11C10] =	vst v63  }
0x14: {  	_ =	swait.ge [sflag:s8], $0x1900  }
0x15: {  	[sflag:s8] =	ssyncset.done $0x0  }
0x16: {  	[sflag:s8] =	ssyncadd.s32 $0xFFFFE700  }
0x17: {  	v9 =	vld [tilespmem:$0x0]  }
0x18: {  	v10 =	vld [tilespmem:$0x10]  }
0x19: {  	v11 =	vld [tilespmem:$0x20]  }
0x1a: {  	v12 =	vld [tilespmem:$0x30]  }
0x1b: {  	v47 =	vld [tilespmem:$0x40]  }
0x1c: {  	v16 =	vld [tilespmem:$0x50]  }
0x1d: {  	v49 =	vld [tilespmem:$0x60]  }
0x1e: {  	v52 =	vld [tilespmem:$0x70]  }
0x1f: {  	v19 =	vld [tilespmem:$0x80]  }
0x20: {  	v55 =	vld [tilespmem:$0x90]  }
0x21: {  	v57 =	vld [tilespmem:$0xA0]  }
0x22: {  	v13 =	vadd.s32 $0xFFF85EE0, v9  }
0x23: {  	v15 =	vadd.s32 $0xFFF85EE0, v10;
	v48 =	vadd.s32 $0xFFF85EE0, v11;
	v50 =	vadd.s32 $0xFFF85EE0, v12  }
0x24: {  	v18 =	vadd.s32 $0xFFF85EE0, v47;
	v54 =	vadd.s32 $0xFFF85EE0, v16;
	v56 =	vadd.s32 $0xFFF85EE0, v49  }
0x25: {  	v58 =	vadd.s32 $0xFFF85EE0, v52;
	v60 =	vadd.s32 $0xFFF85EE0, v19;
	v62 =	vadd.s32 $0xFFF85EE0, v55  }
0x26: {  	v63 =	vadd.s32 $0xFFF85EE0, v57;
	vm0 =	vlt.s32 v13, $0x0;
	vm4 =	vlt.s32 v15, $0x0  }
0x27: {  	vm5 =	vlt.s32 v48, $0x0;
	vm6 =	vlt.s32 v50, $0x0;
	v14 =	vsel vm0, $0x0, v1  }
0x28: {  	vm7 =	vlt.s32 v18, $0x0;
	v17 =	vsel vm4, $0x0, v1;
	v9 =	vadd.s32 v9, v14  }
0x29: {  	vm8 =	vlt.s32 v54, $0x0;
	v51 =	vsel vm5, $0x0, v1;
	v10 =	vadd.s32 v10, v17;
	[tilespmem:$0x1A00] =	vst v9  }
0x2a: {  	vm9 =	vlt.s32 v56, $0x0;
	v53 =	vsel vm6, $0x0, v1;
	v11 =	vadd.s32 v11, v51;
	[tilespmem:$0x1A10] =	vst v10  }
0x2b: {  	v59 =	vld [tilespmem:$0xB0];
	vm10 =	vlt.s32 v58, $0x0;
	v12 =	vadd.s32 v12, v53;
	v9 =	vsel vm7, $0x0, v1;
	[tilespmem:$0x1A20] =	vst v11  }
0x2c: {  	v61 =	vld [tilespmem:$0xC0];
	vm11 =	vlt.s32 v60, $0x0;
	v10 =	vsel vm8, $0x0, v1;
	[tilespmem:$0x1A30] =	vst v12;
	v9 =	vadd.s32 v47, v9  }
0x2d: {  	vm12 =	vlt.s32 v62, $0x0;
	v11 =	vsel vm9, $0x0, v1;
	v10 =	vadd.s32 v16, v10;
	[tilespmem:$0x1A40] =	vst v9  }
0x2e: {  	vm13 =	vlt.s32 v63, $0x0;
	v11 =	vadd.s32 v49, v11;
	v9 =	vsel vm10, $0x0, v1;
	[tilespmem:$0x1A50] =	vst v10  }
0x2f: {  	v10 =	vsel vm11, $0x0, v1;
	[tilespmem:$0x1A60] =	vst v11;
	v11 =	vsel vm12, $0x0, v1;
	v9 =	vadd.s32 v52, v9  }
0x30: {  	v10 =	vadd.s32 v19, v10;
	[tilespmem:$0x1A70] =	vst v9;
	v9 =	vadd.s32 v55, v11;
	v11 =	vadd.s32 $0xFFF85EE0, v59  }
0x31: {  	[tilespmem:$0x1A80] =	vst v10;
	v10 =	vsel vm13, $0x0, v1;
	vm14 =	vlt.s32 v11, $0x0;
	v11 =	vadd.s32 $0xFFF85EE0, v61  }
0x32: {  	[tilespmem:$0x1A90] =	vst v9;
	v9 =	vadd.s32 v57, v10;
	v10 =	vsel vm14, $0x0, v1;
	vm15 =	vlt.s32 v11, $0x0  }
0x33: {  	[tilespmem:$0x1AA0] =	vst v9;
	v9 =	vadd.s32 v59, v10;
	v10 =	vsel vm15, $0x0, v1  }
0x34: {  	[tilespmem:$0x1AB0] =	vst v9;
	v9 =	vadd.s32 v61, v10  }
0x35: {  	s0 =	simm.s32 $0x1A00;
	s1 =	simm.s32 $0x1BA0;
	[tilespmem:$0x1AC0] =	vst v9  }
0x36: {  	[tilespmem:s1], [sflag:$0x1] =	stream.indirect.gather [hbm4b:s4+s9], $0x80, s0, s9, $0xb8;
	[tilespmem:$0x11C10] =	vst v63  }
0x37: {  	s30 =	simm.s32 $0x1A80;
	s31 =	simm.s32 $0x5BA0;
	s26 =	simm.s32 $0x0  }
0x38: {  	[tilespmem:s31], [sflag:$0x1] =	stream.indirect.gather [hbm4b:s4+s12], $0x80, s30, s12, $0xb8;
	[tilespmem:$0x11C10] =	vst v63  }
.LBB2_4:
0x39: {  	_ =	swait.ge [sflag:s15], $0x4000  }
0x3a: {  	[sflag:s15] =	ssyncset.done $0x0  }
0x3b: {  	s28 =	sshllo.u32 s26, $0x1;
	[sflag:s15] =	ssyncadd.s32 $0xFFFFC000  }
0x3c: {  	s0 =	smul.u32 $0x340, s28;
	_ =	swait.ge [sflag:s15], $0x2400  }
0x3d: {  	[sflag:s15] =	ssyncset.done $0x0  }
0x3e: {  	s29 =	sshra.s32 s0, $0x2;
	[sflag:s15] =	ssyncadd.s32 $0xFFFFDC00  }
0x3f: {  	v9 =	vld [tilespmem:s29+$0x0];
	_ =	sdelay $0x4  }
0x40: {  	v10 =	vadd.s32 $0xFFF85EE0, v9  }
0x41: {  	vm0 =	vlt.s32 v10, $0x0  }
0x42: {  	v10 =	vsel vm0, $0x0, v1  }
0x43: {  	v9 =	vadd.s32 v9, v10  }
0x44: {  	[tilespmem:$0x1AD0] =	vst v9  }
0x45: {  	v9 =	vld [tilespmem:s29+$0x10];
	_ =	sdelay $0x4  }
0x46: {  	v10 =	vadd.s32 $0xFFF85EE0, v9  }
0x47: {  	vm12 =	vlt.s32 v10, $0x0  }
0x48: {  	v10 =	vsel vm12, $0x0, v1  }
0x49: {  	v9 =	vadd.s32 v9, v10  }
0x4a: {  	[tilespmem:$0x1AE0] =	vst v9  }
0x4b: {  	v9 =	vld [tilespmem:s29+$0x20];
	_ =	sdelay $0x4  }
0x4c: {  	v10 =	vadd.s32 $0xFFF85EE0, v9  }
0x4d: {  	vm13 =	vlt.s32 v10, $0x0  }
0x4e: {  	v10 =	vsel vm13, $0x0, v1  }
0x4f: {  	v9 =	vadd.s32 v9, v10  }
0x50: {  	[tilespmem:$0x1AF0] =	vst v9  }
0x51: {  	v9 =	vld [tilespmem:s29+$0x30];
	_ =	sdelay $0x4  }
0x52: {  	v10 =	vadd.s32 $0xFFF85EE0, v9  }
0x53: {  	vm14 =	vlt.s32 v10, $0x0  }
0x54: {  	v10 =	vsel vm14, $0x0, v1  }
0x55: {  	v9 =	vadd.s32 v9, v10  }
0x56: {  	[tilespmem:$0x1B00] =	vst v9  }
0x57: {  	v9 =	vld [tilespmem:s29+$0x40];
	_ =	sdelay $0x4  }
0x58: {  	v10 =	vadd.s32 $0xFFF85EE0, v9  }
0x59: {  	vm15 =	vlt.s32 v10, $0x0  }
0x5a: {  	v10 =	vsel vm15, $0x0, v1  }
0x5b: {  	v9 =	vadd.s32 v9, v10  }
0x5c: {  	[tilespmem:$0x1B10] =	vst v9  }
0x5d: {  	v9 =	vld [tilespmem:s29+$0x50];
	_ =	sdelay $0x4  }
0x5e: {  	v10 =	vadd.s32 $0xFFF85EE0, v9  }
0x5f: {  	vm4 =	vlt.s32 v10, $0x0  }
0x60: {  	v10 =	vsel vm4, $0x0, v1  }
0x61: {  	v9 =	vadd.s32 v9, v10  }
0x62: {  	[tilespmem:$0x1B20] =	vst v9  }
0x63: {  	v9 =	vld [tilespmem:s29+$0x60];
	_ =	sdelay $0x4  }
0x64: {  	v10 =	vadd.s32 $0xFFF85EE0, v9  }
0x65: {  	vm5 =	vlt.s32 v10, $0x0  }
0x66: {  	v10 =	vsel vm5, $0x0, v1  }
0x67: {  	v9 =	vadd.s32 v9, v10  }
0x68: {  	[tilespmem:$0x1B30] =	vst v9  }
0x69: {  	v9 =	vld [tilespmem:s29+$0x70];
	_ =	sdelay $0x4  }
0x6a: {  	v10 =	vadd.s32 $0xFFF85EE0, v9  }
0x6b: {  	vm6 =	vlt.s32 v10, $0x0  }
0x6c: {  	v10 =	vsel vm6, $0x0, v1  }
0x6d: {  	v9 =	vadd.s32 v9, v10  }
0x6e: {  	[tilespmem:$0x1B40] =	vst v9  }
0x6f: {  	v9 =	vld [tilespmem:s29+$0x80];
	_ =	sdelay $0x4  }
0x70: {  	v10 =	vadd.s32 $0xFFF85EE0, v9  }
0x71: {  	vm7 =	vlt.s32 v10, $0x0  }
0x72: {  	v10 =	vsel vm7, $0x0, v1  }
0x73: {  	v9 =	vadd.s32 v9, v10  }
0x74: {  	[tilespmem:$0x1B50] =	vst v9  }
0x75: {  	v9 =	vld [tilespmem:s29+$0x90];
	_ =	sdelay $0x4  }
0x76: {  	v10 =	vadd.s32 $0xFFF85EE0, v9  }
0x77: {  	vm8 =	vlt.s32 v10, $0x0  }
0x78: {  	v10 =	vsel vm8, $0x0, v1  }
0x79: {  	v9 =	vadd.s32 v9, v10  }
0x7a: {  	[tilespmem:$0x1B60] =	vst v9  }
0x7b: {  	v9 =	vld [tilespmem:s29+$0xA0];
	_ =	sdelay $0x4  }
0x7c: {  	v10 =	vadd.s32 $0xFFF85EE0, v9  }
0x7d: {  	vm9 =	vlt.s32 v10, $0x0  }
0x7e: {  	v10 =	vsel vm9, $0x0, v1  }
0x7f: {  	v9 =	vadd.s32 v9, v10  }
0x80: {  	[tilespmem:$0x1B70] =	vst v9  }
0x81: {  	v9 =	vld [tilespmem:s29+$0xB0];
	_ =	sdelay $0x4  }
0x82: {  	v10 =	vadd.s32 $0xFFF85EE0, v9  }
0x83: {  	vm10 =	vlt.s32 v10, $0x0  }
0x84: {  	v10 =	vsel vm10, $0x0, v1  }
0x85: {  	v9 =	vadd.s32 v9, v10  }
0x86: {  	[tilespmem:$0x1B80] =	vst v9  }
0x87: {  	v9 =	vld [tilespmem:s29+$0xC0];
	_ =	sdelay $0x4  }
0x88: {  	v10 =	vadd.s32 $0xFFF85EE0, v9  }
0x89: {  	s11 =	smul.u32 $0x680, s26;
	vm11 =	vlt.s32 v10, $0x0  }
0x8a: {  	v10 =	vsel vm11, $0x0, v1  }
0x8b: {  	s30 =	sshra.s32 s11, $0x2;
	v9 =	vadd.s32 v9, v10  }
0x8c: {  	[tilespmem:$0x1B90] =	vst v9;
	v9 =	vmov s30  }
0x8d: {  	s13 =	simm.s32 $0x1AD0;
	s1 =	simm.s32 $0x7FA0;
	s14 =	sand.u32 $0x3C0, s25  }
0x8e: {  	[tilespmem:s1], [sflag:$0x2] =	stream.indirect.gather [hbm4b:s4+s9], $0x80, s13, s9, $0xb8;
	[tilespmem:$0x11C10] =	vst v63  }
0x8f: {  	s0 =	sshrl.u32 s14, $0x2  }
0x90: {  	[tilespmem:s19], [sflag:$0x2] =	stream.indirect.gather [hbm4b:s4+s12], $0x80, s18, s12, $0xb8;
	[tilespmem:$0x11C10] =	vst v63  }
0x91: {  	v10 =	vld.idx.msk [tilespmem:v9+s0+$0x0 ss:$0x1], $0xffff;
	_ =	sdelay $0x2  }
0x92: {  	s16 =	sand.u32 $0xC, s25  }
0x93: {  	v11 =	vmov s16  }
0x94: {  	s31 =	simm.s32 $0x1CA0;
	v11 =	vperm.xlane v10, v11  }
0x95: {  	v12 =	vld [tilespmem:s31+$0xFFFFFF40]  }
0x96: {  	v13 =	vld [tilespmem:s31+$0xFFFFFF00];
	v11 =	vadd.s32 $0xFFF85EE0, v11  }
0x97: {  	vm12 =	vgt.s32 v11, $0xFFFFFFFF  }
0x98: {  	v11 =	vsel vm12, $0x3F800000, v2  }
0x99: {  	v14 =	vsub.f32 $1.000000000e+00, v11;
	_ =	sdelay $0x1  }
0x9a: {  	v12 =	vmul.f32 v11, v12;
	v13 =	vmul.f32 v14, v13;
	_ =	sdelay $0x1  }
0x9b: {  	v12 =	vadd.f32 v13, v12  }
0x9c: {  	s1 =	simm.s32 $0xE420  }
0x9d: {  	[tilespmem:s1+$0xFFFFFF80] =	vst v12  }
0x9e: {  	v12 =	vld [tilespmem:s31+$0xFFFFFF10]  }
0x9f: {  	v13 =	vld [tilespmem:s31+$0xFFFFFF50];
	_ =	sdelay $0x4  }
0xa0: {  	v12 =	vmul.f32 v14, v12;
	v13 =	vmul.f32 v11, v13;
	_ =	sdelay $0x1  }
0xa1: {  	v12 =	vadd.f32 v13, v12;
	_ =	sdelay $0x1  }
0xa2: {  	[tilespmem:s1+$0xFFFFFF90] =	vst v12  }
0xa3: {  	v12 =	vld [tilespmem:s31+$0xFFFFFF20]  }
0xa4: {  	v13 =	vld [tilespmem:s31+$0xFFFFFF60];
	_ =	sdelay $0x4  }
0xa5: {  	v12 =	vmul.f32 v12, v14;
	v13 =	vmul.f32 v11, v13;
	_ =	sdelay $0x1  }
0xa6: {  	v12 =	vadd.f32 v13, v12;
	_ =	sdelay $0x1  }
0xa7: {  	[tilespmem:s1+$0xFFFFFFA0] =	vst v12  }
0xa8: {  	v12 =	vld [tilespmem:s31+$0xFFFFFF30]  }
0xa9: {  	v13 =	vld [tilespmem:s31+$0xFFFFFF70];
	_ =	sdelay $0x4  }
0xaa: {  	v12 =	vmul.f32 v12, v14;
	v11 =	vmul.f32 v11, v13  }
0xab: {  	s7 =	simm.s32 $0x1  }
0xac: {  	s7 =	sand.u32 $0xD, s7;
	v11 =	vadd.f32 v11, v12  }
0xad: {  	v12 =	vmov s7  }
0xae: {  	v10 =	vperm.xlane v10, v12;
	[tilespmem:s1+$0xFFFFFFB0] =	vst v11  }
0xaf: {  	v11 =	vld [tilespmem:s31+$0xFFFFFF80]  }
0xb0: {  	v10 =	vadd.s32 $0xFFF85EE0, v10;
	v12 =	vld [tilespmem:s31+$0xFFFFFFC0]  }
0xb1: {  	vm13 =	vgt.s32 v10, $0xFFFFFFFF  }
0xb2: {  	v10 =	vsel vm13, $0x3F800000, v2  }
0xb3: {  	v13 =	vsub.f32 $1.000000000e+00, v10;
	_ =	sdelay $0x1  }
0xb4: {  	v11 =	vmul.f32 v13, v11;
	v12 =	vmul.f32 v10, v12;
	_ =	sdelay $0x1  }
0xb5: {  	v11 =	vadd.f32 v11, v12;
	_ =	sdelay $0x1  }
0xb6: {  	[tilespmem:s1+$0xFFFFFFC0] =	vst v11  }
0xb7: {  	v11 =	vld [tilespmem:s31+$0xFFFFFF90]  }
0xb8: {  	v12 =	vld [tilespmem:s31+$0xFFFFFFD0];
	_ =	sdelay $0x4  }
0xb9: {  	v11 =	vmul.f32 v13, v11;
	v12 =	vmul.f32 v10, v12;
	_ =	sdelay $0x1  }
0xba: {  	v11 =	vadd.f32 v12, v11;
	_ =	sdelay $0x1  }
0xbb: {  	[tilespmem:s1+$0xFFFFFFD0] =	vst v11  }
0xbc: {  	v11 =	vld [tilespmem:s31+$0xFFFFFFA0]  }
0xbd: {  	v12 =	vld [tilespmem:s31+$0xFFFFFFE0];
	_ =	sdelay $0x4  }
0xbe: {  	v11 =	vmul.f32 v11, v13;
	v12 =	vmul.f32 v10, v12;
	_ =	sdelay $0x1  }
0xbf: {  	v11 =	vadd.f32 v12, v11;
	_ =	sdelay $0x1  }
0xc0: {  	[tilespmem:s1+$0xFFFFFFE0] =	vst v11  }
0xc1: {  	v11 =	vld [tilespmem:s31+$0xFFFFFFB0]  }
0xc2: {  	v12 =	vld [tilespmem:s31+$0xFFFFFFF0];
	_ =	sdelay $0x4  }
0xc3: {  	v11 =	vmul.f32 v11, v13;
	v10 =	vmul.f32 v10, v12;
	_ =	sdelay $0x1  }
0xc4: {  	v10 =	vadd.f32 v10, v11;
	_ =	sdelay $0x1  }
0xc5: {  	[tilespmem:s1+$0xFFFFFFF0] =	vst v10  }
0xc6: {  	v10 =	vld.idx.msk [tilespmem:v9+s0+$0x0 ss:$0x1], $0xffff;
	_ =	sdelay $0x1  }
0xc7: {  	s17 =	simm.s32 $0x2  }
0xc8: {  	s0 =	sand.u32 $0xE, s17  }
0xc9: {  	v11 =	vmov s0  }
0xca: {  	v11 =	vperm.xlane v10, v11  }
0xcb: {  	v12 =	vld [tilespmem:s31+$0x0]  }
0xcc: {  	v13 =	vld [tilespmem:s31+$0x40];
	v11 =	vadd.s32 $0xFFF85EE0, v11  }
0xcd: {  	vm14 =	vgt.s32 v11, $0xFFFFFFFF  }
0xce: {  	v11 =	vsel vm14, $0x3F800000, v2  }
0xcf: {  	v14 =	vsub.f32 $1.000000000e+00, v11;
	_ =	sdelay $0x1  }
0xd0: {  	v13 =	vmul.f32 v11, v13;
	v12 =	vmul.f32 v14, v12;
	_ =	sdelay $0x1  }
0xd1: {  	v12 =	vadd.f32 v12, v13;
	_ =	sdelay $0x1  }
0xd2: {  	[tilespmem:s1+$0x0] =	vst v12  }
0xd3: {  	v12 =	vld [tilespmem:s31+$0x10]  }
0xd4: {  	v13 =	vld [tilespmem:s31+$0x50];
	_ =	sdelay $0x4  }
0xd5: {  	v12 =	vmul.f32 v14, v12;
	v13 =	vmul.f32 v11, v13;
	_ =	sdelay $0x1  }
0xd6: {  	v12 =	vadd.f32 v13, v12;
	_ =	sdelay $0x1  }
0xd7: {  	[tilespmem:s1+$0x10] =	vst v12  }
0xd8: {  	v12 =	vld [tilespmem:s31+$0x20]  }
0xd9: {  	v13 =	vld [tilespmem:s31+$0x60];
	_ =	sdelay $0x4  }
0xda: {  	v12 =	vmul.f32 v12, v14;
	v13 =	vmul.f32 v11, v13;
	_ =	sdelay $0x1  }
0xdb: {  	v12 =	vadd.f32 v13, v12;
	_ =	sdelay $0x1  }
0xdc: {  	[tilespmem:s1+$0x20] =	vst v12  }
0xdd: {  	v12 =	vld [tilespmem:s31+$0x30]  }
0xde: {  	v13 =	vld [tilespmem:s31+$0x70];
	_ =	sdelay $0x4  }
0xdf: {  	v12 =	vmul.f32 v12, v14;
	v11 =	vmul.f32 v11, v13;
	_ =	sdelay $0x1  }
0xe0: {  	s24 =	simm.s32 $0x3;
	v11 =	vadd.f32 v11, v12  }
0xe1: {  	v12 =	vmov s24  }
0xe2: {  	v10 =	vperm.xlane v10, v12;
	[tilespmem:s1+$0x30] =	vst v11  }
0xe3: {  	v12 =	vld [tilespmem:s31+$0x80]  }
0xe4: {  	v10 =	vadd.s32 $0xFFF85EE0, v10;
	v13 =	vld [tilespmem:s31+$0xC0]  }
0xe5: {  	vm15 =	vgt.s32 v10, $0xFFFFFFFF  }
0xe6: {  	v10 =	vsel vm15, $0x3F800000, v2  }
0xe7: {  	v11 =	vsub.f32 $1.000000000e+00, v10;
	_ =	sdelay $0x1  }
0xe8: {  	v12 =	vmul.f32 v11, v12;
	v13 =	vmul.f32 v10, v13;
	_ =	sdelay $0x1  }
0xe9: {  	v12 =	vadd.f32 v12, v13;
	_ =	sdelay $0x1  }
0xea: {  	[tilespmem:s1+$0x40] =	vst v12  }
0xeb: {  	v12 =	vld [tilespmem:s31+$0x90]  }
0xec: {  	v13 =	vld [tilespmem:s31+$0xD0];
	_ =	sdelay $0x4  }
0xed: {  	v12 =	vmul.f32 v11, v12;
	v13 =	vmul.f32 v10, v13;
	_ =	sdelay $0x1  }
0xee: {  	v12 =	vadd.f32 v13, v12;
	_ =	sdelay $0x1  }
0xef: {  	[tilespmem:s1+$0x50] =	vst v12  }
0xf0: {  	v12 =	vld [tilespmem:s31+$0xA0]  }
0xf1: {  	v13 =	vld [tilespmem:s31+$0xE0];
	_ =	sdelay $0x3  }
0xf2: {  	s10 =	simm.s32 $0xE520;
	s11 =	simm.s32 $0x0;
	s13 =	simm.s32 $0x0  }
0xf3: {  	s7 =	simm.s32 $0x0;
	s0 =	sshll.u32 s26, $0x1;
	s24 =	simm.s32 $0x1EA0;
	v12 =	vmul.f32 v12, v11;
	v13 =	vmul.f32 v10, v13  }
.LBB2_5:
0xf4: {  	s7 =	sadd.s32 $0x2, s7;
	s11 =	sadd.s32 $0x10, s11;
	s13 =	sadd.s32 $0x4, s13  }
0xf5: {  	p0 =	slt.u32 s7, $0x62;
	v12 =	vadd.f32 v13, v12;
	_ =	sdelay $0x1  }
0xf6: {  	[tilespmem:s1+$0x60] =	vst v12  }
0xf7: {  	v12 =	vld [tilespmem:s31+$0xB0]  }
0xf8: {  	v13 =	vld [tilespmem:s31+$0xF0];
	s31 =	smov.u32 s24;
	_ =	sdelay $0x3  }
0xf9: {  	v11 =	vmul.f32 v12, v11  }
0xfa: {  	v10 =	vmul.f32 v10, v13;
	_ =	sdelay $0x1  }
0xfb: {  	v10 =	vadd.f32 v10, v11  }
0xfc: {  	s14 =	sand.u32 $0x3C0, s11  }
0xfd: {  	s14 =	sshrl.u32 s14, $0x2;
	[tilespmem:s1+$0x70] =	vst v10;
	s1 =	smov.u32 s10  }
0xfe: {  	v10 =	vld.idx.msk [tilespmem:v9+s14+$0x0 ss:$0x1], $0xffff;
	_ =	sdelay $0x2  }
0xff: {  	s16 =	sadd.s32 $0x1, s13  }
0x100: {  	s17 =	sand.u32 $0xC, s13;
	s16 =	sand.u32 $0xD, s16  }
0x101: {  	v12 =	vmov s16;
	v11 =	vmov s17  }
0x102: {  	v11 =	vperm.xlane v10, v11;
	v10 =	vperm.xlane v10, v12  }
0x103: {  	v12 =	vld [tilespmem:s24+$0xFFFFFF40]  }
0x104: {  	v11 =	vadd.s32 $0xFFF85EE0, v11;
	v10 =	vadd.s32 $0xFFF85EE0, v10;
	v13 =	vld [tilespmem:s24+$0xFFFFFF00]  }
0x105: {  	vm1 =	vgt.s32 v11, $0xFFFFFFFF;
	vm0 =	vgt.s32 v10, $0xFFFFFFFF  }
0x106: {  	v10 =	vsel vm1, $0x3F800000, v2  }
0x107: {  	v11 =	vsub.f32 $1.000000000e+00, v10;
	_ =	sdelay $0x1  }
0x108: {  	v12 =	vmul.f32 v10, v12;
	v13 =	vmul.f32 v11, v13;
	_ =	sdelay $0x1  }
0x109: {  	v12 =	vadd.f32 v13, v12;
	_ =	sdelay $0x1  }
0x10a: {  	[tilespmem:s10+$0xFFFFFF80] =	vst v12  }
0x10b: {  	v12 =	vld [tilespmem:s24+$0xFFFFFF10]  }
0x10c: {  	v13 =	vld [tilespmem:s24+$0xFFFFFF50];
	_ =	sdelay $0x3  }
0x10d: {  	v12 =	vmul.f32 v11, v12  }
0x10e: {  	v13 =	vmul.f32 v10, v13;
	_ =	sdelay $0x1  }
0x10f: {  	v12 =	vadd.f32 v13, v12;
	_ =	sdelay $0x1  }
0x110: {  	[tilespmem:s10+$0xFFFFFF90] =	vst v12  }
0x111: {  	v12 =	vld [tilespmem:s24+$0xFFFFFF20]  }
0x112: {  	v13 =	vld [tilespmem:s24+$0xFFFFFF60];
	_ =	sdelay $0x3  }
0x113: {  	v12 =	vmul.f32 v12, v11  }
0x114: {  	v13 =	vmul.f32 v10, v13;
	_ =	sdelay $0x1  }
0x115: {  	v12 =	vadd.f32 v13, v12;
	_ =	sdelay $0x1  }
0x116: {  	[tilespmem:s10+$0xFFFFFFA0] =	vst v12  }
0x117: {  	v12 =	vld [tilespmem:s24+$0xFFFFFF30]  }
0x118: {  	v13 =	vld [tilespmem:s24+$0xFFFFFF70];
	_ =	sdelay $0x3  }
0x119: {  	v11 =	vmul.f32 v12, v11  }
0x11a: {  	v10 =	vmul.f32 v10, v13;
	_ =	sdelay $0x1  }
0x11b: {  	v10 =	vadd.f32 v10, v11;
	_ =	sdelay $0x1  }
0x11c: {  	[tilespmem:s10+$0xFFFFFFB0] =	vst v10;
	v10 =	vsel vm0, $0x3F800000, v2  }
0x11d: {  	v11 =	vsub.f32 $1.000000000e+00, v10;
	v12 =	vld [tilespmem:s24+$0xFFFFFF80]  }
0x11e: {  	v13 =	vld [tilespmem:s24+$0xFFFFFFC0];
	_ =	sdelay $0x3  }
0x11f: {  	v12 =	vmul.f32 v11, v12  }
0x120: {  	v13 =	vmul.f32 v10, v13;
	_ =	sdelay $0x1  }
0x121: {  	v12 =	vadd.f32 v12, v13;
	_ =	sdelay $0x1  }
0x122: {  	[tilespmem:s10+$0xFFFFFFC0] =	vst v12  }
0x123: {  	v12 =	vld [tilespmem:s24+$0xFFFFFF90]  }
0x124: {  	v13 =	vld [tilespmem:s24+$0xFFFFFFD0];
	_ =	sdelay $0x3  }
0x125: {  	v12 =	vmul.f32 v11, v12  }
0x126: {  	v13 =	vmul.f32 v10, v13;
	_ =	sdelay $0x1  }
0x127: {  	v12 =	vadd.f32 v13, v12;
	_ =	sdelay $0x1  }
0x128: {  	[tilespmem:s10+$0xFFFFFFD0] =	vst v12  }
0x129: {  	v12 =	vld [tilespmem:s24+$0xFFFFFFA0]  }
0x12a: {  	v13 =	vld [tilespmem:s24+$0xFFFFFFE0];
	_ =	sdelay $0x3  }
0x12b: {  	v12 =	vmul.f32 v12, v11  }
0x12c: {  	v13 =	vmul.f32 v10, v13;
	_ =	sdelay $0x1  }
0x12d: {  	v12 =	vadd.f32 v13, v12;
	_ =	sdelay $0x1  }
0x12e: {  	[tilespmem:s10+$0xFFFFFFE0] =	vst v12  }
0x12f: {  	v12 =	vld [tilespmem:s24+$0xFFFFFFB0]  }
0x130: {  	v13 =	vld [tilespmem:s24+$0xFFFFFFF0];
	_ =	sdelay $0x3  }
0x131: {  	v11 =	vmul.f32 v12, v11  }
0x132: {  	v10 =	vmul.f32 v10, v13  }
0x133: {  	s16 =	sadd.s32 $0x2, s13  }
0x134: {  	s16 =	sand.u32 $0xE, s16;
	v10 =	vadd.f32 v10, v11  }
0x135: {  	v11 =	vmov s16  }
0x136: {  	[tilespmem:s10+$0xFFFFFFF0] =	vst v10  }
0x137: {  	v10 =	vld.idx.msk [tilespmem:v9+s14+$0x0 ss:$0x1], $0xffff  }
0x138: {  	v12 =	vld [tilespmem:s24+$0x0];
	_ =	sdelay $0x2  }
0x139: {  	s14 =	sadd.s32 $0x3, s13  }
0x13a: {  	v13 =	vmov s14  }
0x13b: {  	v11 =	vperm.xlane v10, v11;
	v10 =	vperm.xlane v10, v13;
	v14 =	vld [tilespmem:s24+$0x40];
	_ =	sdelay $0x1  }
0x13c: {  	v11 =	vadd.s32 $0xFFF85EE0, v11;
	v10 =	vadd.s32 $0xFFF85EE0, v10  }
0x13d: {  	vm1 =	vgt.s32 v11, $0xFFFFFFFF;
	vm0 =	vgt.s32 v10, $0xFFFFFFFF  }
0x13e: {  	v13 =	vsel vm1, $0x3F800000, v2  }
0x13f: {  	v15 =	vsub.f32 $1.000000000e+00, v13;
	v10 =	vmul.f32 v13, v14;
	_ =	sdelay $0x1  }
0x140: {  	v11 =	vmul.f32 v15, v12;
	_ =	sdelay $0x1  }
0x141: {  	v10 =	vadd.f32 v11, v10;
	_ =	sdelay $0x1  }
0x142: {  	[tilespmem:s10+$0x0] =	vst v10  }
0x143: {  	v10 =	vld [tilespmem:s24+$0x10]  }
0x144: {  	v11 =	vld [tilespmem:s24+$0x50];
	_ =	sdelay $0x3  }
0x145: {  	v10 =	vmul.f32 v15, v10  }
0x146: {  	v11 =	vmul.f32 v13, v11;
	_ =	sdelay $0x1  }
0x147: {  	v10 =	vadd.f32 v11, v10;
	_ =	sdelay $0x1  }
0x148: {  	[tilespmem:s10+$0x10] =	vst v10  }
0x149: {  	v10 =	vld [tilespmem:s24+$0x20]  }
0x14a: {  	v11 =	vld [tilespmem:s24+$0x60];
	_ =	sdelay $0x3  }
0x14b: {  	v10 =	vmul.f32 v10, v15  }
0x14c: {  	v11 =	vmul.f32 v13, v11;
	_ =	sdelay $0x1  }
0x14d: {  	v10 =	vadd.f32 v11, v10;
	_ =	sdelay $0x1  }
0x14e: {  	[tilespmem:s10+$0x20] =	vst v10  }
0x14f: {  	v12 =	vld [tilespmem:s24+$0x30]  }
0x150: {  	v14 =	vld [tilespmem:s24+$0x70];
	_ =	sdelay $0x1  }
0x151: {  	v10 =	vsel vm0, $0x3F800000, v2  }
0x152: {  	v11 =	vsub.f32 $1.000000000e+00, v10  }
0x153: {  	v12 =	vmul.f32 v12, v15  }
0x154: {  	v13 =	vmul.f32 v13, v14;
	_ =	sdelay $0x1  }
0x155: {  	v12 =	vadd.f32 v13, v12;
	_ =	sdelay $0x1  }
0x156: {  	[tilespmem:s10+$0x30] =	vst v12  }
0x157: {  	v12 =	vld [tilespmem:s24+$0x80]  }
0x158: {  	v13 =	vld [tilespmem:s24+$0xC0];
	_ =	sdelay $0x3  }
0x159: {  	v12 =	vmul.f32 v11, v12  }
0x15a: {  	v13 =	vmul.f32 v10, v13;
	_ =	sdelay $0x1  }
0x15b: {  	v12 =	vadd.f32 v12, v13;
	_ =	sdelay $0x1  }
0x15c: {  	[tilespmem:s10+$0x40] =	vst v12  }
0x15d: {  	v12 =	vld [tilespmem:s24+$0x90]  }
0x15e: {  	v13 =	vld [tilespmem:s24+$0xD0];
	_ =	sdelay $0x3  }
0x15f: {  	v12 =	vmul.f32 v11, v12  }
0x160: {  	v13 =	vmul.f32 v10, v13;
	_ =	sdelay $0x1  }
0x161: {  	v12 =	vadd.f32 v13, v12;
	_ =	sdelay $0x1  }
0x162: {  	[tilespmem:s10+$0x50] =	vst v12  }
0x163: {  	v12 =	vld [tilespmem:s24+$0xA0]  }
0x164: {  	v13 =	vld [tilespmem:s24+$0xE0]  }
.Ltmp1:
0x165: {  	(pc) =	sbr.rel @p0 .LBB2_5-.Ltmp1, $3  }
0x166: {  	_ =	sdelay $0x1  }
0x167: {  	v12 =	vmul.f32 v12, v11  }
0x168: {  	s10 =	sadd.s32 $0x100, s10;
	s24 =	sadd.s32 $0x200, s24;
	v13 =	vmul.f32 v10, v13  }
0x169: {  	_ = 	snop  }
0x16a: {  	v9 =	vadd.f32 v13, v12;
	_ =	sdelay $0x1  }
0x16b: {  	[tilespmem:s1+$0x60] =	vst v9  }
0x16c: {  	v9 =	vld [tilespmem:s31+$0xB0]  }
0x16d: {  	v63 =	vld [tilespmem:s31+$0xF0];
	_ =	sdelay $0x4  }
0x16e: {  	v9 =	vmul.f32 v9, v11;
	v10 =	vmul.f32 v10, v63;
	_ =	sdelay $0x1  }
0x16f: {  	v9 =	vadd.f32 v10, v9  }
0x170: {  	s0 =	sor.u32 s3, s0  }
0x171: {  	[tilespmem:s1+$0x70] =	vst v9;
	v9 =	vor.u32 s0, v0  }
0x172: {  	[tilespmem:$0x11BA0] =	vst v9;
	v9 =	vor.u32 s0, v3  }
0x173: {  	[tilespmem:$0x11BB0] =	vst v9;
	v9 =	vor.u32 s0, v4  }
0x174: {  	[tilespmem:$0x11BC0] =	vst v9;
	v9 =	vor.u32 s0, v5  }
0x175: {  	[tilespmem:$0x11BD0] =	vst v9;
	v9 =	vor.u32 s0, v6  }
0x176: {  	[tilespmem:$0x11BE0] =	vst v9;
	v9 =	vor.u32 s0, v7  }
0x177: {  	[tilespmem:$0x11BF0] =	vst v9;
	v9 =	vor.u32 s0, v8  }
0x178: {  	[tilespmem:$0x11C00] =	vst v9  }
0x179: {  	[hbm4b:s5+s20] =	stream.indirect.scatter [tilespmem:s22], [sflag:$0x3], $0x80, s21, s20, $0xb8;
	[tilespmem:$0x11C10] =	vst v63  }
0x17a: {  	_ =	swait.ge [sflag:s8], $0x3800  }
0x17b: {  	[sflag:s8] =	ssyncset.done $0x0  }
0x17c: {  	[sflag:s8] =	ssyncadd.s32 $0xFFFFC800  }
0x17d: {  	p0 =	seq.s32 s26, $0xF;
	_ =	swait.ge [sflag:s23], $0x4000  }
.Ltmp2:
0x17e: {  	[sflag:s23] =	ssyncset.done $0x0;
	(pc) =	sbr.rel @p0 .LBB2_8-.Ltmp2, $4  }
0x17f: {  	[sflag:s23] =	ssyncadd.s32 $0xFFFFC000  }
0x180: {  	_ =	swait.ge [sflag:s23], $0x2400  }
0x181: {  	[sflag:s23] =	ssyncset.done $0x0  }
0x182: {  	[sflag:s23] =	ssyncadd.s32 $0xFFFFDC00  }
0x183: {  	v9 =	vld [tilespmem:s30+$0x1A0];
	_ =	sdelay $0x4  }
0x184: {  	v10 =	vadd.s32 $0xFFF85EE0, v9  }
0x185: {  	vm0 =	vlt.s32 v10, $0x0  }
0x186: {  	v10 =	vsel vm0, $0x0, v1  }
0x187: {  	v9 =	vadd.s32 v9, v10  }
0x188: {  	[tilespmem:$0x1A00] =	vst v9  }
0x189: {  	v9 =	vld [tilespmem:s30+$0x1B0];
	_ =	sdelay $0x4  }
0x18a: {  	v10 =	vadd.s32 $0xFFF85EE0, v9  }
0x18b: {  	vm4 =	vlt.s32 v10, $0x0  }
0x18c: {  	v10 =	vsel vm4, $0x0, v1  }
0x18d: {  	v9 =	vadd.s32 v9, v10  }
0x18e: {  	[tilespmem:$0x1A10] =	vst v9  }
0x18f: {  	v9 =	vld [tilespmem:s30+$0x1C0];
	_ =	sdelay $0x4  }
0x190: {  	v10 =	vadd.s32 $0xFFF85EE0, v9  }
0x191: {  	vm5 =	vlt.s32 v10, $0x0  }
0x192: {  	v10 =	vsel vm5, $0x0, v1  }
0x193: {  	v9 =	vadd.s32 v9, v10  }
0x194: {  	[tilespmem:$0x1A20] =	vst v9  }
0x195: {  	v9 =	vld [tilespmem:s30+$0x1D0];
	_ =	sdelay $0x4  }
0x196: {  	v10 =	vadd.s32 $0xFFF85EE0, v9  }
0x197: {  	vm6 =	vlt.s32 v10, $0x0  }
0x198: {  	v10 =	vsel vm6, $0x0, v1  }
0x199: {  	v9 =	vadd.s32 v9, v10  }
0x19a: {  	[tilespmem:$0x1A30] =	vst v9  }
0x19b: {  	v9 =	vld [tilespmem:s30+$0x1E0];
	_ =	sdelay $0x4  }
0x19c: {  	v10 =	vadd.s32 $0xFFF85EE0, v9  }
0x19d: {  	vm7 =	vlt.s32 v10, $0x0  }
0x19e: {  	v10 =	vsel vm7, $0x0, v1  }
0x19f: {  	v9 =	vadd.s32 v9, v10  }
0x1a0: {  	[tilespmem:$0x1A40] =	vst v9  }
0x1a1: {  	v9 =	vld [tilespmem:s30+$0x1F0];
	_ =	sdelay $0x4  }
0x1a2: {  	v10 =	vadd.s32 $0xFFF85EE0, v9  }
0x1a3: {  	vm8 =	vlt.s32 v10, $0x0  }
0x1a4: {  	v10 =	vsel vm8, $0x0, v1  }
0x1a5: {  	v9 =	vadd.s32 v9, v10  }
0x1a6: {  	[tilespmem:$0x1A50] =	vst v9  }
0x1a7: {  	v9 =	vld [tilespmem:s30+$0x200];
	_ =	sdelay $0x4  }
0x1a8: {  	v10 =	vadd.s32 $0xFFF85EE0, v9  }
0x1a9: {  	vm9 =	vlt.s32 v10, $0x0  }
0x1aa: {  	v10 =	vsel vm9, $0x0, v1  }
0x1ab: {  	v9 =	vadd.s32 v9, v10  }
0x1ac: {  	[tilespmem:$0x1A60] =	vst v9  }
0x1ad: {  	v9 =	vld [tilespmem:s30+$0x210];
	_ =	sdelay $0x4  }
0x1ae: {  	v10 =	vadd.s32 $0xFFF85EE0, v9  }
0x1af: {  	vm10 =	vlt.s32 v10, $0x0  }
0x1b0: {  	v10 =	vsel vm10, $0x0, v1  }
0x1b1: {  	v9 =	vadd.s32 v9, v10  }
0x1b2: {  	[tilespmem:$0x1A70] =	vst v9  }
0x1b3: {  	v9 =	vld [tilespmem:s30+$0x220];
	_ =	sdelay $0x4  }
0x1b4: {  	v10 =	vadd.s32 $0xFFF85EE0, v9  }
0x1b5: {  	vm11 =	vlt.s32 v10, $0x0  }
0x1b6: {  	v10 =	vsel vm11, $0x0, v1  }
0x1b7: {  	v9 =	vadd.s32 v9, v10  }
0x1b8: {  	[tilespmem:$0x1A80] =	vst v9  }
0x1b9: {  	v9 =	vld [tilespmem:s30+$0x230];
	_ =	sdelay $0x4  }
0x1ba: {  	v10 =	vadd.s32 $0xFFF85EE0, v9  }
0x1bb: {  	vm12 =	vlt.s32 v10, $0x0  }
0x1bc: {  	v10 =	vsel vm12, $0x0, v1  }
0x1bd: {  	v9 =	vadd.s32 v9, v10  }
0x1be: {  	[tilespmem:$0x1A90] =	vst v9  }
0x1bf: {  	v9 =	vld [tilespmem:s30+$0x240];
	_ =	sdelay $0x4  }
0x1c0: {  	v10 =	vadd.s32 $0xFFF85EE0, v9  }
0x1c1: {  	vm13 =	vlt.s32 v10, $0x0  }
0x1c2: {  	v10 =	vsel vm13, $0x0, v1  }
0x1c3: {  	v9 =	vadd.s32 v9, v10  }
0x1c4: {  	[tilespmem:$0x1AA0] =	vst v9  }
0x1c5: {  	v9 =	vld [tilespmem:s30+$0x250];
	_ =	sdelay $0x4  }
0x1c6: {  	v10 =	vadd.s32 $0xFFF85EE0, v9  }
0x1c7: {  	vm14 =	vlt.s32 v10, $0x0  }
0x1c8: {  	v10 =	vsel vm14, $0x0, v1  }
0x1c9: {  	v9 =	vadd.s32 v9, v10  }
0x1ca: {  	[tilespmem:$0x1AB0] =	vst v9  }
0x1cb: {  	v9 =	vld [tilespmem:s30+$0x260];
	_ =	sdelay $0x4  }
0x1cc: {  	v10 =	vadd.s32 $0xFFF85EE0, v9  }
0x1cd: {  	vm15 =	vlt.s32 v10, $0x0  }
0x1ce: {  	v10 =	vsel vm15, $0x0, v1  }
0x1cf: {  	v9 =	vadd.s32 v9, v10  }
0x1d0: {  	s0 =	simm.s32 $0x1A00;
	s1 =	simm.s32 $0x1BA0;
	[tilespmem:$0x1AC0] =	vst v9  }
0x1d1: {  	[tilespmem:s1], [sflag:$0x1] =	stream.indirect.gather [hbm4b:s4+s9], $0x80, s0, s9, $0xb8;
	[tilespmem:$0x11C10] =	vst v63  }
0x1d2: {  	s31 =	simm.s32 $0x5BA0;
	s30 =	simm.s32 $0x1A80  }
0x1d3: {  	[tilespmem:s31], [sflag:$0x1] =	stream.indirect.gather [hbm4b:s4+s12], $0x80, s30, s12, $0xb8;
	[tilespmem:$0x11C10] =	vst v63  }
.LBB2_8:
0x1d4: {  	v9 =	vmov s29;
	_ =	sdelay $0x1  }
0x1d5: {  	s29 =	simm.s32 $0x0  }
0x1d6: {  	s0 =	sand.u32 $0x3C0, s29  }
0x1d7: {  	s0 =	sshrl.u32 s0, $0x2  }
0x1d8: {  	v10 =	vld.idx.msk [tilespmem:v9+s0+$0x0 ss:$0x1], $0xffff;
	_ =	sdelay $0x2  }
0x1d9: {  	s1 =	sand.u32 $0xC, s29  }
0x1da: {  	v11 =	vmov s1  }
0x1db: {  	s30 =	simm.s32 $0x80A0;
	v11 =	vperm.xlane v10, v11  }
0x1dc: {  	v12 =	vld [tilespmem:s30+$0xFFFFFF40]  }
0x1dd: {  	v13 =	vld [tilespmem:s30+$0xFFFFFF00];
	v11 =	vadd.s32 $0xFFF85EE0, v11  }
0x1de: {  	vm0 =	vgt.s32 v11, $0xFFFFFFFF  }
0x1df: {  	v11 =	vsel vm0, $0x3F800000, v2  }
0x1e0: {  	v14 =	vsub.f32 $1.000000000e+00, v11;
	_ =	sdelay $0x1  }
0x1e1: {  	v12 =	vmul.f32 v11, v12;
	v13 =	vmul.f32 v14, v13;
	_ =	sdelay $0x1  }
0x1e2: {  	v12 =	vadd.f32 v13, v12  }
0x1e3: {  	s1 =	simm.s32 $0xE420  }
0x1e4: {  	[tilespmem:s1+$0xFFFFFF80] =	vst v12  }
0x1e5: {  	v12 =	vld [tilespmem:s30+$0xFFFFFF10]  }
0x1e6: {  	v13 =	vld [tilespmem:s30+$0xFFFFFF50];
	_ =	sdelay $0x4  }
0x1e7: {  	v12 =	vmul.f32 v14, v12;
	v13 =	vmul.f32 v11, v13;
	_ =	sdelay $0x1  }
0x1e8: {  	v12 =	vadd.f32 v13, v12;
	_ =	sdelay $0x1  }
0x1e9: {  	[tilespmem:s1+$0xFFFFFF90] =	vst v12  }
0x1ea: {  	v12 =	vld [tilespmem:s30+$0xFFFFFF20]  }
0x1eb: {  	v13 =	vld [tilespmem:s30+$0xFFFFFF60];
	_ =	sdelay $0x4  }
0x1ec: {  	v12 =	vmul.f32 v12, v14;
	v13 =	vmul.f32 v11, v13;
	_ =	sdelay $0x1  }
0x1ed: {  	v12 =	vadd.f32 v13, v12;
	_ =	sdelay $0x1  }
0x1ee: {  	[tilespmem:s1+$0xFFFFFFA0] =	vst v12  }
0x1ef: {  	v12 =	vld [tilespmem:s30+$0xFFFFFF30]  }
0x1f0: {  	v13 =	vld [tilespmem:s30+$0xFFFFFF70];
	_ =	sdelay $0x4  }
0x1f1: {  	v12 =	vmul.f32 v12, v14;
	v11 =	vmul.f32 v11, v13  }
0x1f2: {  	s7 =	simm.s32 $0x1  }
0x1f3: {  	s7 =	sand.u32 $0xD, s7;
	v11 =	vadd.f32 v11, v12  }
0x1f4: {  	v12 =	vmov s7  }
0x1f5: {  	v10 =	vperm.xlane v10, v12;
	[tilespmem:s1+$0xFFFFFFB0] =	vst v11  }
0x1f6: {  	v11 =	vld [tilespmem:s30+$0xFFFFFF80]  }
0x1f7: {  	v10 =	vadd.s32 $0xFFF85EE0, v10;
	v12 =	vld [tilespmem:s30+$0xFFFFFFC0]  }
0x1f8: {  	vm13 =	vgt.s32 v10, $0xFFFFFFFF  }
0x1f9: {  	v10 =	vsel vm13, $0x3F800000, v2  }
0x1fa: {  	v13 =	vsub.f32 $1.000000000e+00, v10;
	_ =	sdelay $0x1  }
0x1fb: {  	v11 =	vmul.f32 v13, v11;
	v12 =	vmul.f32 v10, v12;
	_ =	sdelay $0x1  }
0x1fc: {  	v11 =	vadd.f32 v11, v12;
	_ =	sdelay $0x1  }
0x1fd: {  	[tilespmem:s1+$0xFFFFFFC0] =	vst v11  }
0x1fe: {  	v11 =	vld [tilespmem:s30+$0xFFFFFF90]  }
0x1ff: {  	v12 =	vld [tilespmem:s30+$0xFFFFFFD0];
	_ =	sdelay $0x4  }
0x200: {  	v11 =	vmul.f32 v13, v11;
	v12 =	vmul.f32 v10, v12;
	_ =	sdelay $0x1  }
0x201: {  	v11 =	vadd.f32 v12, v11;
	_ =	sdelay $0x1  }
0x202: {  	[tilespmem:s1+$0xFFFFFFD0] =	vst v11  }
0x203: {  	v11 =	vld [tilespmem:s30+$0xFFFFFFA0]  }
0x204: {  	v12 =	vld [tilespmem:s30+$0xFFFFFFE0];
	_ =	sdelay $0x4  }
0x205: {  	v11 =	vmul.f32 v11, v13;
	v12 =	vmul.f32 v10, v12;
	_ =	sdelay $0x1  }
0x206: {  	v11 =	vadd.f32 v12, v11;
	_ =	sdelay $0x1  }
0x207: {  	[tilespmem:s1+$0xFFFFFFE0] =	vst v11  }
0x208: {  	v11 =	vld [tilespmem:s30+$0xFFFFFFB0]  }
0x209: {  	v12 =	vld [tilespmem:s30+$0xFFFFFFF0];
	_ =	sdelay $0x4  }
0x20a: {  	v11 =	vmul.f32 v11, v13;
	v10 =	vmul.f32 v10, v12;
	_ =	sdelay $0x1  }
0x20b: {  	v10 =	vadd.f32 v10, v11;
	_ =	sdelay $0x1  }
0x20c: {  	[tilespmem:s1+$0xFFFFFFF0] =	vst v10  }
0x20d: {  	v10 =	vld.idx.msk [tilespmem:v9+s0+$0x0 ss:$0x1], $0xffff;
	_ =	sdelay $0x1  }
0x20e: {  	s24 =	simm.s32 $0x2  }
0x20f: {  	s0 =	sand.u32 $0xE, s24  }
0x210: {  	v11 =	vmov s0  }
0x211: {  	v11 =	vperm.xlane v10, v11  }
0x212: {  	v12 =	vld [tilespmem:s30+$0x0]  }
0x213: {  	v13 =	vld [tilespmem:s30+$0x40];
	v11 =	vadd.s32 $0xFFF85EE0, v11  }
0x214: {  	vm14 =	vgt.s32 v11, $0xFFFFFFFF  }
0x215: {  	v11 =	vsel vm14, $0x3F800000, v2  }
0x216: {  	v14 =	vsub.f32 $1.000000000e+00, v11;
	_ =	sdelay $0x1  }
0x217: {  	v13 =	vmul.f32 v11, v13;
	v12 =	vmul.f32 v14, v12;
	_ =	sdelay $0x1  }
0x218: {  	v12 =	vadd.f32 v12, v13;
	_ =	sdelay $0x1  }
0x219: {  	[tilespmem:s1+$0x0] =	vst v12  }
0x21a: {  	v12 =	vld [tilespmem:s30+$0x10]  }
0x21b: {  	v13 =	vld [tilespmem:s30+$0x50];
	_ =	sdelay $0x4  }
0x21c: {  	v12 =	vmul.f32 v14, v12;
	v13 =	vmul.f32 v11, v13;
	_ =	sdelay $0x1  }
0x21d: {  	v12 =	vadd.f32 v13, v12;
	_ =	sdelay $0x1  }
0x21e: {  	[tilespmem:s1+$0x10] =	vst v12  }
0x21f: {  	v12 =	vld [tilespmem:s30+$0x20]  }
0x220: {  	v13 =	vld [tilespmem:s30+$0x60];
	_ =	sdelay $0x4  }
0x221: {  	v12 =	vmul.f32 v12, v14;
	v13 =	vmul.f32 v11, v13;
	_ =	sdelay $0x1  }
0x222: {  	v12 =	vadd.f32 v13, v12;
	_ =	sdelay $0x1  }
0x223: {  	[tilespmem:s1+$0x20] =	vst v12  }
0x224: {  	v12 =	vld [tilespmem:s30+$0x30]  }
0x225: {  	v13 =	vld [tilespmem:s30+$0x70];
	_ =	sdelay $0x4  }
0x226: {  	v12 =	vmul.f32 v12, v14;
	v11 =	vmul.f32 v11, v13;
	_ =	sdelay $0x1  }
0x227: {  	s31 =	simm.s32 $0x3;
	v11 =	vadd.f32 v11, v12  }
0x228: {  	v12 =	vmov s31  }
0x229: {  	v10 =	vperm.xlane v10, v12;
	[tilespmem:s1+$0x30] =	vst v11  }
0x22a: {  	v12 =	vld [tilespmem:s30+$0x80]  }
0x22b: {  	v10 =	vadd.s32 $0xFFF85EE0, v10;
	v13 =	vld [tilespmem:s30+$0xC0]  }
0x22c: {  	vm15 =	vgt.s32 v10, $0xFFFFFFFF  }
0x22d: {  	v10 =	vsel vm15, $0x3F800000, v2  }
0x22e: {  	v11 =	vsub.f32 $1.000000000e+00, v10;
	_ =	sdelay $0x1  }
0x22f: {  	v12 =	vmul.f32 v11, v12;
	v13 =	vmul.f32 v10, v13;
	_ =	sdelay $0x1  }
0x230: {  	v12 =	vadd.f32 v12, v13;
	_ =	sdelay $0x1  }
0x231: {  	[tilespmem:s1+$0x40] =	vst v12  }
0x232: {  	v12 =	vld [tilespmem:s30+$0x90]  }
0x233: {  	v13 =	vld [tilespmem:s30+$0xD0];
	_ =	sdelay $0x4  }
0x234: {  	v12 =	vmul.f32 v11, v12;
	v13 =	vmul.f32 v10, v13;
	_ =	sdelay $0x1  }
0x235: {  	v12 =	vadd.f32 v13, v12;
	_ =	sdelay $0x1  }
0x236: {  	[tilespmem:s1+$0x50] =	vst v12  }
0x237: {  	v12 =	vld [tilespmem:s30+$0xA0]  }
0x238: {  	v13 =	vld [tilespmem:s30+$0xE0];
	_ =	sdelay $0x3  }
0x239: {  	s10 =	simm.s32 $0xE520  }
0x23a: {  	s11 =	simm.s32 $0x0;
	s7 =	simm.s32 $0x82A0;
	s0 =	simm.s32 $0x0;
	v12 =	vmul.f32 v12, v11;
	v13 =	vmul.f32 v10, v13  }
.LBB2_9:
0x23b: {  	s0 =	sadd.s32 $0x2, s0;
	s29 =	sadd.s32 $0x10, s29;
	s11 =	sadd.s32 $0x4, s11  }
0x23c: {  	p0 =	slt.u32 s0, $0x62;
	v12 =	vadd.f32 v13, v12;
	_ =	sdelay $0x1  }
0x23d: {  	[tilespmem:s1+$0x60] =	vst v12  }
0x23e: {  	v12 =	vld [tilespmem:s30+$0xB0]  }
0x23f: {  	v13 =	vld [tilespmem:s30+$0xF0];
	s30 =	smov.u32 s7;
	_ =	sdelay $0x3  }
0x240: {  	v11 =	vmul.f32 v12, v11  }
0x241: {  	v10 =	vmul.f32 v10, v13;
	_ =	sdelay $0x1  }
0x242: {  	v10 =	vadd.f32 v10, v11  }
0x243: {  	s13 =	sand.u32 $0x3C0, s29  }
0x244: {  	s13 =	sshrl.u32 s13, $0x2;
	[tilespmem:s1+$0x70] =	vst v10;
	s1 =	smov.u32 s10  }
0x245: {  	v10 =	vld.idx.msk [tilespmem:v9+s13+$0x0 ss:$0x1], $0xffff;
	_ =	sdelay $0x2  }
0x246: {  	s14 =	sadd.s32 $0x1, s11  }
0x247: {  	s16 =	sand.u32 $0xC, s11;
	s14 =	sand.u32 $0xD, s14  }
0x248: {  	v12 =	vmov s14;
	v11 =	vmov s16  }
0x249: {  	v11 =	vperm.xlane v10, v11;
	v10 =	vperm.xlane v10, v12  }
0x24a: {  	v12 =	vld [tilespmem:s7+$0xFFFFFF40]  }
0x24b: {  	v11 =	vadd.s32 $0xFFF85EE0, v11;
	v10 =	vadd.s32 $0xFFF85EE0, v10;
	v13 =	vld [tilespmem:s7+$0xFFFFFF00]  }
0x24c: {  	vm1 =	vgt.s32 v11, $0xFFFFFFFF;
	vm0 =	vgt.s32 v10, $0xFFFFFFFF  }
0x24d: {  	v10 =	vsel vm1, $0x3F800000, v2  }
0x24e: {  	v11 =	vsub.f32 $1.000000000e+00, v10;
	_ =	sdelay $0x1  }
0x24f: {  	v12 =	vmul.f32 v10, v12;
	v13 =	vmul.f32 v11, v13;
	_ =	sdelay $0x1  }
0x250: {  	v12 =	vadd.f32 v13, v12;
	_ =	sdelay $0x1  }
0x251: {  	[tilespmem:s10+$0xFFFFFF80] =	vst v12  }
0x252: {  	v12 =	vld [tilespmem:s7+$0xFFFFFF10]  }
0x253: {  	v13 =	vld [tilespmem:s7+$0xFFFFFF50];
	_ =	sdelay $0x3  }
0x254: {  	v12 =	vmul.f32 v11, v12  }
0x255: {  	v13 =	vmul.f32 v10, v13;
	_ =	sdelay $0x1  }
0x256: {  	v12 =	vadd.f32 v13, v12;
	_ =	sdelay $0x1  }
0x257: {  	[tilespmem:s10+$0xFFFFFF90] =	vst v12  }
0x258: {  	v12 =	vld [tilespmem:s7+$0xFFFFFF20]  }
0x259: {  	v13 =	vld [tilespmem:s7+$0xFFFFFF60];
	_ =	sdelay $0x3  }
0x25a: {  	v12 =	vmul.f32 v12, v11  }
0x25b: {  	v13 =	vmul.f32 v10, v13;
	_ =	sdelay $0x1  }
0x25c: {  	v12 =	vadd.f32 v13, v12;
	_ =	sdelay $0x1  }
0x25d: {  	[tilespmem:s10+$0xFFFFFFA0] =	vst v12  }
0x25e: {  	v12 =	vld [tilespmem:s7+$0xFFFFFF30]  }
0x25f: {  	v13 =	vld [tilespmem:s7+$0xFFFFFF70];
	_ =	sdelay $0x3  }
0x260: {  	v11 =	vmul.f32 v12, v11  }
0x261: {  	v10 =	vmul.f32 v10, v13;
	_ =	sdelay $0x1  }
0x262: {  	v10 =	vadd.f32 v10, v11;
	_ =	sdelay $0x1  }
0x263: {  	[tilespmem:s10+$0xFFFFFFB0] =	vst v10;
	v10 =	vsel vm0, $0x3F800000, v2  }
0x264: {  	v11 =	vsub.f32 $1.000000000e+00, v10;
	v12 =	vld [tilespmem:s7+$0xFFFFFF80]  }
0x265: {  	v13 =	vld [tilespmem:s7+$0xFFFFFFC0];
	_ =	sdelay $0x3  }
0x266: {  	v12 =	vmul.f32 v11, v12  }
0x267: {  	v13 =	vmul.f32 v10, v13;
	_ =	sdelay $0x1  }
0x268: {  	v12 =	vadd.f32 v12, v13;
	_ =	sdelay $0x1  }
0x269: {  	[tilespmem:s10+$0xFFFFFFC0] =	vst v12  }
0x26a: {  	v12 =	vld [tilespmem:s7+$0xFFFFFF90]  }
0x26b: {  	v13 =	vld [tilespmem:s7+$0xFFFFFFD0];
	_ =	sdelay $0x3  }
0x26c: {  	v12 =	vmul.f32 v11, v12  }
0x26d: {  	v13 =	vmul.f32 v10, v13;
	_ =	sdelay $0x1  }
0x26e: {  	v12 =	vadd.f32 v13, v12;
	_ =	sdelay $0x1  }
0x26f: {  	[tilespmem:s10+$0xFFFFFFD0] =	vst v12  }
0x270: {  	v12 =	vld [tilespmem:s7+$0xFFFFFFA0]  }
0x271: {  	v13 =	vld [tilespmem:s7+$0xFFFFFFE0];
	_ =	sdelay $0x3  }
0x272: {  	v12 =	vmul.f32 v12, v11  }
0x273: {  	v13 =	vmul.f32 v10, v13;
	_ =	sdelay $0x1  }
0x274: {  	v12 =	vadd.f32 v13, v12;
	_ =	sdelay $0x1  }
0x275: {  	[tilespmem:s10+$0xFFFFFFE0] =	vst v12  }
0x276: {  	v12 =	vld [tilespmem:s7+$0xFFFFFFB0]  }
0x277: {  	v13 =	vld [tilespmem:s7+$0xFFFFFFF0];
	_ =	sdelay $0x3  }
0x278: {  	v11 =	vmul.f32 v12, v11  }
0x279: {  	v10 =	vmul.f32 v10, v13  }
0x27a: {  	s14 =	sadd.s32 $0x2, s11  }
0x27b: {  	s14 =	sand.u32 $0xE, s14;
	v10 =	vadd.f32 v10, v11  }
0x27c: {  	v11 =	vmov s14  }
0x27d: {  	[tilespmem:s10+$0xFFFFFFF0] =	vst v10  }
0x27e: {  	v10 =	vld.idx.msk [tilespmem:v9+s13+$0x0 ss:$0x1], $0xffff  }
0x27f: {  	v12 =	vld [tilespmem:s7+$0x0];
	_ =	sdelay $0x2  }
0x280: {  	s13 =	sadd.s32 $0x3, s11  }
0x281: {  	v13 =	vmov s13  }
0x282: {  	v11 =	vperm.xlane v10, v11;
	v10 =	vperm.xlane v10, v13;
	v14 =	vld [tilespmem:s7+$0x40];
	_ =	sdelay $0x1  }
0x283: {  	v11 =	vadd.s32 $0xFFF85EE0, v11;
	v10 =	vadd.s32 $0xFFF85EE0, v10  }
0x284: {  	vm1 =	vgt.s32 v11, $0xFFFFFFFF;
	vm0 =	vgt.s32 v10, $0xFFFFFFFF  }
0x285: {  	v13 =	vsel vm1, $0x3F800000, v2  }
0x286: {  	v15 =	vsub.f32 $1.000000000e+00, v13;
	v10 =	vmul.f32 v13, v14;
	_ =	sdelay $0x1  }
0x287: {  	v11 =	vmul.f32 v15, v12;
	_ =	sdelay $0x1  }
0x288: {  	v10 =	vadd.f32 v11, v10;
	_ =	sdelay $0x1  }
0x289: {  	[tilespmem:s10+$0x0] =	vst v10  }
0x28a: {  	v10 =	vld [tilespmem:s7+$0x10]  }
0x28b: {  	v11 =	vld [tilespmem:s7+$0x50];
	_ =	sdelay $0x3  }
0x28c: {  	v10 =	vmul.f32 v15, v10  }
0x28d: {  	v11 =	vmul.f32 v13, v11;
	_ =	sdelay $0x1  }
0x28e: {  	v10 =	vadd.f32 v11, v10;
	_ =	sdelay $0x1  }
0x28f: {  	[tilespmem:s10+$0x10] =	vst v10  }
0x290: {  	v10 =	vld [tilespmem:s7+$0x20]  }
0x291: {  	v11 =	vld [tilespmem:s7+$0x60];
	_ =	sdelay $0x3  }
0x292: {  	v10 =	vmul.f32 v10, v15  }
0x293: {  	v11 =	vmul.f32 v13, v11;
	_ =	sdelay $0x1  }
0x294: {  	v10 =	vadd.f32 v11, v10;
	_ =	sdelay $0x1  }
0x295: {  	[tilespmem:s10+$0x20] =	vst v10  }
0x296: {  	v12 =	vld [tilespmem:s7+$0x30]  }
0x297: {  	v14 =	vld [tilespmem:s7+$0x70];
	_ =	sdelay $0x1  }
0x298: {  	v10 =	vsel vm0, $0x3F800000, v2  }
0x299: {  	v11 =	vsub.f32 $1.000000000e+00, v10  }
0x29a: {  	v12 =	vmul.f32 v12, v15  }
0x29b: {  	v13 =	vmul.f32 v13, v14;
	_ =	sdelay $0x1  }
0x29c: {  	v12 =	vadd.f32 v13, v12;
	_ =	sdelay $0x1  }
0x29d: {  	[tilespmem:s10+$0x30] =	vst v12  }
0x29e: {  	v12 =	vld [tilespmem:s7+$0x80]  }
0x29f: {  	v13 =	vld [tilespmem:s7+$0xC0];
	_ =	sdelay $0x3  }
0x2a0: {  	v12 =	vmul.f32 v11, v12  }
0x2a1: {  	v13 =	vmul.f32 v10, v13;
	_ =	sdelay $0x1  }
0x2a2: {  	v12 =	vadd.f32 v12, v13;
	_ =	sdelay $0x1  }
0x2a3: {  	[tilespmem:s10+$0x40] =	vst v12  }
0x2a4: {  	v12 =	vld [tilespmem:s7+$0x90]  }
0x2a5: {  	v13 =	vld [tilespmem:s7+$0xD0];
	_ =	sdelay $0x3  }
0x2a6: {  	v12 =	vmul.f32 v11, v12  }
0x2a7: {  	v13 =	vmul.f32 v10, v13;
	_ =	sdelay $0x1  }
0x2a8: {  	v12 =	vadd.f32 v13, v12;
	_ =	sdelay $0x1  }
0x2a9: {  	[tilespmem:s10+$0x50] =	vst v12  }
0x2aa: {  	v12 =	vld [tilespmem:s7+$0xA0]  }
0x2ab: {  	v13 =	vld [tilespmem:s7+$0xE0]  }
.Ltmp3:
0x2ac: {  	(pc) =	sbr.rel @p0 .LBB2_9-.Ltmp3, $3  }
0x2ad: {  	_ =	sdelay $0x1  }
0x2ae: {  	v12 =	vmul.f32 v12, v11  }
0x2af: {  	s10 =	sadd.s32 $0x100, s10;
	s7 =	sadd.s32 $0x200, s7;
	v13 =	vmul.f32 v10, v13  }
0x2b0: {  	_ = 	snop  }
0x2b1: {  	v9 =	vadd.f32 v13, v12;
	_ =	sdelay $0x1  }
0x2b2: {  	[tilespmem:s1+$0x60] =	vst v9  }
0x2b3: {  	v9 =	vld [tilespmem:s30+$0xB0]  }
0x2b4: {  	v63 =	vld [tilespmem:s30+$0xF0];
	_ =	sdelay $0x4  }
0x2b5: {  	v9 =	vmul.f32 v9, v11;
	v10 =	vmul.f32 v10, v63;
	_ =	sdelay $0x1  }
0x2b6: {  	v9 =	vadd.f32 v10, v9  }
0x2b7: {  	s0 =	sor.u32 s3, s28  }
0x2b8: {  	[tilespmem:s1+$0x70] =	vst v9;
	v9 =	vor.u32 s0, v0  }
0x2b9: {  	[tilespmem:$0x11BA0] =	vst v9;
	v9 =	vor.u32 s0, v3  }
0x2ba: {  	[tilespmem:$0x11BB0] =	vst v9;
	v9 =	vor.u32 s0, v4  }
0x2bb: {  	[tilespmem:$0x11BC0] =	vst v9;
	v9 =	vor.u32 s0, v5  }
0x2bc: {  	[tilespmem:$0x11BD0] =	vst v9;
	v9 =	vor.u32 s0, v6  }
0x2bd: {  	s26 =	sadd.s32 $0x1, s26;
	[tilespmem:$0x11BE0] =	vst v9;
	v9 =	vor.u32 s0, v7  }
0x2be: {  	p0 =	sne.s32 s26, $0x10;
	[tilespmem:$0x11BF0] =	vst v9;
	v9 =	vor.u32 s0, v8  }
.Ltmp4:
0x2bf: {  	[tilespmem:$0x11C00] =	vst v9;
	(pc) =	sbr.rel @p0 .LBB2_4-.Ltmp4, $4  }
0x2c0: {  	[hbm4b:s5+s20] =	stream.indirect.scatter [tilespmem:s22], [sflag:$0x3], $0x80, s21, s20, $0xb8;
	[tilespmem:$0x11C10] =	vst v63  }
0x2c1: {  	_ =	swait.ge [sflag:s8], $0x3800  }
0x2c2: {  	[sflag:s8] =	ssyncset.done $0x0  }
0x2c3: {  	[sflag:s8] =	ssyncadd.s32 $0xFFFFC800  }
0x2c4: {  	s1 =	rddreg [dreg:$0x4]  }
0x2c5: {  	s0 =	rddreg [dreg:$0x3];
	s1 =	sadd.s32 $0x1, s1  }
0x2c6: {  	p0 =	sne.s32 s1, s0  }
.Ltmp5:
0x2c7: {  	_ = 	snop;
	(pc) =	sbr.rel @p0 .LBB2_1-.Ltmp5, $1  }
0x2c8: {  	_ =	sdelay $0x3  }
0x2c9: {  	_ =	sfence.sel $0x180000  }
0x2ca: {  	[bflag:$0x0] =	sbarrier.arrive $0xFFFF  }
0x2cb: {  	_ =	strace $0x90000047  }
0x2cc: {  	s0 =	stileid.u32;
	[bflag:$0x2] =	sbarrier.arrive $0xFFFF  }
0x2cd: {  	p0 =	sne.s32 s0, $0x0;
	s0 =	rddreg [dreg:$0x2]  }
0x2ce: {  	s0 =	sadd.s32 @!p0 $0x100000, s0  }
0x2cf: {  	[sflag:s0] =	ssyncadd.tile.s32 @!p0 $0x1;
	_ =	shalt  }
.Lfunc_end2:
_tile_overlayer_lowered:
.L_overlay_start_2:
0x2d0: {  	(tag) =	ssettag $0x2  }
0x2d1: {  	s0 =	rddreg [dreg:$0x0];
	s2 =	stileid.u32  }
0x2d2: {  	s1 =	rddreg [dreg:$0x1];
	p0 =	sne.s32 s2, $0x0  }
0x2d3: {  	s3 =	rddreg [dreg:$0x2];
	[bflag:$0x3] =	sbarrier.arrive $0xFFFF;
	s2 =	simm.s32 @!p0 $0x1C03  }
0x2d4: {  	[timem:s3], [sflag:s2] =	dma.local @!p0 [hbm:s0], s1  }
0x2d5: {  	s0 =	simm.s32 @!p0 $0x3  }
0x2d6: {  	_ =	swait.ge @!p0 [sflag:s0], s1  }
0x2d7: {  	s1 =	ssub.s32 @!p0 $0x0, s1;
	[sflag:s0] =	ssyncset.done @!p0 $0x0  }
0x2d8: {  	[sflag:s0] =	ssyncadd.s32 @!p0 s1  }
0x2d9: {  	[bflag:$0x3] =	sbarrier.arrive $0xFFFF  }
0x2da: {  	_ =	shalt  }

</sc_bundles>
